<compile_context>
chip_gen: v7x
topology: tpu7x:2x2x1
jax: 0.10.2.dev20260603
libtpu: 0.0.44.dev20260713+nightly
codegen_flags: <defaults>
</compile_context>

<pallas_src>
import jax
import jax.numpy as jnp
from jax import lax
from jax.experimental import pallas as pl
from jax.experimental.pallas import tpu as pltpu
from jax.experimental.pallas import tpu_sc as plsc

N_NODES = 10000
N_EDGES = 320000
IN_CH = 128
HID = 64
OUT_CH = 128

NC = 2
NS = 16
NW = NC * NS

CHUNK = 128
EPT = 10240
E_PAD = EPT * NW
NCHUNKS = E_PAD // CHUNK
CPT1 = NCHUNKS // NW
CPT2 = NCHUNKS // NS
N_PAD = 10112
ROWS_PER_TILE = N_PAD // NS
D = 64
NBUF = 4


def _sc_mesh():
  return plsc.VectorSubcoreMesh(core_axis_name="c", subcore_axis_name="s")


def _zero_table_and_preload(zrows_hbm, zrows_v, table_sh, s, psem, copies):
  del psem
  pltpu.sync_copy(zrows_hbm, zrows_v)
  row0 = s * ROWS_PER_TILE
  for z0 in (0, 128, 256, 384):
    pltpu.sync_copy(zrows_v, table_sh.at[pl.ds(row0 + z0, 128)])
  pltpu.sync_copy(zrows_v.at[pl.ds(0, ROWS_PER_TILE - 512)],
                  table_sh.at[pl.ds(row0 + 512, ROWS_PER_TILE - 512)])
  for src, dst in copies:
    pltpu.sync_copy(src, dst)
  return row0


def _deg_body(dstc_hbm, ones_hbm, zrows_hbm, out_hbm,
              idx_v, ones_v, zrows_v, table_sh, psem, ssem, osem):
  c = lax.axis_index("c")
  s = lax.axis_index("s")
  wid = s * NC + c

  row0 = _zero_table_and_preload(
      zrows_hbm, zrows_v, table_sh, s, psem,
      [(ones_hbm, ones_v),
       (dstc_hbm.at[pl.ds(wid * CPT1, CPT1)], idx_v)])
  plsc.subcore_barrier()

  @pl.loop(0, CPT1)
  def _fire(k):
    pltpu.async_copy(ones_v, table_sh.at[idx_v.at[k]], ssem, add=True).wait()

  plsc.subcore_barrier()

  pltpu.async_copy(
      table_sh.at[pl.ds(row0, ROWS_PER_TILE)],
      out_hbm.at[c, pl.ds(row0, ROWS_PER_TILE)],
      osem,
  ).wait()


def _deg_pass(dstc, ones, zrows):
  kfn = pl.kernel(
      _deg_body,
      out_type=jax.ShapeDtypeStruct((NC, N_PAD, 8), jnp.float32),
      mesh=_sc_mesh(),
      scratch_types=[
          pltpu.VMEM((CPT1, CHUNK), jnp.int32),
          pltpu.VMEM((CHUNK, 8), jnp.float32),
          pltpu.VMEM((128, 8), jnp.float32),
          pltpu.VMEM_SHARED((N_PAD, 8), jnp.float32),
          pltpu.SemaphoreType.DMA,
          pltpu.SemaphoreType.DMA,
          pltpu.SemaphoreType.DMA,
      ],
      compiler_params=pltpu.CompilerParams(use_tc_tiling_on_sc=False),
  )
  return kfn(dstc, ones, zrows)


def _edge_loop(ys_ref, src_v, dst_v, rows_v, table_sh, gsems, ssems, cpt):
  def gather(k, b):
    pltpu.async_copy(ys_ref.at[src_v.at[k]], rows_v.at[b], gsems[b])

  def wait_gather(k, b):
    pltpu.make_async_copy(ys_ref.at[src_v.at[k]], rows_v.at[b],
                          gsems[b]).wait()

  def scatter(k, b):
    pltpu.async_copy(rows_v.at[b], table_sh.at[dst_v.at[k]], ssems[b],
                     add=True)

  def wait_scatter(k, b):
    pltpu.make_async_copy(rows_v.at[b], table_sh.at[dst_v.at[k]],
                          ssems[b]).wait()

  gather(0, 0)
  gather(1, 1)

  @pl.loop(0, cpt, step=NBUF)
  def _chunks(k0):
    for b in range(NBUF):
      k = k0 + b
      bp2 = (b + 2) % NBUF

      @pl.when(k >= 2)
      def _wait_prev_scatter():
        wait_scatter(k - 2, bp2)

      @pl.when(k + 2 < cpt)
      def _prefetch():
        gather(k + 2, bp2)

      wait_gather(k, b)
      scatter(k, b)

  wait_scatter(cpt - 2, (cpt - 2) % NBUF)
  wait_scatter(cpt - 1, (cpt - 1) % NBUF)


def _edge1_body(ys_hbm, srcc_hbm, dstc_hbm, zrows_hbm, out_hbm,
                src_v, dst_v, rows_v, zrows_v, table_sh,
                g0, g1, g2, g3, s0, s1, s2, s3, psem, osem):
  c = lax.axis_index("c")
  s = lax.axis_index("s")
  wid = s * NC + c

  row0 = _zero_table_and_preload(
      zrows_hbm, zrows_v, table_sh, s, psem,
      [(srcc_hbm.at[pl.ds(wid * CPT1, CPT1)], src_v),
       (dstc_hbm.at[pl.ds(wid * CPT1, CPT1)], dst_v)])
  plsc.subcore_barrier()

  _edge_loop(ys_hbm, src_v, dst_v, rows_v, table_sh,
             (g0, g1, g2, g3), (s0, s1, s2, s3), CPT1)
  plsc.subcore_barrier()

  pltpu.async_copy(
      table_sh.at[pl.ds(row0, ROWS_PER_TILE)],
      out_hbm.at[c, pl.ds(row0, ROWS_PER_TILE)],
      osem,
  ).wait()


def _edge_pass1(ys_pad, srcc, dstc, zrows):
  kfn = pl.kernel(
      _edge1_body,
      out_type=jax.ShapeDtypeStruct((NC, N_PAD, D), jnp.float32),
      mesh=_sc_mesh(),
      scratch_types=[
          pltpu.VMEM((CPT1, CHUNK), jnp.int32),
          pltpu.VMEM((CPT1, CHUNK), jnp.int32),
          pltpu.VMEM((NBUF, CHUNK, D), jnp.float32),
          pltpu.VMEM((128, D), jnp.float32),
          pltpu.VMEM_SHARED((N_PAD, D), jnp.float32),
      ] + [pltpu.SemaphoreType.DMA] * 10,
      compiler_params=pltpu.CompilerParams(use_tc_tiling_on_sc=False),
  )
  return kfn(ys_pad, srcc, dstc, zrows)


def _edge2_body(ys3_hbm, srcc_hbm, dstc_hbm, zrows_hbm, out_hbm,
                src_v, dst_v, rows_v, zrows_v, table_sh,
                g0, g1, g2, g3, s0, s1, s2, s3, psem, osem):
  c = lax.axis_index("c")
  s = lax.axis_index("s")

  row0 = _zero_table_and_preload(
      zrows_hbm, zrows_v, table_sh, s, psem,
      [(srcc_hbm.at[pl.ds(s * CPT2, CPT2)], src_v),
       (dstc_hbm.at[pl.ds(s * CPT2, CPT2)], dst_v)])
  plsc.subcore_barrier()

  _edge_loop(ys3_hbm.at[c], src_v, dst_v, rows_v, table_sh,
             (g0, g1, g2, g3), (s0, s1, s2, s3), CPT2)
  plsc.subcore_barrier()

  pltpu.async_copy(
      table_sh.at[pl.ds(row0, ROWS_PER_TILE)],
      out_hbm.at[c, pl.ds(row0, ROWS_PER_TILE)],
      osem,
  ).wait()


def _edge_pass2(ys3, srcc, dstc, zrows):
  kfn = pl.kernel(
      _edge2_body,
      out_type=jax.ShapeDtypeStruct((NC, N_PAD, D), jnp.float32),
      mesh=_sc_mesh(),
      scratch_types=[
          pltpu.VMEM((CPT2, CHUNK), jnp.int32),
          pltpu.VMEM((CPT2, CHUNK), jnp.int32),
          pltpu.VMEM((NBUF, CHUNK, D), jnp.float32),
          pltpu.VMEM((128, D), jnp.float32),
          pltpu.VMEM_SHARED((N_PAD, D), jnp.float32),
      ] + [pltpu.SemaphoreType.DMA] * 10,
      compiler_params=pltpu.CompilerParams(use_tc_tiling_on_sc=False),
  )
  return kfn(ys3, srcc, dstc, zrows)


def _tc_scale_matmul_body(degp_ref, x_ref, w_ref, ys_ref, dinv_ref):
  deg = degp_ref[0] + degp_ref[1] + 1.0
  dinv = lax.rsqrt(deg)
  dinv_ref[...] = dinv
  xw = jnp.dot(x_ref[...], w_ref[...], preferred_element_type=jnp.float32)
  ys_ref[...] = xw * dinv


def _tc_scale_matmul(degp, x_pad, w):
  d_out = w.shape[1]
  deg_cols = degp[:, :, 0:1]
  return pl.pallas_call(
      _tc_scale_matmul_body,
      out_shape=(
          jax.ShapeDtypeStruct((N_PAD, d_out), jnp.float32),
          jax.ShapeDtypeStruct((N_PAD, 1), jnp.float32),
      ),
  )(deg_cols, x_pad, w)


def _tc_layer1_finish_body(p_ref, ys_ref, dinv_ref, b_ref, w2_ref, ys3_ref):
  agg = p_ref[0] + p_ref[1] + ys_ref[...]
  h = jnp.maximum(agg * dinv_ref[...] + b_ref[...], 0.0)
  hw = jnp.dot(h, w2_ref[...], preferred_element_type=jnp.float32)
  ys2 = hw * dinv_ref[...]
  ys3_ref[0] = ys2[:, :D]
  ys3_ref[1] = ys2[:, D:]


def _tc_layer1_finish(partials, ys1, dinv, b1, w2):
  return pl.pallas_call(
      _tc_layer1_finish_body,
      out_shape=jax.ShapeDtypeStruct((NC, N_PAD, D), jnp.float32),
  )(partials, ys1, dinv, b1.reshape(1, HID), w2)


def _tc_layer2_finish_body(p_ref, ys3_ref, dinv_ref, b_ref, out_ref):
  agga = p_ref[0] + ys3_ref[0]
  aggb = p_ref[1] + ys3_ref[1]
  out_ref[:, :D] = agga * dinv_ref[...] + b_ref[:, :D]
  out_ref[:, D:] = aggb * dinv_ref[...] + b_ref[:, D:]


def _tc_layer2_finish(p2, ys3, dinv, b2):
  return pl.pallas_call(
      _tc_layer2_finish_body,
      out_shape=jax.ShapeDtypeStruct((N_PAD, OUT_CH), jnp.float32),
  )(p2, ys3, dinv, b2.reshape(1, OUT_CH))


def _gcn_block(x, edge_index, W1, b1, W2, b2):
  src = edge_index[0].astype(jnp.int32)
  dst = edge_index[1].astype(jnp.int32)
  npad_e = E_PAD - N_EDGES
  pad_idx = N_NODES + (jnp.arange(npad_e, dtype=jnp.int32) % (N_PAD - N_NODES))
  both = jnp.concatenate(
      [jnp.stack([src, dst]), jnp.stack([pad_idx, pad_idx])], axis=1)
  srcc = both[0].reshape(NCHUNKS, CHUNK)
  dstc = both[1].reshape(NCHUNKS, CHUNK)

  x_pad = jnp.zeros((N_PAD, IN_CH), x.dtype).at[:N_NODES].set(x)

  ones = jnp.ones((CHUNK, 8), jnp.float32)
  zrows8 = jnp.zeros((128, 8), jnp.float32)
  zrows_d = jnp.zeros((128, D), jnp.float32)

  degp = _deg_pass(dstc, ones, zrows8)

  ys1, dinv = _tc_scale_matmul(degp, x_pad, W1)
  p1 = _edge_pass1(ys1, srcc, dstc, zrows_d)

  ys3 = _tc_layer1_finish(p1, ys1, dinv, b1, W2)
  p2 = _edge_pass2(ys3, srcc, dstc, zrows_d)

  out = _tc_layer2_finish(p2, ys3, dinv, b2)
  return out[:N_NODES]


def kernel(x, edge_index, W1, b1, W2, b2):
  return _gcn_block(x, edge_index, W1, b1, W2, b2)

# --- scband reference (transcript-rebuilt; emitter-appended) ---
"""Pipeline reference for scband-gcnblock-55121610277263 (READ-ONLY COPY).

The authoritative reference and input builder live on the scoring server;
editing this copy changes nothing except your own understanding.
"""

import jax, jax.numpy as jnp
import numpy as np

N_NODES = 10000
N_EDGES = 320000
IN_CH = 128
OUT_CH = 128
HID = OUT_CH // 2


def gcn_conv(x, edge_index, W, b):
    # Faithful GCNConv (PyG defaults): add self-loops, symmetric normalization,
    # linear transform, scatter-add aggregation at dst, then bias.
    N = x.shape[0]
    src = edge_index[0]
    dst = edge_index[1]
    loop = jnp.arange(N, dtype=src.dtype)
    src = jnp.concatenate([src, loop])
    dst = jnp.concatenate([dst, loop])
    deg = jnp.zeros((N,), dtype=x.dtype).at[dst].add(1.0)
    dinv = jnp.where(deg > 0, deg ** -0.5, 0.0)
    norm = dinv[src] * dinv[dst]
    xw = x @ W
    msg = xw[src] * norm[:, None]
    out = jnp.zeros((N, W.shape[1]), dtype=x.dtype).at[dst].add(msg)
    return out + b


def setup_inputs(seed: int = 0) -> dict:
    key = jax.random.key(seed)
    k1, k2, k3, k4, k5, k6 = jax.random.split(key, 6)
    x = jax.random.normal(k1, (N_NODES, IN_CH), dtype=jnp.float32)
    edge_index = jax.random.randint(k2, (2, N_EDGES), 0, N_NODES, dtype=jnp.int64)
    W1 = jax.random.normal(k3, (IN_CH, HID), dtype=jnp.float32) * (1.0 / np.sqrt(IN_CH))
    b1 = jnp.zeros((HID,), dtype=jnp.float32)
    W2 = jax.random.normal(k4, (HID, OUT_CH), dtype=jnp.float32) * (1.0 / np.sqrt(HID))
    b2 = jnp.zeros((OUT_CH,), dtype=jnp.float32)
    return {"x": x, "edge_index": edge_index, "W1": W1, "b1": b1, "W2": W2, "b2": b2}


def reference(x, edge_index, W1, b1, W2, b2):
    h = gcn_conv(x, edge_index, W1, b1)
    h = jax.nn.relu(h)
    out = gcn_conv(h, edge_index, W2, b2)
    return out

if __name__ == "__main__":
    import jax
    _d = setup_inputs()
    print(jax.jit(kernel)(*tuple(_d.values())))

</pallas_src>

<mosaic_0001>
#map = affine_map<(d0, d1) -> (0, 0, 0)>
#map1 = affine_map<(d0, d1) -> (0, 0)>
module attributes {stable_mosaic.version = 14 : i64} {
  func.func @_edge2_body(%arg0: i32, %arg1: i32, %arg2: memref<2x10112x64xf32, #tpu.memory_space<hbm>>, %arg3: memref<2560x128xi32, #tpu.memory_space<hbm>>, %arg4: memref<2560x128xi32, #tpu.memory_space<hbm>>, %arg5: memref<128x64xf32, #tpu.memory_space<hbm>>, %arg6: memref<2x10112x64xf32, #tpu.memory_space<hbm>>, %arg7: memref<160x128xi32, #tpu.memory_space<vmem>>, %arg8: memref<160x128xi32, #tpu.memory_space<vmem>>, %arg9: memref<4x128x64xf32, #tpu.memory_space<vmem>>, %arg10: memref<128x64xf32, #tpu.memory_space<vmem>>, %arg11: memref<10112x64xf32, #tpu.memory_space<vmem_shared>>, %arg12: memref<!tpu.dma_semaphore, #tpu.memory_space<semaphore_mem>>, %arg13: memref<!tpu.dma_semaphore, #tpu.memory_space<semaphore_mem>>, %arg14: memref<!tpu.dma_semaphore, #tpu.memory_space<semaphore_mem>>, %arg15: memref<!tpu.dma_semaphore, #tpu.memory_space<semaphore_mem>>, %arg16: memref<!tpu.dma_semaphore, #tpu.memory_space<semaphore_mem>>, %arg17: memref<!tpu.dma_semaphore, #tpu.memory_space<semaphore_mem>>, %arg18: memref<!tpu.dma_semaphore, #tpu.memory_space<semaphore_mem>>, %arg19: memref<!tpu.dma_semaphore, #tpu.memory_space<semaphore_mem>>, %arg20: memref<!tpu.dma_semaphore, #tpu.memory_space<semaphore_mem>>, %arg21: memref<!tpu.dma_semaphore, #tpu.memory_space<semaphore_mem>>) attributes {dimension_semantics = [#tpu.dimension_semantics<core_parallel>, #tpu.dimension_semantics<subcore_parallel>], iteration_bounds = array<i64: 2, 16>, scalar_prefetch = 0 : i64, scratch_operands = 15 : i64, tpu.core_type = #tpu.core_type<sc_vector_subcore>, window_params = [{transform_indices = #map}, {transform_indices = #map1}, {transform_indices = #map1}, {transform_indices = #map1}, {transform_indices = #map}]} {
    %mul3A = arith.constant 160 : i32
    %mul3A_0 = arith.muli %arg1, %mul3A : i32
    %mul3A_1 = arith.constant 160 : i32
    %mul3A_2 = arith.muli %arg1, %mul3A_1 : i32
    "tpu.region"() ({
      %run_scoped3A = tpu.sem_alloc : memref<!tpu.dma_semaphore, #tpu.memory_space<semaphore_mem>>
      tpu.enqueue_dma source(%arg5 : memref<128x64xf32, #tpu.memory_space<hbm>>) target(%arg10 : memref<128x64xf32, #tpu.memory_space<vmem>>) target_semaphore(%run_scoped3A : memref<!tpu.dma_semaphore, #tpu.memory_space<semaphore_mem>>)
      tpu.wait_dma2 semaphore(%run_scoped3A : memref<!tpu.dma_semaphore, #tpu.memory_space<semaphore_mem>>) src(%arg5 : memref<128x64xf32, #tpu.memory_space<hbm>>) dst(%arg10 : memref<128x64xf32, #tpu.memory_space<vmem>>)
      tpu.yield
    }) : () -> ()
    %mul3A_3 = arith.constant 632 : i32
    %mul3A_4 = arith.muli %arg1, %mul3A_3 : i32
    %add3A = arith.constant 0 : i32
    %add3A_5 = arith.addi %mul3A_4, %add3A : i32
    "tpu.region"() ({
      %run_scoped3A = tpu.sem_alloc : memref<!tpu.dma_semaphore, #tpu.memory_space<semaphore_mem>>
      %dma_start3A_83 = arith.constant 0 : i32
      %dma_start3A_84 = tpu.memref_slice %arg11[%add3A_5, %dma_start3A_83] : memref<10112x64xf32, #tpu.memory_space<vmem_shared>> -> memref<128x64xf32, #tpu.memory_space<vmem_shared>>
      %dma_start3A_85 = arith.constant 0 : i32
      %dma_start3A_86 = tpu.memref_slice %arg11[%add3A_5, %dma_start3A_85] : memref<10112x64xf32, #tpu.memory_space<vmem_shared>> -> memref<128x64xf32, #tpu.memory_space<vmem_shared>>
      tpu.enqueue_dma source(%arg10 : memref<128x64xf32, #tpu.memory_space<vmem>>) target(%dma_start3A_86 : memref<128x64xf32, #tpu.memory_space<vmem_shared>>) target_semaphore(%run_scoped3A : memref<!tpu.dma_semaphore, #tpu.memory_space<semaphore_mem>>)
      %dma_wait3A_87 = arith.constant 0 : i32
      %dma_wait3A_88 = tpu.memref_slice %arg11[%add3A_5, %dma_wait3A_87] : memref<10112x64xf32, #tpu.memory_space<vmem_shared>> -> memref<128x64xf32, #tpu.memory_space<vmem_shared>>
      %dma_wait3A_89 = arith.constant 0 : i32
      %dma_wait3A_90 = tpu.memref_slice %arg11[%add3A_5, %dma_wait3A_89] : memref<10112x64xf32, #tpu.memory_space<vmem_shared>> -> memref<128x64xf32, #tpu.memory_space<vmem_shared>>
      tpu.wait_dma2 semaphore(%run_scoped3A : memref<!tpu.dma_semaphore, #tpu.memory_space<semaphore_mem>>) src(%arg10 : memref<128x64xf32, #tpu.memory_space<vmem>>) dst(%dma_wait3A_90 : memref<128x64xf32, #tpu.memory_space<vmem_shared>>)
      tpu.yield
    }) : () -> ()
    %add3A_6 = arith.constant 128 : i32
    %add3A_7 = arith.addi %mul3A_4, %add3A_6 : i32
    "tpu.region"() ({
      %run_scoped3A = tpu.sem_alloc : memref<!tpu.dma_semaphore, #tpu.memory_space<semaphore_mem>>
      %dma_start3A_83 = arith.constant 0 : i32
      %dma_start3A_84 = tpu.memref_slice %arg11[%add3A_7, %dma_start3A_83] : memref<10112x64xf32, #tpu.memory_space<vmem_shared>> -> memref<128x64xf32, #tpu.memory_space<vmem_shared>>
      %dma_start3A_85 = arith.constant 0 : i32
      %dma_start3A_86 = tpu.memref_slice %arg11[%add3A_7, %dma_start3A_85] : memref<10112x64xf32, #tpu.memory_space<vmem_shared>> -> memref<128x64xf32, #tpu.memory_space<vmem_shared>>
      tpu.enqueue_dma source(%arg10 : memref<128x64xf32, #tpu.memory_space<vmem>>) target(%dma_start3A_86 : memref<128x64xf32, #tpu.memory_space<vmem_shared>>) target_semaphore(%run_scoped3A : memref<!tpu.dma_semaphore, #tpu.memory_space<semaphore_mem>>)
      %dma_wait3A_87 = arith.constant 0 : i32
      %dma_wait3A_88 = tpu.memref_slice %arg11[%add3A_7, %dma_wait3A_87] : memref<10112x64xf32, #tpu.memory_space<vmem_shared>> -> memref<128x64xf32, #tpu.memory_space<vmem_shared>>
      %dma_wait3A_89 = arith.constant 0 : i32
      %dma_wait3A_90 = tpu.memref_slice %arg11[%add3A_7, %dma_wait3A_89] : memref<10112x64xf32, #tpu.memory_space<vmem_shared>> -> memref<128x64xf32, #tpu.memory_space<vmem_shared>>
      tpu.wait_dma2 semaphore(%run_scoped3A : memref<!tpu.dma_semaphore, #tpu.memory_space<semaphore_mem>>) src(%arg10 : memref<128x64xf32, #tpu.memory_space<vmem>>) dst(%dma_wait3A_90 : memref<128x64xf32, #tpu.memory_space<vmem_shared>>)
      tpu.yield
    }) : () -> ()
    %add3A_8 = arith.constant 256 : i32
    %add3A_9 = arith.addi %mul3A_4, %add3A_8 : i32
    "tpu.region"() ({
      %run_scoped3A = tpu.sem_alloc : memref<!tpu.dma_semaphore, #tpu.memory_space<semaphore_mem>>
      %dma_start3A_83 = arith.constant 0 : i32
      %dma_start3A_84 = tpu.memref_slice %arg11[%add3A_9, %dma_start3A_83] : memref<10112x64xf32, #tpu.memory_space<vmem_shared>> -> memref<128x64xf32, #tpu.memory_space<vmem_shared>>
      %dma_start3A_85 = arith.constant 0 : i32
      %dma_start3A_86 = tpu.memref_slice %arg11[%add3A_9, %dma_start3A_85] : memref<10112x64xf32, #tpu.memory_space<vmem_shared>> -> memref<128x64xf32, #tpu.memory_space<vmem_shared>>
      tpu.enqueue_dma source(%arg10 : memref<128x64xf32, #tpu.memory_space<vmem>>) target(%dma_start3A_86 : memref<128x64xf32, #tpu.memory_space<vmem_shared>>) target_semaphore(%run_scoped3A : memref<!tpu.dma_semaphore, #tpu.memory_space<semaphore_mem>>)
      %dma_wait3A_87 = arith.constant 0 : i32
      %dma_wait3A_88 = tpu.memref_slice %arg11[%add3A_9, %dma_wait3A_87] : memref<10112x64xf32, #tpu.memory_space<vmem_shared>> -> memref<128x64xf32, #tpu.memory_space<vmem_shared>>
      %dma_wait3A_89 = arith.constant 0 : i32
      %dma_wait3A_90 = tpu.memref_slice %arg11[%add3A_9, %dma_wait3A_89] : memref<10112x64xf32, #tpu.memory_space<vmem_shared>> -> memref<128x64xf32, #tpu.memory_space<vmem_shared>>
      tpu.wait_dma2 semaphore(%run_scoped3A : memref<!tpu.dma_semaphore, #tpu.memory_space<semaphore_mem>>) src(%arg10 : memref<128x64xf32, #tpu.memory_space<vmem>>) dst(%dma_wait3A_90 : memref<128x64xf32, #tpu.memory_space<vmem_shared>>)
      tpu.yield
    }) : () -> ()
    %add3A_10 = arith.constant 384 : i32
    %add3A_11 = arith.addi %mul3A_4, %add3A_10 : i32
    "tpu.region"() ({
      %run_scoped3A = tpu.sem_alloc : memref<!tpu.dma_semaphore, #tpu.memory_space<semaphore_mem>>
      %dma_start3A_83 = arith.constant 0 : i32
      %dma_start3A_84 = tpu.memref_slice %arg11[%add3A_11, %dma_start3A_83] : memref<10112x64xf32, #tpu.memory_space<vmem_shared>> -> memref<128x64xf32, #tpu.memory_space<vmem_shared>>
      %dma_start3A_85 = arith.constant 0 : i32
      %dma_start3A_86 = tpu.memref_slice %arg11[%add3A_11, %dma_start3A_85] : memref<10112x64xf32, #tpu.memory_space<vmem_shared>> -> memref<128x64xf32, #tpu.memory_space<vmem_shared>>
      tpu.enqueue_dma source(%arg10 : memref<128x64xf32, #tpu.memory_space<vmem>>) target(%dma_start3A_86 : memref<128x64xf32, #tpu.memory_space<vmem_shared>>) target_semaphore(%run_scoped3A : memref<!tpu.dma_semaphore, #tpu.memory_space<semaphore_mem>>)
      %dma_wait3A_87 = arith.constant 0 : i32
      %dma_wait3A_88 = tpu.memref_slice %arg11[%add3A_11, %dma_wait3A_87] : memref<10112x64xf32, #tpu.memory_space<vmem_shared>> -> memref<128x64xf32, #tpu.memory_space<vmem_shared>>
      %dma_wait3A_89 = arith.constant 0 : i32
      %dma_wait3A_90 = tpu.memref_slice %arg11[%add3A_11, %dma_wait3A_89] : memref<10112x64xf32, #tpu.memory_space<vmem_shared>> -> memref<128x64xf32, #tpu.memory_space<vmem_shared>>
      tpu.wait_dma2 semaphore(%run_scoped3A : memref<!tpu.dma_semaphore, #tpu.memory_space<semaphore_mem>>) src(%arg10 : memref<128x64xf32, #tpu.memory_space<vmem>>) dst(%dma_wait3A_90 : memref<128x64xf32, #tpu.memory_space<vmem_shared>>)
      tpu.yield
    }) : () -> ()
    %add3A_12 = arith.constant 512 : i32
    %add3A_13 = arith.addi %mul3A_4, %add3A_12 : i32
    "tpu.region"() ({
      %run_scoped3A = tpu.sem_alloc : memref<!tpu.dma_semaphore, #tpu.memory_space<semaphore_mem>>
      %dma_start3A_83 = arith.constant 0 : i32
      %dma_start3A_84 = arith.constant 0 : i32
      %dma_start3A_85 = tpu.memref_slice %arg10[%dma_start3A_83, %dma_start3A_84] : memref<128x64xf32, #tpu.memory_space<vmem>> -> memref<120x64xf32, #tpu.memory_space<vmem>>
      %dma_start3A_86 = arith.constant 0 : i32
      %dma_start3A_87 = tpu.memref_slice %arg11[%add3A_13, %dma_start3A_86] : memref<10112x64xf32, #tpu.memory_space<vmem_shared>> -> memref<120x64xf32, #tpu.memory_space<vmem_shared>>
      %dma_start3A_88 = arith.constant 0 : i32
      %dma_start3A_89 = tpu.memref_slice %arg11[%add3A_13, %dma_start3A_88] : memref<10112x64xf32, #tpu.memory_space<vmem_shared>> -> memref<120x64xf32, #tpu.memory_space<vmem_shared>>
      %dma_start3A_90 = arith.constant 0 : i32
      %dma_start3A_91 = arith.constant 0 : i32
      %dma_start3A_92 = tpu.memref_slice %arg10[%dma_start3A_90, %dma_start3A_91] : memref<128x64xf32, #tpu.memory_space<vmem>> -> memref<120x64xf32, #tpu.memory_space<vmem>>
      tpu.enqueue_dma source(%dma_start3A_92 : memref<120x64xf32, #tpu.memory_space<vmem>>) target(%dma_start3A_89 : memref<120x64xf32, #tpu.memory_space<vmem_shared>>) target_semaphore(%run_scoped3A : memref<!tpu.dma_semaphore, #tpu.memory_space<semaphore_mem>>)
      %dma_wait3A_93 = arith.constant 0 : i32
      %dma_wait3A_94 = arith.constant 0 : i32
      %dma_wait3A_95 = tpu.memref_slice %arg10[%dma_wait3A_93, %dma_wait3A_94] : memref<128x64xf32, #tpu.memory_space<vmem>> -> memref<120x64xf32, #tpu.memory_space<vmem>>
      %dma_wait3A_96 = arith.constant 0 : i32
      %dma_wait3A_97 = tpu.memref_slice %arg11[%add3A_13, %dma_wait3A_96] : memref<10112x64xf32, #tpu.memory_space<vmem_shared>> -> memref<120x64xf32, #tpu.memory_space<vmem_shared>>
      %dma_wait3A_98 = arith.constant 0 : i32
      %dma_wait3A_99 = tpu.memref_slice %arg11[%add3A_13, %dma_wait3A_98] : memref<10112x64xf32, #tpu.memory_space<vmem_shared>> -> memref<120x64xf32, #tpu.memory_space<vmem_shared>>
      %dma_wait3A_100 = arith.constant 0 : i32
      %dma_wait3A_101 = arith.constant 0 : i32
      %dma_wait3A_102 = tpu.memref_slice %arg10[%dma_wait3A_100, %dma_wait3A_101] : memref<128x64xf32, #tpu.memory_space<vmem>> -> memref<120x64xf32, #tpu.memory_space<vmem>>
      tpu.wait_dma2 semaphore(%run_scoped3A : memref<!tpu.dma_semaphore, #tpu.memory_space<semaphore_mem>>) src(%dma_wait3A_102 : memref<120x64xf32, #tpu.memory_space<vmem>>) dst(%dma_wait3A_99 : memref<120x64xf32, #tpu.memory_space<vmem_shared>>)
      tpu.yield
    }) : () -> ()
    "tpu.region"() ({
      %run_scoped3A = tpu.sem_alloc : memref<!tpu.dma_semaphore, #tpu.memory_space<semaphore_mem>>
      %dma_start3A_83 = arith.constant 0 : i32
      %dma_start3A_84 = tpu.memref_slice %arg3[%mul3A_0, %dma_start3A_83] : memref<2560x128xi32, #tpu.memory_space<hbm>> -> memref<160x128xi32, #tpu.memory_space<hbm>>
      %dma_start3A_85 = arith.constant 0 : i32
      %dma_start3A_86 = tpu.memref_slice %arg3[%mul3A_0, %dma_start3A_85] : memref<2560x128xi32, #tpu.memory_space<hbm>> -> memref<160x128xi32, #tpu.memory_space<hbm>>
      tpu.enqueue_dma source(%dma_start3A_86 : memref<160x128xi32, #tpu.memory_space<hbm>>) target(%arg7 : memref<160x128xi32, #tpu.memory_space<vmem>>) target_semaphore(%run_scoped3A : memref<!tpu.dma_semaphore, #tpu.memory_space<semaphore_mem>>)
      %dma_wait3A_87 = arith.constant 0 : i32
      %dma_wait3A_88 = tpu.memref_slice %arg3[%mul3A_0, %dma_wait3A_87] : memref<2560x128xi32, #tpu.memory_space<hbm>> -> memref<160x128xi32, #tpu.memory_space<hbm>>
      %dma_wait3A_89 = arith.constant 0 : i32
      %dma_wait3A_90 = tpu.memref_slice %arg3[%mul3A_0, %dma_wait3A_89] : memref<2560x128xi32, #tpu.memory_space<hbm>> -> memref<160x128xi32, #tpu.memory_space<hbm>>
      tpu.wait_dma2 semaphore(%run_scoped3A : memref<!tpu.dma_semaphore, #tpu.memory_space<semaphore_mem>>) src(%dma_wait3A_90 : memref<160x128xi32, #tpu.memory_space<hbm>>) dst(%arg7 : memref<160x128xi32, #tpu.memory_space<vmem>>)
      tpu.yield
    }) : () -> ()
    "tpu.region"() ({
      %run_scoped3A = tpu.sem_alloc : memref<!tpu.dma_semaphore, #tpu.memory_space<semaphore_mem>>
      %dma_start3A_83 = arith.constant 0 : i32
      %dma_start3A_84 = tpu.memref_slice %arg4[%mul3A_2, %dma_start3A_83] : memref<2560x128xi32, #tpu.memory_space<hbm>> -> memref<160x128xi32, #tpu.memory_space<hbm>>
      %dma_start3A_85 = arith.constant 0 : i32
      %dma_start3A_86 = tpu.memref_slice %arg4[%mul3A_2, %dma_start3A_85] : memref<2560x128xi32, #tpu.memory_space<hbm>> -> memref<160x128xi32, #tpu.memory_space<hbm>>
      tpu.enqueue_dma source(%dma_start3A_86 : memref<160x128xi32, #tpu.memory_space<hbm>>) target(%arg8 : memref<160x128xi32, #tpu.memory_space<vmem>>) target_semaphore(%run_scoped3A : memref<!tpu.dma_semaphore, #tpu.memory_space<semaphore_mem>>)
      %dma_wait3A_87 = arith.constant 0 : i32
      %dma_wait3A_88 = tpu.memref_slice %arg4[%mul3A_2, %dma_wait3A_87] : memref<2560x128xi32, #tpu.memory_space<hbm>> -> memref<160x128xi32, #tpu.memory_space<hbm>>
      %dma_wait3A_89 = arith.constant 0 : i32
      %dma_wait3A_90 = tpu.memref_slice %arg4[%mul3A_2, %dma_wait3A_89] : memref<2560x128xi32, #tpu.memory_space<hbm>> -> memref<160x128xi32, #tpu.memory_space<hbm>>
      tpu.wait_dma2 semaphore(%run_scoped3A : memref<!tpu.dma_semaphore, #tpu.memory_space<semaphore_mem>>) src(%dma_wait3A_90 : memref<160x128xi32, #tpu.memory_space<hbm>>) dst(%arg8 : memref<160x128xi32, #tpu.memory_space<vmem>>)
      tpu.yield
    }) : () -> ()
    %barrier3A = arith.constant 0 : index
    tpu.barrier barrier_id(%barrier3A)
    %dma_start3A = arith.constant 0 : i32
    %dma_start3A_14 = arith.constant 0 : i32
    %dma_start3A_15 = arith.constant 0 : i32
    %dma_start3A_16 = arith.constant 0 : i32
    %dma_start3A_17 = tpu.memref_slice %arg9[%dma_start3A_14, %dma_start3A_15, %dma_start3A_16] : memref<4x128x64xf32, #tpu.memory_space<vmem>> -> memref<1x128x64xf32, #tpu.memory_space<vmem>>
    %dma_start3A_18 = tpu.memref_squeeze %dma_start3A_17 : memref<1x128x64xf32, #tpu.memory_space<vmem>> -> memref<128x64xf32, #tpu.memory_space<vmem>>
    %dma_start3A_19 = arith.constant 0 : i32
    %dma_start3A_20 = tpu.memref_slice %arg7[%dma_start3A, %dma_start3A_19] : memref<160x128xi32, #tpu.memory_space<vmem>> -> memref<1x128xi32, #tpu.memory_space<vmem>>
    %dma_start3A_21 = tpu.memref_squeeze %dma_start3A_20 : memref<1x128xi32, #tpu.memory_space<vmem>> -> memref<128xi32, #tpu.memory_space<vmem>>
    %dma_start3A_22 = arith.constant 0 : i32
    %dma_start3A_23 = arith.constant 0 : i32
    %dma_start3A_24 = tpu.memref_slice %arg2[%arg0, %dma_start3A_22, %dma_start3A_23] : memref<2x10112x64xf32, #tpu.memory_space<hbm>> -> memref<1x10112x64xf32, #tpu.memory_space<hbm>>
    %dma_start3A_25 = tpu.memref_squeeze %dma_start3A_24 : memref<1x10112x64xf32, #tpu.memory_space<hbm>> -> memref<10112x64xf32, #tpu.memory_space<hbm>>
    %dma_start3A_26 = arith.constant 0 : i32
    %dma_start3A_27 = arith.constant 0 : i32
    %dma_start3A_28 = tpu.memref_slice %dma_start3A_25[%dma_start3A_26, %dma_start3A_27] : memref<10112x64xf32, #tpu.memory_space<hbm>> -> memref<10112x64xf32, #tpu.memory_space<hbm>>
    tpu.enqueue_indirect_dma source(%dma_start3A_28 : memref<10112x64xf32, #tpu.memory_space<hbm>>) target(%dma_start3A_18 : memref<128x64xf32, #tpu.memory_space<vmem>>) offsets(%dma_start3A_21 : memref<128xi32, #tpu.memory_space<vmem>>) semaphore(%arg12 : memref<!tpu.dma_semaphore, #tpu.memory_space<semaphore_mem>>)
    %dma_start3A_29 = arith.constant 1 : i32
    %dma_start3A_30 = arith.constant 1 : i32
    %dma_start3A_31 = arith.constant 0 : i32
    %dma_start3A_32 = arith.constant 0 : i32
    %dma_start3A_33 = tpu.memref_slice %arg9[%dma_start3A_30, %dma_start3A_31, %dma_start3A_32] : memref<4x128x64xf32, #tpu.memory_space<vmem>> -> memref<1x128x64xf32, #tpu.memory_space<vmem>>
    %dma_start3A_34 = tpu.memref_squeeze %dma_start3A_33 : memref<1x128x64xf32, #tpu.memory_space<vmem>> -> memref<128x64xf32, #tpu.memory_space<vmem>>
    %dma_start3A_35 = arith.constant 0 : i32
    %dma_start3A_36 = tpu.memref_slice %arg7[%dma_start3A_29, %dma_start3A_35] : memref<160x128xi32, #tpu.memory_space<vmem>> -> memref<1x128xi32, #tpu.memory_space<vmem>>
    %dma_start3A_37 = tpu.memref_squeeze %dma_start3A_36 : memref<1x128xi32, #tpu.memory_space<vmem>> -> memref<128xi32, #tpu.memory_space<vmem>>
    %dma_start3A_38 = arith.constant 0 : i32
    %dma_start3A_39 = arith.constant 0 : i32
    %dma_start3A_40 = tpu.memref_slice %arg2[%arg0, %dma_start3A_38, %dma_start3A_39] : memref<2x10112x64xf32, #tpu.memory_space<hbm>> -> memref<1x10112x64xf32, #tpu.memory_space<hbm>>
    %dma_start3A_41 = tpu.memref_squeeze %dma_start3A_40 : memref<1x10112x64xf32, #tpu.memory_space<hbm>> -> memref<10112x64xf32, #tpu.memory_space<hbm>>
    %dma_start3A_42 = arith.constant 0 : i32
    %dma_start3A_43 = arith.constant 0 : i32
    %dma_start3A_44 = tpu.memref_slice %dma_start3A_41[%dma_start3A_42, %dma_start3A_43] : memref<10112x64xf32, #tpu.memory_space<hbm>> -> memref<10112x64xf32, #tpu.memory_space<hbm>>
    tpu.enqueue_indirect_dma source(%dma_start3A_44 : memref<10112x64xf32, #tpu.memory_space<hbm>>) target(%dma_start3A_34 : memref<128x64xf32, #tpu.memory_space<vmem>>) offsets(%dma_start3A_37 : memref<128xi32, #tpu.memory_space<vmem>>) semaphore(%arg13 : memref<!tpu.dma_semaphore, #tpu.memory_space<semaphore_mem>>)
    %scan3A = arith.constant 0 : i32
    %scan3A_45 = arith.constant 40 : i32
    %scan3A_46 = arith.addi %scan3A, %scan3A_45 : i32
    %scan3A_47 = arith.constant 1 : i32
    scf.for %scan3A_83 = %scan3A to %scan3A_46 step %scan3A_47  : i32 {
      %mul3A_84 = arith.constant 4 : i32
      %mul3A_85 = arith.muli %scan3A_83, %mul3A_84 : i32
      %add3A_86 = arith.constant 0 : i32
      %add3A_87 = arith.addi %add3A_86, %mul3A_85 : i32
      %add3A_88 = arith.constant 0 : i32
      %add3A_89 = arith.addi %add3A_87, %add3A_88 : i32
      %ge3A = arith.constant 2 : i32
      %ge3A_90 = arith.cmpi sge, %add3A_89, %ge3A : i32
      %convert_element_type3A = arith.extui %ge3A_90 : i1 to i32
      %cond3A = arith.constant 0 : i32
      %cond3A_91 = arith.cmpi ne, %convert_element_type3A, %cond3A : i32
      scf.if %cond3A_91 {
        %sub3A = arith.constant 2 : i32
        %sub3A_244 = arith.subi %add3A_89, %sub3A : i32
        %dma_wait3A_245 = arith.constant 2 : i32
        %dma_wait3A_246 = arith.constant 0 : i32
        %dma_wait3A_247 = arith.constant 0 : i32
        %dma_wait3A_248 = tpu.memref_slice %arg9[%dma_wait3A_245, %dma_wait3A_246, %dma_wait3A_247] : memref<4x128x64xf32, #tpu.memory_space<vmem>> -> memref<1x128x64xf32, #tpu.memory_space<vmem>>
        %dma_wait3A_249 = tpu.memref_squeeze %dma_wait3A_248 : memref<1x128x64xf32, #tpu.memory_space<vmem>> -> memref<128x64xf32, #tpu.memory_space<vmem>>
        %dma_wait3A_250 = arith.constant 0 : i32
        %dma_wait3A_251 = tpu.memref_slice %arg8[%sub3A_244, %dma_wait3A_250] : memref<160x128xi32, #tpu.memory_space<vmem>> -> memref<1x128xi32, #tpu.memory_space<vmem>>
        %dma_wait3A_252 = tpu.memref_squeeze %dma_wait3A_251 : memref<1x128xi32, #tpu.memory_space<vmem>> -> memref<128xi32, #tpu.memory_space<vmem>>
        %dma_wait3A_253 = arith.constant 0 : i32
        %dma_wait3A_254 = arith.constant 0 : i32
        %dma_wait3A_255 = tpu.memref_slice %arg11[%dma_wait3A_253, %dma_wait3A_254] : memref<10112x64xf32, #tpu.memory_space<vmem_shared>> -> memref<10112x64xf32, #tpu.memory_space<vmem_shared>>
        tpu.wait_indirect_dma semaphore(%arg18 : memref<!tpu.dma_semaphore, #tpu.memory_space<semaphore_mem>>) src(%dma_wait3A_249 : memref<128x64xf32, #tpu.memory_space<vmem>>) dst(%dma_wait3A_255 : memref<10112x64xf32, #tpu.memory_space<vmem_shared>>)
      } else {
      }
      %add3A_92 = arith.constant 2 : i32
      %add3A_93 = arith.addi %add3A_89, %add3A_92 : i32
      %lt3A = arith.constant 160 : i32
      %lt3A_94 = arith.cmpi slt, %add3A_93, %lt3A : i32
      %convert_element_type3A_95 = arith.extui %lt3A_94 : i1 to i32
      %cond3A_96 = arith.constant 0 : i32
      %cond3A_97 = arith.cmpi ne, %convert_element_type3A_95, %cond3A_96 : i32
      scf.if %cond3A_97 {
        %add3A_244 = arith.constant 2 : i32
        %add3A_245 = arith.addi %add3A_89, %add3A_244 : i32
        %dma_start3A_246 = arith.constant 2 : i32
        %dma_start3A_247 = arith.constant 0 : i32
        %dma_start3A_248 = arith.constant 0 : i32
        %dma_start3A_249 = tpu.memref_slice %arg9[%dma_start3A_246, %dma_start3A_247, %dma_start3A_248] : memref<4x128x64xf32, #tpu.memory_space<vmem>> -> memref<1x128x64xf32, #tpu.memory_space<vmem>>
        %dma_start3A_250 = tpu.memref_squeeze %dma_start3A_249 : memref<1x128x64xf32, #tpu.memory_space<vmem>> -> memref<128x64xf32, #tpu.memory_space<vmem>>
        %dma_start3A_251 = arith.constant 0 : i32
        %dma_start3A_252 = tpu.memref_slice %arg7[%add3A_245, %dma_start3A_251] : memref<160x128xi32, #tpu.memory_space<vmem>> -> memref<1x128xi32, #tpu.memory_space<vmem>>
        %dma_start3A_253 = tpu.memref_squeeze %dma_start3A_252 : memref<1x128xi32, #tpu.memory_space<vmem>> -> memref<128xi32, #tpu.memory_space<vmem>>
        %dma_start3A_254 = arith.constant 0 : i32
        %dma_start3A_255 = arith.constant 0 : i32
        %dma_start3A_256 = tpu.memref_slice %arg2[%arg0, %dma_start3A_254, %dma_start3A_255] : memref<2x10112x64xf32, #tpu.memory_space<hbm>> -> memref<1x10112x64xf32, #tpu.memory_space<hbm>>
        %dma_start3A_257 = tpu.memref_squeeze %dma_start3A_256 : memref<1x10112x64xf32, #tpu.memory_space<hbm>> -> memref<10112x64xf32, #tpu.memory_space<hbm>>
        %dma_start3A_258 = arith.constant 0 : i32
        %dma_start3A_259 = arith.constant 0 : i32
        %dma_start3A_260 = tpu.memref_slice %dma_start3A_257[%dma_start3A_258, %dma_start3A_259] : memref<10112x64xf32, #tpu.memory_space<hbm>> -> memref<10112x64xf32, #tpu.memory_space<hbm>>
        tpu.enqueue_indirect_dma source(%dma_start3A_260 : memref<10112x64xf32, #tpu.memory_space<hbm>>) target(%dma_start3A_250 : memref<128x64xf32, #tpu.memory_space<vmem>>) offsets(%dma_start3A_253 : memref<128xi32, #tpu.memory_space<vmem>>) semaphore(%arg14 : memref<!tpu.dma_semaphore, #tpu.memory_space<semaphore_mem>>)
      } else {
      }
      %dma_wait3A_98 = arith.constant 0 : i32
      %dma_wait3A_99 = arith.constant 0 : i32
      %dma_wait3A_100 = arith.constant 0 : i32
      %dma_wait3A_101 = tpu.memref_slice %arg9[%dma_wait3A_98, %dma_wait3A_99, %dma_wait3A_100] : memref<4x128x64xf32, #tpu.memory_space<vmem>> -> memref<1x128x64xf32, #tpu.memory_space<vmem>>
      %dma_wait3A_102 = tpu.memref_squeeze %dma_wait3A_101 : memref<1x128x64xf32, #tpu.memory_space<vmem>> -> memref<128x64xf32, #tpu.memory_space<vmem>>
      %dma_wait3A_103 = arith.constant 0 : i32
      %dma_wait3A_104 = tpu.memref_slice %arg7[%add3A_89, %dma_wait3A_103] : memref<160x128xi32, #tpu.memory_space<vmem>> -> memref<1x128xi32, #tpu.memory_space<vmem>>
      %dma_wait3A_105 = tpu.memref_squeeze %dma_wait3A_104 : memref<1x128xi32, #tpu.memory_space<vmem>> -> memref<128xi32, #tpu.memory_space<vmem>>
      %dma_wait3A_106 = arith.constant 0 : i32
      %dma_wait3A_107 = arith.constant 0 : i32
      %dma_wait3A_108 = tpu.memref_slice %arg2[%arg0, %dma_wait3A_106, %dma_wait3A_107] : memref<2x10112x64xf32, #tpu.memory_space<hbm>> -> memref<1x10112x64xf32, #tpu.memory_space<hbm>>
      %dma_wait3A_109 = tpu.memref_squeeze %dma_wait3A_108 : memref<1x10112x64xf32, #tpu.memory_space<hbm>> -> memref<10112x64xf32, #tpu.memory_space<hbm>>
      %dma_wait3A_110 = arith.constant 0 : i32
      %dma_wait3A_111 = arith.constant 0 : i32
      %dma_wait3A_112 = tpu.memref_slice %dma_wait3A_109[%dma_wait3A_110, %dma_wait3A_111] : memref<10112x64xf32, #tpu.memory_space<hbm>> -> memref<10112x64xf32, #tpu.memory_space<hbm>>
      tpu.wait_indirect_dma semaphore(%arg12 : memref<!tpu.dma_semaphore, #tpu.memory_space<semaphore_mem>>) src(%dma_wait3A_112 : memref<10112x64xf32, #tpu.memory_space<hbm>>) dst(%dma_wait3A_102 : memref<128x64xf32, #tpu.memory_space<vmem>>)
      %dma_start3A_113 = arith.constant 0 : i32
      %dma_start3A_114 = arith.constant 0 : i32
      %dma_start3A_115 = arith.constant 0 : i32
      %dma_start3A_116 = tpu.memref_slice %arg9[%dma_start3A_113, %dma_start3A_114, %dma_start3A_115] : memref<4x128x64xf32, #tpu.memory_space<vmem>> -> memref<1x128x64xf32, #tpu.memory_space<vmem>>
      %dma_start3A_117 = tpu.memref_squeeze %dma_start3A_116 : memref<1x128x64xf32, #tpu.memory_space<vmem>> -> memref<128x64xf32, #tpu.memory_space<vmem>>
      %dma_start3A_118 = arith.constant 0 : i32
      %dma_start3A_119 = tpu.memref_slice %arg8[%add3A_89, %dma_start3A_118] : memref<160x128xi32, #tpu.memory_space<vmem>> -> memref<1x128xi32, #tpu.memory_space<vmem>>
      %dma_start3A_120 = tpu.memref_squeeze %dma_start3A_119 : memref<1x128xi32, #tpu.memory_space<vmem>> -> memref<128xi32, #tpu.memory_space<vmem>>
      %dma_start3A_121 = arith.constant 0 : i32
      %dma_start3A_122 = arith.constant 0 : i32
      %dma_start3A_123 = tpu.memref_slice %arg11[%dma_start3A_121, %dma_start3A_122] : memref<10112x64xf32, #tpu.memory_space<vmem_shared>> -> memref<10112x64xf32, #tpu.memory_space<vmem_shared>>
      tpu.enqueue_indirect_dma source(%dma_start3A_117 : memref<128x64xf32, #tpu.memory_space<vmem>>) target(%dma_start3A_123 : memref<10112x64xf32, #tpu.memory_space<vmem_shared>>) offsets(%dma_start3A_120 : memref<128xi32, #tpu.memory_space<vmem>>) semaphore(%arg16 : memref<!tpu.dma_semaphore, #tpu.memory_space<semaphore_mem>>) {add = true}
      %add3A_124 = arith.constant 1 : i32
      %add3A_125 = arith.addi %add3A_87, %add3A_124 : i32
      %ge3A_126 = arith.constant 2 : i32
      %ge3A_127 = arith.cmpi sge, %add3A_125, %ge3A_126 : i32
      %convert_element_type3A_128 = arith.extui %ge3A_127 : i1 to i32
      %cond3A_129 = arith.constant 0 : i32
      %cond3A_130 = arith.cmpi ne, %convert_element_type3A_128, %cond3A_129 : i32
      scf.if %cond3A_130 {
        %sub3A = arith.constant 2 : i32
        %sub3A_244 = arith.subi %add3A_125, %sub3A : i32
        %dma_wait3A_245 = arith.constant 3 : i32
        %dma_wait3A_246 = arith.constant 0 : i32
        %dma_wait3A_247 = arith.constant 0 : i32
        %dma_wait3A_248 = tpu.memref_slice %arg9[%dma_wait3A_245, %dma_wait3A_246, %dma_wait3A_247] : memref<4x128x64xf32, #tpu.memory_space<vmem>> -> memref<1x128x64xf32, #tpu.memory_space<vmem>>
        %dma_wait3A_249 = tpu.memref_squeeze %dma_wait3A_248 : memref<1x128x64xf32, #tpu.memory_space<vmem>> -> memref<128x64xf32, #tpu.memory_space<vmem>>
        %dma_wait3A_250 = arith.constant 0 : i32
        %dma_wait3A_251 = tpu.memref_slice %arg8[%sub3A_244, %dma_wait3A_250] : memref<160x128xi32, #tpu.memory_space<vmem>> -> memref<1x128xi32, #tpu.memory_space<vmem>>
        %dma_wait3A_252 = tpu.memref_squeeze %dma_wait3A_251 : memref<1x128xi32, #tpu.memory_space<vmem>> -> memref<128xi32, #tpu.memory_space<vmem>>
        %dma_wait3A_253 = arith.constant 0 : i32
        %dma_wait3A_254 = arith.constant 0 : i32
        %dma_wait3A_255 = tpu.memref_slice %arg11[%dma_wait3A_253, %dma_wait3A_254] : memref<10112x64xf32, #tpu.memory_space<vmem_shared>> -> memref<10112x64xf32, #tpu.memory_space<vmem_shared>>
        tpu.wait_indirect_dma semaphore(%arg19 : memref<!tpu.dma_semaphore, #tpu.memory_space<semaphore_mem>>) src(%dma_wait3A_249 : memref<128x64xf32, #tpu.memory_space<vmem>>) dst(%dma_wait3A_255 : memref<10112x64xf32, #tpu.memory_space<vmem_shared>>)
      } else {
      }
      %add3A_131 = arith.constant 2 : i32
      %add3A_132 = arith.addi %add3A_125, %add3A_131 : i32
      %lt3A_133 = arith.constant 160 : i32
      %lt3A_134 = arith.cmpi slt, %add3A_132, %lt3A_133 : i32
      %convert_element_type3A_135 = arith.extui %lt3A_134 : i1 to i32
      %cond3A_136 = arith.constant 0 : i32
      %cond3A_137 = arith.cmpi ne, %convert_element_type3A_135, %cond3A_136 : i32
      scf.if %cond3A_137 {
        %add3A_244 = arith.constant 2 : i32
        %add3A_245 = arith.addi %add3A_125, %add3A_244 : i32
        %dma_start3A_246 = arith.constant 3 : i32
        %dma_start3A_247 = arith.constant 0 : i32
        %dma_start3A_248 = arith.constant 0 : i32
        %dma_start3A_249 = tpu.memref_slice %arg9[%dma_start3A_246, %dma_start3A_247, %dma_start3A_248] : memref<4x128x64xf32, #tpu.memory_space<vmem>> -> memref<1x128x64xf32, #tpu.memory_space<vmem>>
        %dma_start3A_250 = tpu.memref_squeeze %dma_start3A_249 : memref<1x128x64xf32, #tpu.memory_space<vmem>> -> memref<128x64xf32, #tpu.memory_space<vmem>>
        %dma_start3A_251 = arith.constant 0 : i32
        %dma_start3A_252 = tpu.memref_slice %arg7[%add3A_245, %dma_start3A_251] : memref<160x128xi32, #tpu.memory_space<vmem>> -> memref<1x128xi32, #tpu.memory_space<vmem>>
        %dma_start3A_253 = tpu.memref_squeeze %dma_start3A_252 : memref<1x128xi32, #tpu.memory_space<vmem>> -> memref<128xi32, #tpu.memory_space<vmem>>
        %dma_start3A_254 = arith.constant 0 : i32
        %dma_start3A_255 = arith.constant 0 : i32
        %dma_start3A_256 = tpu.memref_slice %arg2[%arg0, %dma_start3A_254, %dma_start3A_255] : memref<2x10112x64xf32, #tpu.memory_space<hbm>> -> memref<1x10112x64xf32, #tpu.memory_space<hbm>>
        %dma_start3A_257 = tpu.memref_squeeze %dma_start3A_256 : memref<1x10112x64xf32, #tpu.memory_space<hbm>> -> memref<10112x64xf32, #tpu.memory_space<hbm>>
        %dma_start3A_258 = arith.constant 0 : i32
        %dma_start3A_259 = arith.constant 0 : i32
        %dma_start3A_260 = tpu.memref_slice %dma_start3A_257[%dma_start3A_258, %dma_start3A_259] : memref<10112x64xf32, #tpu.memory_space<hbm>> -> memref<10112x64xf32, #tpu.memory_space<hbm>>
        tpu.enqueue_indirect_dma source(%dma_start3A_260 : memref<10112x64xf32, #tpu.memory_space<hbm>>) target(%dma_start3A_250 : memref<128x64xf32, #tpu.memory_space<vmem>>) offsets(%dma_start3A_253 : memref<128xi32, #tpu.memory_space<vmem>>) semaphore(%arg15 : memref<!tpu.dma_semaphore, #tpu.memory_space<semaphore_mem>>)
      } else {
      }
      %dma_wait3A_138 = arith.constant 1 : i32
      %dma_wait3A_139 = arith.constant 0 : i32
      %dma_wait3A_140 = arith.constant 0 : i32
      %dma_wait3A_141 = tpu.memref_slice %arg9[%dma_wait3A_138, %dma_wait3A_139, %dma_wait3A_140] : memref<4x128x64xf32, #tpu.memory_space<vmem>> -> memref<1x128x64xf32, #tpu.memory_space<vmem>>
      %dma_wait3A_142 = tpu.memref_squeeze %dma_wait3A_141 : memref<1x128x64xf32, #tpu.memory_space<vmem>> -> memref<128x64xf32, #tpu.memory_space<vmem>>
      %dma_wait3A_143 = arith.constant 0 : i32
      %dma_wait3A_144 = tpu.memref_slice %arg7[%add3A_125, %dma_wait3A_143] : memref<160x128xi32, #tpu.memory_space<vmem>> -> memref<1x128xi32, #tpu.memory_space<vmem>>
      %dma_wait3A_145 = tpu.memref_squeeze %dma_wait3A_144 : memref<1x128xi32, #tpu.memory_space<vmem>> -> memref<128xi32, #tpu.memory_space<vmem>>
      %dma_wait3A_146 = arith.constant 0 : i32
      %dma_wait3A_147 = arith.constant 0 : i32
      %dma_wait3A_148 = tpu.memref_slice %arg2[%arg0, %dma_wait3A_146, %dma_wait3A_147] : memref<2x10112x64xf32, #tpu.memory_space<hbm>> -> memref<1x10112x64xf32, #tpu.memory_space<hbm>>
      %dma_wait3A_149 = tpu.memref_squeeze %dma_wait3A_148 : memref<1x10112x64xf32, #tpu.memory_space<hbm>> -> memref<10112x64xf32, #tpu.memory_space<hbm>>
      %dma_wait3A_150 = arith.constant 0 : i32
      %dma_wait3A_151 = arith.constant 0 : i32
      %dma_wait3A_152 = tpu.memref_slice %dma_wait3A_149[%dma_wait3A_150, %dma_wait3A_151] : memref<10112x64xf32, #tpu.memory_space<hbm>> -> memref<10112x64xf32, #tpu.memory_space<hbm>>
      tpu.wait_indirect_dma semaphore(%arg13 : memref<!tpu.dma_semaphore, #tpu.memory_space<semaphore_mem>>) src(%dma_wait3A_152 : memref<10112x64xf32, #tpu.memory_space<hbm>>) dst(%dma_wait3A_142 : memref<128x64xf32, #tpu.memory_space<vmem>>)
      %dma_start3A_153 = arith.constant 1 : i32
      %dma_start3A_154 = arith.constant 0 : i32
      %dma_start3A_155 = arith.constant 0 : i32
      %dma_start3A_156 = tpu.memref_slice %arg9[%dma_start3A_153, %dma_start3A_154, %dma_start3A_155] : memref<4x128x64xf32, #tpu.memory_space<vmem>> -> memref<1x128x64xf32, #tpu.memory_space<vmem>>
      %dma_start3A_157 = tpu.memref_squeeze %dma_start3A_156 : memref<1x128x64xf32, #tpu.memory_space<vmem>> -> memref<128x64xf32, #tpu.memory_space<vmem>>
      %dma_start3A_158 = arith.constant 0 : i32
      %dma_start3A_159 = tpu.memref_slice %arg8[%add3A_125, %dma_start3A_158] : memref<160x128xi32, #tpu.memory_space<vmem>> -> memref<1x128xi32, #tpu.memory_space<vmem>>
      %dma_start3A_160 = tpu.memref_squeeze %dma_start3A_159 : memref<1x128xi32, #tpu.memory_space<vmem>> -> memref<128xi32, #tpu.memory_space<vmem>>
      %dma_start3A_161 = arith.constant 0 : i32
      %dma_start3A_162 = arith.constant 0 : i32
      %dma_start3A_163 = tpu.memref_slice %arg11[%dma_start3A_161, %dma_start3A_162] : memref<10112x64xf32, #tpu.memory_space<vmem_shared>> -> memref<10112x64xf32, #tpu.memory_space<vmem_shared>>
      tpu.enqueue_indirect_dma source(%dma_start3A_157 : memref<128x64xf32, #tpu.memory_space<vmem>>) target(%dma_start3A_163 : memref<10112x64xf32, #tpu.memory_space<vmem_shared>>) offsets(%dma_start3A_160 : memref<128xi32, #tpu.memory_space<vmem>>) semaphore(%arg17 : memref<!tpu.dma_semaphore, #tpu.memory_space<semaphore_mem>>) {add = true}
      %add3A_164 = arith.constant 2 : i32
      %add3A_165 = arith.addi %add3A_87, %add3A_164 : i32
      %ge3A_166 = arith.constant 2 : i32
      %ge3A_167 = arith.cmpi sge, %add3A_165, %ge3A_166 : i32
      %convert_element_type3A_168 = arith.extui %ge3A_167 : i1 to i32
      %cond3A_169 = arith.constant 0 : i32
      %cond3A_170 = arith.cmpi ne, %convert_element_type3A_168, %cond3A_169 : i32
      scf.if %cond3A_170 {
        %sub3A = arith.constant 2 : i32
        %sub3A_244 = arith.subi %add3A_165, %sub3A : i32
        %dma_wait3A_245 = arith.constant 0 : i32
        %dma_wait3A_246 = arith.constant 0 : i32
        %dma_wait3A_247 = arith.constant 0 : i32
        %dma_wait3A_248 = tpu.memref_slice %arg9[%dma_wait3A_245, %dma_wait3A_246, %dma_wait3A_247] : memref<4x128x64xf32, #tpu.memory_space<vmem>> -> memref<1x128x64xf32, #tpu.memory_space<vmem>>
        %dma_wait3A_249 = tpu.memref_squeeze %dma_wait3A_248 : memref<1x128x64xf32, #tpu.memory_space<vmem>> -> memref<128x64xf32, #tpu.memory_space<vmem>>
        %dma_wait3A_250 = arith.constant 0 : i32
        %dma_wait3A_251 = tpu.memref_slice %arg8[%sub3A_244, %dma_wait3A_250] : memref<160x128xi32, #tpu.memory_space<vmem>> -> memref<1x128xi32, #tpu.memory_space<vmem>>
        %dma_wait3A_252 = tpu.memref_squeeze %dma_wait3A_251 : memref<1x128xi32, #tpu.memory_space<vmem>> -> memref<128xi32, #tpu.memory_space<vmem>>
        %dma_wait3A_253 = arith.constant 0 : i32
        %dma_wait3A_254 = arith.constant 0 : i32
        %dma_wait3A_255 = tpu.memref_slice %arg11[%dma_wait3A_253, %dma_wait3A_254] : memref<10112x64xf32, #tpu.memory_space<vmem_shared>> -> memref<10112x64xf32, #tpu.memory_space<vmem_shared>>
        tpu.wait_indirect_dma semaphore(%arg16 : memref<!tpu.dma_semaphore, #tpu.memory_space<semaphore_mem>>) src(%dma_wait3A_249 : memref<128x64xf32, #tpu.memory_space<vmem>>) dst(%dma_wait3A_255 : memref<10112x64xf32, #tpu.memory_space<vmem_shared>>)
      } else {
      }
      %add3A_171 = arith.constant 2 : i32
      %add3A_172 = arith.addi %add3A_165, %add3A_171 : i32
      %lt3A_173 = arith.constant 160 : i32
      %lt3A_174 = arith.cmpi slt, %add3A_172, %lt3A_173 : i32
      %convert_element_type3A_175 = arith.extui %lt3A_174 : i1 to i32
      %cond3A_176 = arith.constant 0 : i32
      %cond3A_177 = arith.cmpi ne, %convert_element_type3A_175, %cond3A_176 : i32
      scf.if %cond3A_177 {
        %add3A_244 = arith.constant 2 : i32
        %add3A_245 = arith.addi %add3A_165, %add3A_244 : i32
        %dma_start3A_246 = arith.constant 0 : i32
        %dma_start3A_247 = arith.constant 0 : i32
        %dma_start3A_248 = arith.constant 0 : i32
        %dma_start3A_249 = tpu.memref_slice %arg9[%dma_start3A_246, %dma_start3A_247, %dma_start3A_248] : memref<4x128x64xf32, #tpu.memory_space<vmem>> -> memref<1x128x64xf32, #tpu.memory_space<vmem>>
        %dma_start3A_250 = tpu.memref_squeeze %dma_start3A_249 : memref<1x128x64xf32, #tpu.memory_space<vmem>> -> memref<128x64xf32, #tpu.memory_space<vmem>>
        %dma_start3A_251 = arith.constant 0 : i32
        %dma_start3A_252 = tpu.memref_slice %arg7[%add3A_245, %dma_start3A_251] : memref<160x128xi32, #tpu.memory_space<vmem>> -> memref<1x128xi32, #tpu.memory_space<vmem>>
        %dma_start3A_253 = tpu.memref_squeeze %dma_start3A_252 : memref<1x128xi32, #tpu.memory_space<vmem>> -> memref<128xi32, #tpu.memory_space<vmem>>
        %dma_start3A_254 = arith.constant 0 : i32
        %dma_start3A_255 = arith.constant 0 : i32
        %dma_start3A_256 = tpu.memref_slice %arg2[%arg0, %dma_start3A_254, %dma_start3A_255] : memref<2x10112x64xf32, #tpu.memory_space<hbm>> -> memref<1x10112x64xf32, #tpu.memory_space<hbm>>
        %dma_start3A_257 = tpu.memref_squeeze %dma_start3A_256 : memref<1x10112x64xf32, #tpu.memory_space<hbm>> -> memref<10112x64xf32, #tpu.memory_space<hbm>>
        %dma_start3A_258 = arith.constant 0 : i32
        %dma_start3A_259 = arith.constant 0 : i32
        %dma_start3A_260 = tpu.memref_slice %dma_start3A_257[%dma_start3A_258, %dma_start3A_259] : memref<10112x64xf32, #tpu.memory_space<hbm>> -> memref<10112x64xf32, #tpu.memory_space<hbm>>
        tpu.enqueue_indirect_dma source(%dma_start3A_260 : memref<10112x64xf32, #tpu.memory_space<hbm>>) target(%dma_start3A_250 : memref<128x64xf32, #tpu.memory_space<vmem>>) offsets(%dma_start3A_253 : memref<128xi32, #tpu.memory_space<vmem>>) semaphore(%arg12 : memref<!tpu.dma_semaphore, #tpu.memory_space<semaphore_mem>>)
      } else {
      }
      %dma_wait3A_178 = arith.constant 2 : i32
      %dma_wait3A_179 = arith.constant 0 : i32
      %dma_wait3A_180 = arith.constant 0 : i32
      %dma_wait3A_181 = tpu.memref_slice %arg9[%dma_wait3A_178, %dma_wait3A_179, %dma_wait3A_180] : memref<4x128x64xf32, #tpu.memory_space<vmem>> -> memref<1x128x64xf32, #tpu.memory_space<vmem>>
      %dma_wait3A_182 = tpu.memref_squeeze %dma_wait3A_181 : memref<1x128x64xf32, #tpu.memory_space<vmem>> -> memref<128x64xf32, #tpu.memory_space<vmem>>
      %dma_wait3A_183 = arith.constant 0 : i32
      %dma_wait3A_184 = tpu.memref_slice %arg7[%add3A_165, %dma_wait3A_183] : memref<160x128xi32, #tpu.memory_space<vmem>> -> memref<1x128xi32, #tpu.memory_space<vmem>>
      %dma_wait3A_185 = tpu.memref_squeeze %dma_wait3A_184 : memref<1x128xi32, #tpu.memory_space<vmem>> -> memref<128xi32, #tpu.memory_space<vmem>>
      %dma_wait3A_186 = arith.constant 0 : i32
      %dma_wait3A_187 = arith.constant 0 : i32
      %dma_wait3A_188 = tpu.memref_slice %arg2[%arg0, %dma_wait3A_186, %dma_wait3A_187] : memref<2x10112x64xf32, #tpu.memory_space<hbm>> -> memref<1x10112x64xf32, #tpu.memory_space<hbm>>
      %dma_wait3A_189 = tpu.memref_squeeze %dma_wait3A_188 : memref<1x10112x64xf32, #tpu.memory_space<hbm>> -> memref<10112x64xf32, #tpu.memory_space<hbm>>
      %dma_wait3A_190 = arith.constant 0 : i32
      %dma_wait3A_191 = arith.constant 0 : i32
      %dma_wait3A_192 = tpu.memref_slice %dma_wait3A_189[%dma_wait3A_190, %dma_wait3A_191] : memref<10112x64xf32, #tpu.memory_space<hbm>> -> memref<10112x64xf32, #tpu.memory_space<hbm>>
      tpu.wait_indirect_dma semaphore(%arg14 : memref<!tpu.dma_semaphore, #tpu.memory_space<semaphore_mem>>) src(%dma_wait3A_192 : memref<10112x64xf32, #tpu.memory_space<hbm>>) dst(%dma_wait3A_182 : memref<128x64xf32, #tpu.memory_space<vmem>>)
      %dma_start3A_193 = arith.constant 2 : i32
      %dma_start3A_194 = arith.constant 0 : i32
      %dma_start3A_195 = arith.constant 0 : i32
      %dma_start3A_196 = tpu.memref_slice %arg9[%dma_start3A_193, %dma_start3A_194, %dma_start3A_195] : memref<4x128x64xf32, #tpu.memory_space<vmem>> -> memref<1x128x64xf32, #tpu.memory_space<vmem>>
      %dma_start3A_197 = tpu.memref_squeeze %dma_start3A_196 : memref<1x128x64xf32, #tpu.memory_space<vmem>> -> memref<128x64xf32, #tpu.memory_space<vmem>>
      %dma_start3A_198 = arith.constant 0 : i32
      %dma_start3A_199 = tpu.memref_slice %arg8[%add3A_165, %dma_start3A_198] : memref<160x128xi32, #tpu.memory_space<vmem>> -> memref<1x128xi32, #tpu.memory_space<vmem>>
      %dma_start3A_200 = tpu.memref_squeeze %dma_start3A_199 : memref<1x128xi32, #tpu.memory_space<vmem>> -> memref<128xi32, #tpu.memory_space<vmem>>
      %dma_start3A_201 = arith.constant 0 : i32
      %dma_start3A_202 = arith.constant 0 : i32
      %dma_start3A_203 = tpu.memref_slice %arg11[%dma_start3A_201, %dma_start3A_202] : memref<10112x64xf32, #tpu.memory_space<vmem_shared>> -> memref<10112x64xf32, #tpu.memory_space<vmem_shared>>
      tpu.enqueue_indirect_dma source(%dma_start3A_197 : memref<128x64xf32, #tpu.memory_space<vmem>>) target(%dma_start3A_203 : memref<10112x64xf32, #tpu.memory_space<vmem_shared>>) offsets(%dma_start3A_200 : memref<128xi32, #tpu.memory_space<vmem>>) semaphore(%arg18 : memref<!tpu.dma_semaphore, #tpu.memory_space<semaphore_mem>>) {add = true}
      %add3A_204 = arith.constant 3 : i32
      %add3A_205 = arith.addi %add3A_87, %add3A_204 : i32
      %ge3A_206 = arith.constant 2 : i32
      %ge3A_207 = arith.cmpi sge, %add3A_205, %ge3A_206 : i32
      %convert_element_type3A_208 = arith.extui %ge3A_207 : i1 to i32
      %cond3A_209 = arith.constant 0 : i32
      %cond3A_210 = arith.cmpi ne, %convert_element_type3A_208, %cond3A_209 : i32
      scf.if %cond3A_210 {
        %sub3A = arith.constant 2 : i32
        %sub3A_244 = arith.subi %add3A_205, %sub3A : i32
        %dma_wait3A_245 = arith.constant 1 : i32
        %dma_wait3A_246 = arith.constant 0 : i32
        %dma_wait3A_247 = arith.constant 0 : i32
        %dma_wait3A_248 = tpu.memref_slice %arg9[%dma_wait3A_245, %dma_wait3A_246, %dma_wait3A_247] : memref<4x128x64xf32, #tpu.memory_space<vmem>> -> memref<1x128x64xf32, #tpu.memory_space<vmem>>
        %dma_wait3A_249 = tpu.memref_squeeze %dma_wait3A_248 : memref<1x128x64xf32, #tpu.memory_space<vmem>> -> memref<128x64xf32, #tpu.memory_space<vmem>>
        %dma_wait3A_250 = arith.constant 0 : i32
        %dma_wait3A_251 = tpu.memref_slice %arg8[%sub3A_244, %dma_wait3A_250] : memref<160x128xi32, #tpu.memory_space<vmem>> -> memref<1x128xi32, #tpu.memory_space<vmem>>
        %dma_wait3A_252 = tpu.memref_squeeze %dma_wait3A_251 : memref<1x128xi32, #tpu.memory_space<vmem>> -> memref<128xi32, #tpu.memory_space<vmem>>
        %dma_wait3A_253 = arith.constant 0 : i32
        %dma_wait3A_254 = arith.constant 0 : i32
        %dma_wait3A_255 = tpu.memref_slice %arg11[%dma_wait3A_253, %dma_wait3A_254] : memref<10112x64xf32, #tpu.memory_space<vmem_shared>> -> memref<10112x64xf32, #tpu.memory_space<vmem_shared>>
        tpu.wait_indirect_dma semaphore(%arg17 : memref<!tpu.dma_semaphore, #tpu.memory_space<semaphore_mem>>) src(%dma_wait3A_249 : memref<128x64xf32, #tpu.memory_space<vmem>>) dst(%dma_wait3A_255 : memref<10112x64xf32, #tpu.memory_space<vmem_shared>>)
      } else {
      }
      %add3A_211 = arith.constant 2 : i32
      %add3A_212 = arith.addi %add3A_205, %add3A_211 : i32
      %lt3A_213 = arith.constant 160 : i32
      %lt3A_214 = arith.cmpi slt, %add3A_212, %lt3A_213 : i32
      %convert_element_type3A_215 = arith.extui %lt3A_214 : i1 to i32
      %cond3A_216 = arith.constant 0 : i32
      %cond3A_217 = arith.cmpi ne, %convert_element_type3A_215, %cond3A_216 : i32
      scf.if %cond3A_217 {
        %add3A_244 = arith.constant 2 : i32
        %add3A_245 = arith.addi %add3A_205, %add3A_244 : i32
        %dma_start3A_246 = arith.constant 1 : i32
        %dma_start3A_247 = arith.constant 0 : i32
        %dma_start3A_248 = arith.constant 0 : i32
        %dma_start3A_249 = tpu.memref_slice %arg9[%dma_start3A_246, %dma_start3A_247, %dma_start3A_248] : memref<4x128x64xf32, #tpu.memory_space<vmem>> -> memref<1x128x64xf32, #tpu.memory_space<vmem>>
        %dma_start3A_250 = tpu.memref_squeeze %dma_start3A_249 : memref<1x128x64xf32, #tpu.memory_space<vmem>> -> memref<128x64xf32, #tpu.memory_space<vmem>>
        %dma_start3A_251 = arith.constant 0 : i32
        %dma_start3A_252 = tpu.memref_slice %arg7[%add3A_245, %dma_start3A_251] : memref<160x128xi32, #tpu.memory_space<vmem>> -> memref<1x128xi32, #tpu.memory_space<vmem>>
        %dma_start3A_253 = tpu.memref_squeeze %dma_start3A_252 : memref<1x128xi32, #tpu.memory_space<vmem>> -> memref<128xi32, #tpu.memory_space<vmem>>
        %dma_start3A_254 = arith.constant 0 : i32
        %dma_start3A_255 = arith.constant 0 : i32
        %dma_start3A_256 = tpu.memref_slice %arg2[%arg0, %dma_start3A_254, %dma_start3A_255] : memref<2x10112x64xf32, #tpu.memory_space<hbm>> -> memref<1x10112x64xf32, #tpu.memory_space<hbm>>
        %dma_start3A_257 = tpu.memref_squeeze %dma_start3A_256 : memref<1x10112x64xf32, #tpu.memory_space<hbm>> -> memref<10112x64xf32, #tpu.memory_space<hbm>>
        %dma_start3A_258 = arith.constant 0 : i32
        %dma_start3A_259 = arith.constant 0 : i32
        %dma_start3A_260 = tpu.memref_slice %dma_start3A_257[%dma_start3A_258, %dma_start3A_259] : memref<10112x64xf32, #tpu.memory_space<hbm>> -> memref<10112x64xf32, #tpu.memory_space<hbm>>
        tpu.enqueue_indirect_dma source(%dma_start3A_260 : memref<10112x64xf32, #tpu.memory_space<hbm>>) target(%dma_start3A_250 : memref<128x64xf32, #tpu.memory_space<vmem>>) offsets(%dma_start3A_253 : memref<128xi32, #tpu.memory_space<vmem>>) semaphore(%arg13 : memref<!tpu.dma_semaphore, #tpu.memory_space<semaphore_mem>>)
      } else {
      }
      %dma_wait3A_218 = arith.constant 3 : i32
      %dma_wait3A_219 = arith.constant 0 : i32
      %dma_wait3A_220 = arith.constant 0 : i32
      %dma_wait3A_221 = tpu.memref_slice %arg9[%dma_wait3A_218, %dma_wait3A_219, %dma_wait3A_220] : memref<4x128x64xf32, #tpu.memory_space<vmem>> -> memref<1x128x64xf32, #tpu.memory_space<vmem>>
      %dma_wait3A_222 = tpu.memref_squeeze %dma_wait3A_221 : memref<1x128x64xf32, #tpu.memory_space<vmem>> -> memref<128x64xf32, #tpu.memory_space<vmem>>
      %dma_wait3A_223 = arith.constant 0 : i32
      %dma_wait3A_224 = tpu.memref_slice %arg7[%add3A_205, %dma_wait3A_223] : memref<160x128xi32, #tpu.memory_space<vmem>> -> memref<1x128xi32, #tpu.memory_space<vmem>>
      %dma_wait3A_225 = tpu.memref_squeeze %dma_wait3A_224 : memref<1x128xi32, #tpu.memory_space<vmem>> -> memref<128xi32, #tpu.memory_space<vmem>>
      %dma_wait3A_226 = arith.constant 0 : i32
      %dma_wait3A_227 = arith.constant 0 : i32
      %dma_wait3A_228 = tpu.memref_slice %arg2[%arg0, %dma_wait3A_226, %dma_wait3A_227] : memref<2x10112x64xf32, #tpu.memory_space<hbm>> -> memref<1x10112x64xf32, #tpu.memory_space<hbm>>
      %dma_wait3A_229 = tpu.memref_squeeze %dma_wait3A_228 : memref<1x10112x64xf32, #tpu.memory_space<hbm>> -> memref<10112x64xf32, #tpu.memory_space<hbm>>
      %dma_wait3A_230 = arith.constant 0 : i32
      %dma_wait3A_231 = arith.constant 0 : i32
      %dma_wait3A_232 = tpu.memref_slice %dma_wait3A_229[%dma_wait3A_230, %dma_wait3A_231] : memref<10112x64xf32, #tpu.memory_space<hbm>> -> memref<10112x64xf32, #tpu.memory_space<hbm>>
      tpu.wait_indirect_dma semaphore(%arg15 : memref<!tpu.dma_semaphore, #tpu.memory_space<semaphore_mem>>) src(%dma_wait3A_232 : memref<10112x64xf32, #tpu.memory_space<hbm>>) dst(%dma_wait3A_222 : memref<128x64xf32, #tpu.memory_space<vmem>>)
      %dma_start3A_233 = arith.constant 3 : i32
      %dma_start3A_234 = arith.constant 0 : i32
      %dma_start3A_235 = arith.constant 0 : i32
      %dma_start3A_236 = tpu.memref_slice %arg9[%dma_start3A_233, %dma_start3A_234, %dma_start3A_235] : memref<4x128x64xf32, #tpu.memory_space<vmem>> -> memref<1x128x64xf32, #tpu.memory_space<vmem>>
      %dma_start3A_237 = tpu.memref_squeeze %dma_start3A_236 : memref<1x128x64xf32, #tpu.memory_space<vmem>> -> memref<128x64xf32, #tpu.memory_space<vmem>>
      %dma_start3A_238 = arith.constant 0 : i32
      %dma_start3A_239 = tpu.memref_slice %arg8[%add3A_205, %dma_start3A_238] : memref<160x128xi32, #tpu.memory_space<vmem>> -> memref<1x128xi32, #tpu.memory_space<vmem>>
      %dma_start3A_240 = tpu.memref_squeeze %dma_start3A_239 : memref<1x128xi32, #tpu.memory_space<vmem>> -> memref<128xi32, #tpu.memory_space<vmem>>
      %dma_start3A_241 = arith.constant 0 : i32
      %dma_start3A_242 = arith.constant 0 : i32
      %dma_start3A_243 = tpu.memref_slice %arg11[%dma_start3A_241, %dma_start3A_242] : memref<10112x64xf32, #tpu.memory_space<vmem_shared>> -> memref<10112x64xf32, #tpu.memory_space<vmem_shared>>
      tpu.enqueue_indirect_dma source(%dma_start3A_237 : memref<128x64xf32, #tpu.memory_space<vmem>>) target(%dma_start3A_243 : memref<10112x64xf32, #tpu.memory_space<vmem_shared>>) offsets(%dma_start3A_240 : memref<128xi32, #tpu.memory_space<vmem>>) semaphore(%arg19 : memref<!tpu.dma_semaphore, #tpu.memory_space<semaphore_mem>>) {add = true}
    }
    %scan3A_48 = arith.constant 40 : i32
    %dma_wait3A = arith.constant 2 : i32
    %dma_wait3A_49 = arith.constant 158 : i32
    %dma_wait3A_50 = arith.constant 0 : i32
    %dma_wait3A_51 = arith.constant 0 : i32
    %dma_wait3A_52 = tpu.memref_slice %arg9[%dma_wait3A, %dma_wait3A_50, %dma_wait3A_51] : memref<4x128x64xf32, #tpu.memory_space<vmem>> -> memref<1x128x64xf32, #tpu.memory_space<vmem>>
    %dma_wait3A_53 = tpu.memref_squeeze %dma_wait3A_52 : memref<1x128x64xf32, #tpu.memory_space<vmem>> -> memref<128x64xf32, #tpu.memory_space<vmem>>
    %dma_wait3A_54 = arith.constant 0 : i32
    %dma_wait3A_55 = tpu.memref_slice %arg8[%dma_wait3A_49, %dma_wait3A_54] : memref<160x128xi32, #tpu.memory_space<vmem>> -> memref<1x128xi32, #tpu.memory_space<vmem>>
    %dma_wait3A_56 = tpu.memref_squeeze %dma_wait3A_55 : memref<1x128xi32, #tpu.memory_space<vmem>> -> memref<128xi32, #tpu.memory_space<vmem>>
    %dma_wait3A_57 = arith.constant 0 : i32
    %dma_wait3A_58 = arith.constant 0 : i32
    %dma_wait3A_59 = tpu.memref_slice %arg11[%dma_wait3A_57, %dma_wait3A_58] : memref<10112x64xf32, #tpu.memory_space<vmem_shared>> -> memref<10112x64xf32, #tpu.memory_space<vmem_shared>>
    tpu.wait_indirect_dma semaphore(%arg18 : memref<!tpu.dma_semaphore, #tpu.memory_space<semaphore_mem>>) src(%dma_wait3A_53 : memref<128x64xf32, #tpu.memory_space<vmem>>) dst(%dma_wait3A_59 : memref<10112x64xf32, #tpu.memory_space<vmem_shared>>)
    %dma_wait3A_60 = arith.constant 3 : i32
    %dma_wait3A_61 = arith.constant 159 : i32
    %dma_wait3A_62 = arith.constant 0 : i32
    %dma_wait3A_63 = arith.constant 0 : i32
    %dma_wait3A_64 = tpu.memref_slice %arg9[%dma_wait3A_60, %dma_wait3A_62, %dma_wait3A_63] : memref<4x128x64xf32, #tpu.memory_space<vmem>> -> memref<1x128x64xf32, #tpu.memory_space<vmem>>
    %dma_wait3A_65 = tpu.memref_squeeze %dma_wait3A_64 : memref<1x128x64xf32, #tpu.memory_space<vmem>> -> memref<128x64xf32, #tpu.memory_space<vmem>>
    %dma_wait3A_66 = arith.constant 0 : i32
    %dma_wait3A_67 = tpu.memref_slice %arg8[%dma_wait3A_61, %dma_wait3A_66] : memref<160x128xi32, #tpu.memory_space<vmem>> -> memref<1x128xi32, #tpu.memory_space<vmem>>
    %dma_wait3A_68 = tpu.memref_squeeze %dma_wait3A_67 : memref<1x128xi32, #tpu.memory_space<vmem>> -> memref<128xi32, #tpu.memory_space<vmem>>
    %dma_wait3A_69 = arith.constant 0 : i32
    %dma_wait3A_70 = arith.constant 0 : i32
    %dma_wait3A_71 = tpu.memref_slice %arg11[%dma_wait3A_69, %dma_wait3A_70] : memref<10112x64xf32, #tpu.memory_space<vmem_shared>> -> memref<10112x64xf32, #tpu.memory_space<vmem_shared>>
    tpu.wait_indirect_dma semaphore(%arg19 : memref<!tpu.dma_semaphore, #tpu.memory_space<semaphore_mem>>) src(%dma_wait3A_65 : memref<128x64xf32, #tpu.memory_space<vmem>>) dst(%dma_wait3A_71 : memref<10112x64xf32, #tpu.memory_space<vmem_shared>>)
    %barrier3A_72 = arith.constant 0 : index
    tpu.barrier barrier_id(%barrier3A_72)
    %dma_start3A_73 = arith.constant 0 : i32
    %dma_start3A_74 = tpu.memref_slice %arg6[%arg0, %mul3A_4, %dma_start3A_73] : memref<2x10112x64xf32, #tpu.memory_space<hbm>> -> memref<1x632x64xf32, #tpu.memory_space<hbm>>
    %dma_start3A_75 = tpu.memref_squeeze %dma_start3A_74 : memref<1x632x64xf32, #tpu.memory_space<hbm>> -> memref<632x64xf32, #tpu.memory_space<hbm>>
    %dma_start3A_76 = arith.constant 0 : i32
    %dma_start3A_77 = tpu.memref_slice %arg11[%mul3A_4, %dma_start3A_76] : memref<10112x64xf32, #tpu.memory_space<vmem_shared>> -> memref<632x64xf32, #tpu.memory_space<vmem_shared>>
    tpu.enqueue_dma source(%dma_start3A_77 : memref<632x64xf32, #tpu.memory_space<vmem_shared>>) target(%dma_start3A_75 : memref<632x64xf32, #tpu.memory_space<hbm>>) target_semaphore(%arg21 : memref<!tpu.dma_semaphore, #tpu.memory_space<semaphore_mem>>)
    %dma_wait3A_78 = arith.constant 0 : i32
    %dma_wait3A_79 = tpu.memref_slice %arg6[%arg0, %mul3A_4, %dma_wait3A_78] : memref<2x10112x64xf32, #tpu.memory_space<hbm>> -> memref<1x632x64xf32, #tpu.memory_space<hbm>>
    %dma_wait3A_80 = tpu.memref_squeeze %dma_wait3A_79 : memref<1x632x64xf32, #tpu.memory_space<hbm>> -> memref<632x64xf32, #tpu.memory_space<hbm>>
    %dma_wait3A_81 = arith.constant 0 : i32
    %dma_wait3A_82 = tpu.memref_slice %arg11[%mul3A_4, %dma_wait3A_81] : memref<10112x64xf32, #tpu.memory_space<vmem_shared>> -> memref<632x64xf32, #tpu.memory_space<vmem_shared>>
    tpu.wait_dma2 semaphore(%arg21 : memref<!tpu.dma_semaphore, #tpu.memory_space<semaphore_mem>>) src(%dma_wait3A_82 : memref<632x64xf32, #tpu.memory_space<vmem_shared>>) dst(%dma_wait3A_80 : memref<632x64xf32, #tpu.memory_space<hbm>>)
    return
  }
}

#map = affine_map<(d0, d1) -> (0, 0)>
#map1 = affine_map<(d0, d1) -> (0, 0, 0)>
module attributes {stable_mosaic.version = 14 : i64} {
  func.func @_edge1_body(%arg0: i32, %arg1: i32, %arg2: memref<10112x64xf32, #tpu.memory_space<hbm>>, %arg3: memref<2560x128xi32, #tpu.memory_space<hbm>>, %arg4: memref<2560x128xi32, #tpu.memory_space<hbm>>, %arg5: memref<128x64xf32, #tpu.memory_space<hbm>>, %arg6: memref<2x10112x64xf32, #tpu.memory_space<hbm>>, %arg7: memref<80x128xi32, #tpu.memory_space<vmem>>, %arg8: memref<80x128xi32, #tpu.memory_space<vmem>>, %arg9: memref<4x128x64xf32, #tpu.memory_space<vmem>>, %arg10: memref<128x64xf32, #tpu.memory_space<vmem>>, %arg11: memref<10112x64xf32, #tpu.memory_space<vmem_shared>>, %arg12: memref<!tpu.dma_semaphore, #tpu.memory_space<semaphore_mem>>, %arg13: memref<!tpu.dma_semaphore, #tpu.memory_space<semaphore_mem>>, %arg14: memref<!tpu.dma_semaphore, #tpu.memory_space<semaphore_mem>>, %arg15: memref<!tpu.dma_semaphore, #tpu.memory_space<semaphore_mem>>, %arg16: memref<!tpu.dma_semaphore, #tpu.memory_space<semaphore_mem>>, %arg17: memref<!tpu.dma_semaphore, #tpu.memory_space<semaphore_mem>>, %arg18: memref<!tpu.dma_semaphore, #tpu.memory_space<semaphore_mem>>, %arg19: memref<!tpu.dma_semaphore, #tpu.memory_space<semaphore_mem>>, %arg20: memref<!tpu.dma_semaphore, #tpu.memory_space<semaphore_mem>>, %arg21: memref<!tpu.dma_semaphore, #tpu.memory_space<semaphore_mem>>) attributes {dimension_semantics = [#tpu.dimension_semantics<core_parallel>, #tpu.dimension_semantics<subcore_parallel>], iteration_bounds = array<i64: 2, 16>, scalar_prefetch = 0 : i64, scratch_operands = 15 : i64, tpu.core_type = #tpu.core_type<sc_vector_subcore>, window_params = [{transform_indices = #map}, {transform_indices = #map}, {transform_indices = #map}, {transform_indices = #map}, {transform_indices = #map1}]} {
    %mul3A = arith.constant 2 : i32
    %mul3A_0 = arith.muli %arg1, %mul3A : i32
    %add3A = arith.addi %mul3A_0, %arg0 : i32
    %mul3A_1 = arith.constant 80 : i32
    %mul3A_2 = arith.muli %add3A, %mul3A_1 : i32
    %mul3A_3 = arith.constant 80 : i32
    %mul3A_4 = arith.muli %add3A, %mul3A_3 : i32
    "tpu.region"() ({
      %run_scoped3A = tpu.sem_alloc : memref<!tpu.dma_semaphore, #tpu.memory_space<semaphore_mem>>
      tpu.enqueue_dma source(%arg5 : memref<128x64xf32, #tpu.memory_space<hbm>>) target(%arg10 : memref<128x64xf32, #tpu.memory_space<vmem>>) target_semaphore(%run_scoped3A : memref<!tpu.dma_semaphore, #tpu.memory_space<semaphore_mem>>)
      tpu.wait_dma2 semaphore(%run_scoped3A : memref<!tpu.dma_semaphore, #tpu.memory_space<semaphore_mem>>) src(%arg5 : memref<128x64xf32, #tpu.memory_space<hbm>>) dst(%arg10 : memref<128x64xf32, #tpu.memory_space<vmem>>)
      tpu.yield
    }) : () -> ()
    %mul3A_5 = arith.constant 632 : i32
    %mul3A_6 = arith.muli %arg1, %mul3A_5 : i32
    %add3A_7 = arith.constant 0 : i32
    %add3A_8 = arith.addi %mul3A_6, %add3A_7 : i32
    "tpu.region"() ({
      %run_scoped3A = tpu.sem_alloc : memref<!tpu.dma_semaphore, #tpu.memory_space<semaphore_mem>>
      %dma_start3A_78 = arith.constant 0 : i32
      %dma_start3A_79 = tpu.memref_slice %arg11[%add3A_8, %dma_start3A_78] : memref<10112x64xf32, #tpu.memory_space<vmem_shared>> -> memref<128x64xf32, #tpu.memory_space<vmem_shared>>
      %dma_start3A_80 = arith.constant 0 : i32
      %dma_start3A_81 = tpu.memref_slice %arg11[%add3A_8, %dma_start3A_80] : memref<10112x64xf32, #tpu.memory_space<vmem_shared>> -> memref<128x64xf32, #tpu.memory_space<vmem_shared>>
      tpu.enqueue_dma source(%arg10 : memref<128x64xf32, #tpu.memory_space<vmem>>) target(%dma_start3A_81 : memref<128x64xf32, #tpu.memory_space<vmem_shared>>) target_semaphore(%run_scoped3A : memref<!tpu.dma_semaphore, #tpu.memory_space<semaphore_mem>>)
      %dma_wait3A_82 = arith.constant 0 : i32
      %dma_wait3A_83 = tpu.memref_slice %arg11[%add3A_8, %dma_wait3A_82] : memref<10112x64xf32, #tpu.memory_space<vmem_shared>> -> memref<128x64xf32, #tpu.memory_space<vmem_shared>>
      %dma_wait3A_84 = arith.constant 0 : i32
      %dma_wait3A_85 = tpu.memref_slice %arg11[%add3A_8, %dma_wait3A_84] : memref<10112x64xf32, #tpu.memory_space<vmem_shared>> -> memref<128x64xf32, #tpu.memory_space<vmem_shared>>
      tpu.wait_dma2 semaphore(%run_scoped3A : memref<!tpu.dma_semaphore, #tpu.memory_space<semaphore_mem>>) src(%arg10 : memref<128x64xf32, #tpu.memory_space<vmem>>) dst(%dma_wait3A_85 : memref<128x64xf32, #tpu.memory_space<vmem_shared>>)
      tpu.yield
    }) : () -> ()
    %add3A_9 = arith.constant 128 : i32
    %add3A_10 = arith.addi %mul3A_6, %add3A_9 : i32
    "tpu.region"() ({
      %run_scoped3A = tpu.sem_alloc : memref<!tpu.dma_semaphore, #tpu.memory_space<semaphore_mem>>
      %dma_start3A_78 = arith.constant 0 : i32
      %dma_start3A_79 = tpu.memref_slice %arg11[%add3A_10, %dma_start3A_78] : memref<10112x64xf32, #tpu.memory_space<vmem_shared>> -> memref<128x64xf32, #tpu.memory_space<vmem_shared>>
      %dma_start3A_80 = arith.constant 0 : i32
      %dma_start3A_81 = tpu.memref_slice %arg11[%add3A_10, %dma_start3A_80] : memref<10112x64xf32, #tpu.memory_space<vmem_shared>> -> memref<128x64xf32, #tpu.memory_space<vmem_shared>>
      tpu.enqueue_dma source(%arg10 : memref<128x64xf32, #tpu.memory_space<vmem>>) target(%dma_start3A_81 : memref<128x64xf32, #tpu.memory_space<vmem_shared>>) target_semaphore(%run_scoped3A : memref<!tpu.dma_semaphore, #tpu.memory_space<semaphore_mem>>)
      %dma_wait3A_82 = arith.constant 0 : i32
      %dma_wait3A_83 = tpu.memref_slice %arg11[%add3A_10, %dma_wait3A_82] : memref<10112x64xf32, #tpu.memory_space<vmem_shared>> -> memref<128x64xf32, #tpu.memory_space<vmem_shared>>
      %dma_wait3A_84 = arith.constant 0 : i32
      %dma_wait3A_85 = tpu.memref_slice %arg11[%add3A_10, %dma_wait3A_84] : memref<10112x64xf32, #tpu.memory_space<vmem_shared>> -> memref<128x64xf32, #tpu.memory_space<vmem_shared>>
      tpu.wait_dma2 semaphore(%run_scoped3A : memref<!tpu.dma_semaphore, #tpu.memory_space<semaphore_mem>>) src(%arg10 : memref<128x64xf32, #tpu.memory_space<vmem>>) dst(%dma_wait3A_85 : memref<128x64xf32, #tpu.memory_space<vmem_shared>>)
      tpu.yield
    }) : () -> ()
    %add3A_11 = arith.constant 256 : i32
    %add3A_12 = arith.addi %mul3A_6, %add3A_11 : i32
    "tpu.region"() ({
      %run_scoped3A = tpu.sem_alloc : memref<!tpu.dma_semaphore, #tpu.memory_space<semaphore_mem>>
      %dma_start3A_78 = arith.constant 0 : i32
      %dma_start3A_79 = tpu.memref_slice %arg11[%add3A_12, %dma_start3A_78] : memref<10112x64xf32, #tpu.memory_space<vmem_shared>> -> memref<128x64xf32, #tpu.memory_space<vmem_shared>>
      %dma_start3A_80 = arith.constant 0 : i32
      %dma_start3A_81 = tpu.memref_slice %arg11[%add3A_12, %dma_start3A_80] : memref<10112x64xf32, #tpu.memory_space<vmem_shared>> -> memref<128x64xf32, #tpu.memory_space<vmem_shared>>
      tpu.enqueue_dma source(%arg10 : memref<128x64xf32, #tpu.memory_space<vmem>>) target(%dma_start3A_81 : memref<128x64xf32, #tpu.memory_space<vmem_shared>>) target_semaphore(%run_scoped3A : memref<!tpu.dma_semaphore, #tpu.memory_space<semaphore_mem>>)
      %dma_wait3A_82 = arith.constant 0 : i32
      %dma_wait3A_83 = tpu.memref_slice %arg11[%add3A_12, %dma_wait3A_82] : memref<10112x64xf32, #tpu.memory_space<vmem_shared>> -> memref<128x64xf32, #tpu.memory_space<vmem_shared>>
      %dma_wait3A_84 = arith.constant 0 : i32
      %dma_wait3A_85 = tpu.memref_slice %arg11[%add3A_12, %dma_wait3A_84] : memref<10112x64xf32, #tpu.memory_space<vmem_shared>> -> memref<128x64xf32, #tpu.memory_space<vmem_shared>>
      tpu.wait_dma2 semaphore(%run_scoped3A : memref<!tpu.dma_semaphore, #tpu.memory_space<semaphore_mem>>) src(%arg10 : memref<128x64xf32, #tpu.memory_space<vmem>>) dst(%dma_wait3A_85 : memref<128x64xf32, #tpu.memory_space<vmem_shared>>)
      tpu.yield
    }) : () -> ()
    %add3A_13 = arith.constant 384 : i32
    %add3A_14 = arith.addi %mul3A_6, %add3A_13 : i32
    "tpu.region"() ({
      %run_scoped3A = tpu.sem_alloc : memref<!tpu.dma_semaphore, #tpu.memory_space<semaphore_mem>>
      %dma_start3A_78 = arith.constant 0 : i32
      %dma_start3A_79 = tpu.memref_slice %arg11[%add3A_14, %dma_start3A_78] : memref<10112x64xf32, #tpu.memory_space<vmem_shared>> -> memref<128x64xf32, #tpu.memory_space<vmem_shared>>
      %dma_start3A_80 = arith.constant 0 : i32
      %dma_start3A_81 = tpu.memref_slice %arg11[%add3A_14, %dma_start3A_80] : memref<10112x64xf32, #tpu.memory_space<vmem_shared>> -> memref<128x64xf32, #tpu.memory_space<vmem_shared>>
      tpu.enqueue_dma source(%arg10 : memref<128x64xf32, #tpu.memory_space<vmem>>) target(%dma_start3A_81 : memref<128x64xf32, #tpu.memory_space<vmem_shared>>) target_semaphore(%run_scoped3A : memref<!tpu.dma_semaphore, #tpu.memory_space<semaphore_mem>>)
      %dma_wait3A_82 = arith.constant 0 : i32
      %dma_wait3A_83 = tpu.memref_slice %arg11[%add3A_14, %dma_wait3A_82] : memref<10112x64xf32, #tpu.memory_space<vmem_shared>> -> memref<128x64xf32, #tpu.memory_space<vmem_shared>>
      %dma_wait3A_84 = arith.constant 0 : i32
      %dma_wait3A_85 = tpu.memref_slice %arg11[%add3A_14, %dma_wait3A_84] : memref<10112x64xf32, #tpu.memory_space<vmem_shared>> -> memref<128x64xf32, #tpu.memory_space<vmem_shared>>
      tpu.wait_dma2 semaphore(%run_scoped3A : memref<!tpu.dma_semaphore, #tpu.memory_space<semaphore_mem>>) src(%arg10 : memref<128x64xf32, #tpu.memory_space<vmem>>) dst(%dma_wait3A_85 : memref<128x64xf32, #tpu.memory_space<vmem_shared>>)
      tpu.yield
    }) : () -> ()
    %add3A_15 = arith.constant 512 : i32
    %add3A_16 = arith.addi %mul3A_6, %add3A_15 : i32
    "tpu.region"() ({
      %run_scoped3A = tpu.sem_alloc : memref<!tpu.dma_semaphore, #tpu.memory_space<semaphore_mem>>
      %dma_start3A_78 = arith.constant 0 : i32
      %dma_start3A_79 = arith.constant 0 : i32
      %dma_start3A_80 = tpu.memref_slice %arg10[%dma_start3A_78, %dma_start3A_79] : memref<128x64xf32, #tpu.memory_space<vmem>> -> memref<120x64xf32, #tpu.memory_space<vmem>>
      %dma_start3A_81 = arith.constant 0 : i32
      %dma_start3A_82 = tpu.memref_slice %arg11[%add3A_16, %dma_start3A_81] : memref<10112x64xf32, #tpu.memory_space<vmem_shared>> -> memref<120x64xf32, #tpu.memory_space<vmem_shared>>
      %dma_start3A_83 = arith.constant 0 : i32
      %dma_start3A_84 = tpu.memref_slice %arg11[%add3A_16, %dma_start3A_83] : memref<10112x64xf32, #tpu.memory_space<vmem_shared>> -> memref<120x64xf32, #tpu.memory_space<vmem_shared>>
      %dma_start3A_85 = arith.constant 0 : i32
      %dma_start3A_86 = arith.constant 0 : i32
      %dma_start3A_87 = tpu.memref_slice %arg10[%dma_start3A_85, %dma_start3A_86] : memref<128x64xf32, #tpu.memory_space<vmem>> -> memref<120x64xf32, #tpu.memory_space<vmem>>
      tpu.enqueue_dma source(%dma_start3A_87 : memref<120x64xf32, #tpu.memory_space<vmem>>) target(%dma_start3A_84 : memref<120x64xf32, #tpu.memory_space<vmem_shared>>) target_semaphore(%run_scoped3A : memref<!tpu.dma_semaphore, #tpu.memory_space<semaphore_mem>>)
      %dma_wait3A_88 = arith.constant 0 : i32
      %dma_wait3A_89 = arith.constant 0 : i32
      %dma_wait3A_90 = tpu.memref_slice %arg10[%dma_wait3A_88, %dma_wait3A_89] : memref<128x64xf32, #tpu.memory_space<vmem>> -> memref<120x64xf32, #tpu.memory_space<vmem>>
      %dma_wait3A_91 = arith.constant 0 : i32
      %dma_wait3A_92 = tpu.memref_slice %arg11[%add3A_16, %dma_wait3A_91] : memref<10112x64xf32, #tpu.memory_space<vmem_shared>> -> memref<120x64xf32, #tpu.memory_space<vmem_shared>>
      %dma_wait3A_93 = arith.constant 0 : i32
      %dma_wait3A_94 = tpu.memref_slice %arg11[%add3A_16, %dma_wait3A_93] : memref<10112x64xf32, #tpu.memory_space<vmem_shared>> -> memref<120x64xf32, #tpu.memory_space<vmem_shared>>
      %dma_wait3A_95 = arith.constant 0 : i32
      %dma_wait3A_96 = arith.constant 0 : i32
      %dma_wait3A_97 = tpu.memref_slice %arg10[%dma_wait3A_95, %dma_wait3A_96] : memref<128x64xf32, #tpu.memory_space<vmem>> -> memref<120x64xf32, #tpu.memory_space<vmem>>
      tpu.wait_dma2 semaphore(%run_scoped3A : memref<!tpu.dma_semaphore, #tpu.memory_space<semaphore_mem>>) src(%dma_wait3A_97 : memref<120x64xf32, #tpu.memory_space<vmem>>) dst(%dma_wait3A_94 : memref<120x64xf32, #tpu.memory_space<vmem_shared>>)
      tpu.yield
    }) : () -> ()
    "tpu.region"() ({
      %run_scoped3A = tpu.sem_alloc : memref<!tpu.dma_semaphore, #tpu.memory_space<semaphore_mem>>
      %dma_start3A_78 = arith.constant 0 : i32
      %dma_start3A_79 = tpu.memref_slice %arg3[%mul3A_2, %dma_start3A_78] : memref<2560x128xi32, #tpu.memory_space<hbm>> -> memref<80x128xi32, #tpu.memory_space<hbm>>
      %dma_start3A_80 = arith.constant 0 : i32
      %dma_start3A_81 = tpu.memref_slice %arg3[%mul3A_2, %dma_start3A_80] : memref<2560x128xi32, #tpu.memory_space<hbm>> -> memref<80x128xi32, #tpu.memory_space<hbm>>
      tpu.enqueue_dma source(%dma_start3A_81 : memref<80x128xi32, #tpu.memory_space<hbm>>) target(%arg7 : memref<80x128xi32, #tpu.memory_space<vmem>>) target_semaphore(%run_scoped3A : memref<!tpu.dma_semaphore, #tpu.memory_space<semaphore_mem>>)
      %dma_wait3A_82 = arith.constant 0 : i32
      %dma_wait3A_83 = tpu.memref_slice %arg3[%mul3A_2, %dma_wait3A_82] : memref<2560x128xi32, #tpu.memory_space<hbm>> -> memref<80x128xi32, #tpu.memory_space<hbm>>
      %dma_wait3A_84 = arith.constant 0 : i32
      %dma_wait3A_85 = tpu.memref_slice %arg3[%mul3A_2, %dma_wait3A_84] : memref<2560x128xi32, #tpu.memory_space<hbm>> -> memref<80x128xi32, #tpu.memory_space<hbm>>
      tpu.wait_dma2 semaphore(%run_scoped3A : memref<!tpu.dma_semaphore, #tpu.memory_space<semaphore_mem>>) src(%dma_wait3A_85 : memref<80x128xi32, #tpu.memory_space<hbm>>) dst(%arg7 : memref<80x128xi32, #tpu.memory_space<vmem>>)
      tpu.yield
    }) : () -> ()
    "tpu.region"() ({
      %run_scoped3A = tpu.sem_alloc : memref<!tpu.dma_semaphore, #tpu.memory_space<semaphore_mem>>
      %dma_start3A_78 = arith.constant 0 : i32
      %dma_start3A_79 = tpu.memref_slice %arg4[%mul3A_4, %dma_start3A_78] : memref<2560x128xi32, #tpu.memory_space<hbm>> -> memref<80x128xi32, #tpu.memory_space<hbm>>
      %dma_start3A_80 = arith.constant 0 : i32
      %dma_start3A_81 = tpu.memref_slice %arg4[%mul3A_4, %dma_start3A_80] : memref<2560x128xi32, #tpu.memory_space<hbm>> -> memref<80x128xi32, #tpu.memory_space<hbm>>
      tpu.enqueue_dma source(%dma_start3A_81 : memref<80x128xi32, #tpu.memory_space<hbm>>) target(%arg8 : memref<80x128xi32, #tpu.memory_space<vmem>>) target_semaphore(%run_scoped3A : memref<!tpu.dma_semaphore, #tpu.memory_space<semaphore_mem>>)
      %dma_wait3A_82 = arith.constant 0 : i32
      %dma_wait3A_83 = tpu.memref_slice %arg4[%mul3A_4, %dma_wait3A_82] : memref<2560x128xi32, #tpu.memory_space<hbm>> -> memref<80x128xi32, #tpu.memory_space<hbm>>
      %dma_wait3A_84 = arith.constant 0 : i32
      %dma_wait3A_85 = tpu.memref_slice %arg4[%mul3A_4, %dma_wait3A_84] : memref<2560x128xi32, #tpu.memory_space<hbm>> -> memref<80x128xi32, #tpu.memory_space<hbm>>
      tpu.wait_dma2 semaphore(%run_scoped3A : memref<!tpu.dma_semaphore, #tpu.memory_space<semaphore_mem>>) src(%dma_wait3A_85 : memref<80x128xi32, #tpu.memory_space<hbm>>) dst(%arg8 : memref<80x128xi32, #tpu.memory_space<vmem>>)
      tpu.yield
    }) : () -> ()
    %barrier3A = arith.constant 0 : index
    tpu.barrier barrier_id(%barrier3A)
    %dma_start3A = arith.constant 0 : i32
    %dma_start3A_17 = arith.constant 0 : i32
    %dma_start3A_18 = arith.constant 0 : i32
    %dma_start3A_19 = arith.constant 0 : i32
    %dma_start3A_20 = tpu.memref_slice %arg9[%dma_start3A_17, %dma_start3A_18, %dma_start3A_19] : memref<4x128x64xf32, #tpu.memory_space<vmem>> -> memref<1x128x64xf32, #tpu.memory_space<vmem>>
    %dma_start3A_21 = tpu.memref_squeeze %dma_start3A_20 : memref<1x128x64xf32, #tpu.memory_space<vmem>> -> memref<128x64xf32, #tpu.memory_space<vmem>>
    %dma_start3A_22 = arith.constant 0 : i32
    %dma_start3A_23 = tpu.memref_slice %arg7[%dma_start3A, %dma_start3A_22] : memref<80x128xi32, #tpu.memory_space<vmem>> -> memref<1x128xi32, #tpu.memory_space<vmem>>
    %dma_start3A_24 = tpu.memref_squeeze %dma_start3A_23 : memref<1x128xi32, #tpu.memory_space<vmem>> -> memref<128xi32, #tpu.memory_space<vmem>>
    %dma_start3A_25 = arith.constant 0 : i32
    %dma_start3A_26 = arith.constant 0 : i32
    %dma_start3A_27 = tpu.memref_slice %arg2[%dma_start3A_25, %dma_start3A_26] : memref<10112x64xf32, #tpu.memory_space<hbm>> -> memref<10112x64xf32, #tpu.memory_space<hbm>>
    tpu.enqueue_indirect_dma source(%dma_start3A_27 : memref<10112x64xf32, #tpu.memory_space<hbm>>) target(%dma_start3A_21 : memref<128x64xf32, #tpu.memory_space<vmem>>) offsets(%dma_start3A_24 : memref<128xi32, #tpu.memory_space<vmem>>) semaphore(%arg12 : memref<!tpu.dma_semaphore, #tpu.memory_space<semaphore_mem>>)
    %dma_start3A_28 = arith.constant 1 : i32
    %dma_start3A_29 = arith.constant 1 : i32
    %dma_start3A_30 = arith.constant 0 : i32
    %dma_start3A_31 = arith.constant 0 : i32
    %dma_start3A_32 = tpu.memref_slice %arg9[%dma_start3A_29, %dma_start3A_30, %dma_start3A_31] : memref<4x128x64xf32, #tpu.memory_space<vmem>> -> memref<1x128x64xf32, #tpu.memory_space<vmem>>
    %dma_start3A_33 = tpu.memref_squeeze %dma_start3A_32 : memref<1x128x64xf32, #tpu.memory_space<vmem>> -> memref<128x64xf32, #tpu.memory_space<vmem>>
    %dma_start3A_34 = arith.constant 0 : i32
    %dma_start3A_35 = tpu.memref_slice %arg7[%dma_start3A_28, %dma_start3A_34] : memref<80x128xi32, #tpu.memory_space<vmem>> -> memref<1x128xi32, #tpu.memory_space<vmem>>
    %dma_start3A_36 = tpu.memref_squeeze %dma_start3A_35 : memref<1x128xi32, #tpu.memory_space<vmem>> -> memref<128xi32, #tpu.memory_space<vmem>>
    %dma_start3A_37 = arith.constant 0 : i32
    %dma_start3A_38 = arith.constant 0 : i32
    %dma_start3A_39 = tpu.memref_slice %arg2[%dma_start3A_37, %dma_start3A_38] : memref<10112x64xf32, #tpu.memory_space<hbm>> -> memref<10112x64xf32, #tpu.memory_space<hbm>>
    tpu.enqueue_indirect_dma source(%dma_start3A_39 : memref<10112x64xf32, #tpu.memory_space<hbm>>) target(%dma_start3A_33 : memref<128x64xf32, #tpu.memory_space<vmem>>) offsets(%dma_start3A_36 : memref<128xi32, #tpu.memory_space<vmem>>) semaphore(%arg13 : memref<!tpu.dma_semaphore, #tpu.memory_space<semaphore_mem>>)
    %scan3A = arith.constant 0 : i32
    %scan3A_40 = arith.constant 20 : i32
    %scan3A_41 = arith.addi %scan3A, %scan3A_40 : i32
    %scan3A_42 = arith.constant 1 : i32
    scf.for %scan3A_78 = %scan3A to %scan3A_41 step %scan3A_42  : i32 {
      %mul3A_79 = arith.constant 4 : i32
      %mul3A_80 = arith.muli %scan3A_78, %mul3A_79 : i32
      %add3A_81 = arith.constant 0 : i32
      %add3A_82 = arith.addi %add3A_81, %mul3A_80 : i32
      %add3A_83 = arith.constant 0 : i32
      %add3A_84 = arith.addi %add3A_82, %add3A_83 : i32
      %ge3A = arith.constant 2 : i32
      %ge3A_85 = arith.cmpi sge, %add3A_84, %ge3A : i32
      %convert_element_type3A = arith.extui %ge3A_85 : i1 to i32
      %cond3A = arith.constant 0 : i32
      %cond3A_86 = arith.cmpi ne, %convert_element_type3A, %cond3A : i32
      scf.if %cond3A_86 {
        %sub3A = arith.constant 2 : i32
        %sub3A_223 = arith.subi %add3A_84, %sub3A : i32
        %dma_wait3A_224 = arith.constant 2 : i32
        %dma_wait3A_225 = arith.constant 0 : i32
        %dma_wait3A_226 = arith.constant 0 : i32
        %dma_wait3A_227 = tpu.memref_slice %arg9[%dma_wait3A_224, %dma_wait3A_225, %dma_wait3A_226] : memref<4x128x64xf32, #tpu.memory_space<vmem>> -> memref<1x128x64xf32, #tpu.memory_space<vmem>>
        %dma_wait3A_228 = tpu.memref_squeeze %dma_wait3A_227 : memref<1x128x64xf32, #tpu.memory_space<vmem>> -> memref<128x64xf32, #tpu.memory_space<vmem>>
        %dma_wait3A_229 = arith.constant 0 : i32
        %dma_wait3A_230 = tpu.memref_slice %arg8[%sub3A_223, %dma_wait3A_229] : memref<80x128xi32, #tpu.memory_space<vmem>> -> memref<1x128xi32, #tpu.memory_space<vmem>>
        %dma_wait3A_231 = tpu.memref_squeeze %dma_wait3A_230 : memref<1x128xi32, #tpu.memory_space<vmem>> -> memref<128xi32, #tpu.memory_space<vmem>>
        %dma_wait3A_232 = arith.constant 0 : i32
        %dma_wait3A_233 = arith.constant 0 : i32
        %dma_wait3A_234 = tpu.memref_slice %arg11[%dma_wait3A_232, %dma_wait3A_233] : memref<10112x64xf32, #tpu.memory_space<vmem_shared>> -> memref<10112x64xf32, #tpu.memory_space<vmem_shared>>
        tpu.wait_indirect_dma semaphore(%arg18 : memref<!tpu.dma_semaphore, #tpu.memory_space<semaphore_mem>>) src(%dma_wait3A_228 : memref<128x64xf32, #tpu.memory_space<vmem>>) dst(%dma_wait3A_234 : memref<10112x64xf32, #tpu.memory_space<vmem_shared>>)
      } else {
      }
      %add3A_87 = arith.constant 2 : i32
      %add3A_88 = arith.addi %add3A_84, %add3A_87 : i32
      %lt3A = arith.constant 80 : i32
      %lt3A_89 = arith.cmpi slt, %add3A_88, %lt3A : i32
      %convert_element_type3A_90 = arith.extui %lt3A_89 : i1 to i32
      %cond3A_91 = arith.constant 0 : i32
      %cond3A_92 = arith.cmpi ne, %convert_element_type3A_90, %cond3A_91 : i32
      scf.if %cond3A_92 {
        %add3A_223 = arith.constant 2 : i32
        %add3A_224 = arith.addi %add3A_84, %add3A_223 : i32
        %dma_start3A_225 = arith.constant 2 : i32
        %dma_start3A_226 = arith.constant 0 : i32
        %dma_start3A_227 = arith.constant 0 : i32
        %dma_start3A_228 = tpu.memref_slice %arg9[%dma_start3A_225, %dma_start3A_226, %dma_start3A_227] : memref<4x128x64xf32, #tpu.memory_space<vmem>> -> memref<1x128x64xf32, #tpu.memory_space<vmem>>
        %dma_start3A_229 = tpu.memref_squeeze %dma_start3A_228 : memref<1x128x64xf32, #tpu.memory_space<vmem>> -> memref<128x64xf32, #tpu.memory_space<vmem>>
        %dma_start3A_230 = arith.constant 0 : i32
        %dma_start3A_231 = tpu.memref_slice %arg7[%add3A_224, %dma_start3A_230] : memref<80x128xi32, #tpu.memory_space<vmem>> -> memref<1x128xi32, #tpu.memory_space<vmem>>
        %dma_start3A_232 = tpu.memref_squeeze %dma_start3A_231 : memref<1x128xi32, #tpu.memory_space<vmem>> -> memref<128xi32, #tpu.memory_space<vmem>>
        %dma_start3A_233 = arith.constant 0 : i32
        %dma_start3A_234 = arith.constant 0 : i32
        %dma_start3A_235 = tpu.memref_slice %arg2[%dma_start3A_233, %dma_start3A_234] : memref<10112x64xf32, #tpu.memory_space<hbm>> -> memref<10112x64xf32, #tpu.memory_space<hbm>>
        tpu.enqueue_indirect_dma source(%dma_start3A_235 : memref<10112x64xf32, #tpu.memory_space<hbm>>) target(%dma_start3A_229 : memref<128x64xf32, #tpu.memory_space<vmem>>) offsets(%dma_start3A_232 : memref<128xi32, #tpu.memory_space<vmem>>) semaphore(%arg14 : memref<!tpu.dma_semaphore, #tpu.memory_space<semaphore_mem>>)
      } else {
      }
      %dma_wait3A_93 = arith.constant 0 : i32
      %dma_wait3A_94 = arith.constant 0 : i32
      %dma_wait3A_95 = arith.constant 0 : i32
      %dma_wait3A_96 = tpu.memref_slice %arg9[%dma_wait3A_93, %dma_wait3A_94, %dma_wait3A_95] : memref<4x128x64xf32, #tpu.memory_space<vmem>> -> memref<1x128x64xf32, #tpu.memory_space<vmem>>
      %dma_wait3A_97 = tpu.memref_squeeze %dma_wait3A_96 : memref<1x128x64xf32, #tpu.memory_space<vmem>> -> memref<128x64xf32, #tpu.memory_space<vmem>>
      %dma_wait3A_98 = arith.constant 0 : i32
      %dma_wait3A_99 = tpu.memref_slice %arg7[%add3A_84, %dma_wait3A_98] : memref<80x128xi32, #tpu.memory_space<vmem>> -> memref<1x128xi32, #tpu.memory_space<vmem>>
      %dma_wait3A_100 = tpu.memref_squeeze %dma_wait3A_99 : memref<1x128xi32, #tpu.memory_space<vmem>> -> memref<128xi32, #tpu.memory_space<vmem>>
      %dma_wait3A_101 = arith.constant 0 : i32
      %dma_wait3A_102 = arith.constant 0 : i32
      %dma_wait3A_103 = tpu.memref_slice %arg2[%dma_wait3A_101, %dma_wait3A_102] : memref<10112x64xf32, #tpu.memory_space<hbm>> -> memref<10112x64xf32, #tpu.memory_space<hbm>>
      tpu.wait_indirect_dma semaphore(%arg12 : memref<!tpu.dma_semaphore, #tpu.memory_space<semaphore_mem>>) src(%dma_wait3A_103 : memref<10112x64xf32, #tpu.memory_space<hbm>>) dst(%dma_wait3A_97 : memref<128x64xf32, #tpu.memory_space<vmem>>)
      %dma_start3A_104 = arith.constant 0 : i32
      %dma_start3A_105 = arith.constant 0 : i32
      %dma_start3A_106 = arith.constant 0 : i32
      %dma_start3A_107 = tpu.memref_slice %arg9[%dma_start3A_104, %dma_start3A_105, %dma_start3A_106] : memref<4x128x64xf32, #tpu.memory_space<vmem>> -> memref<1x128x64xf32, #tpu.memory_space<vmem>>
      %dma_start3A_108 = tpu.memref_squeeze %dma_start3A_107 : memref<1x128x64xf32, #tpu.memory_space<vmem>> -> memref<128x64xf32, #tpu.memory_space<vmem>>
      %dma_start3A_109 = arith.constant 0 : i32
      %dma_start3A_110 = tpu.memref_slice %arg8[%add3A_84, %dma_start3A_109] : memref<80x128xi32, #tpu.memory_space<vmem>> -> memref<1x128xi32, #tpu.memory_space<vmem>>
      %dma_start3A_111 = tpu.memref_squeeze %dma_start3A_110 : memref<1x128xi32, #tpu.memory_space<vmem>> -> memref<128xi32, #tpu.memory_space<vmem>>
      %dma_start3A_112 = arith.constant 0 : i32
      %dma_start3A_113 = arith.constant 0 : i32
      %dma_start3A_114 = tpu.memref_slice %arg11[%dma_start3A_112, %dma_start3A_113] : memref<10112x64xf32, #tpu.memory_space<vmem_shared>> -> memref<10112x64xf32, #tpu.memory_space<vmem_shared>>
      tpu.enqueue_indirect_dma source(%dma_start3A_108 : memref<128x64xf32, #tpu.memory_space<vmem>>) target(%dma_start3A_114 : memref<10112x64xf32, #tpu.memory_space<vmem_shared>>) offsets(%dma_start3A_111 : memref<128xi32, #tpu.memory_space<vmem>>) semaphore(%arg16 : memref<!tpu.dma_semaphore, #tpu.memory_space<semaphore_mem>>) {add = true}
      %add3A_115 = arith.constant 1 : i32
      %add3A_116 = arith.addi %add3A_82, %add3A_115 : i32
      %ge3A_117 = arith.constant 2 : i32
      %ge3A_118 = arith.cmpi sge, %add3A_116, %ge3A_117 : i32
      %convert_element_type3A_119 = arith.extui %ge3A_118 : i1 to i32
      %cond3A_120 = arith.constant 0 : i32
      %cond3A_121 = arith.cmpi ne, %convert_element_type3A_119, %cond3A_120 : i32
      scf.if %cond3A_121 {
        %sub3A = arith.constant 2 : i32
        %sub3A_223 = arith.subi %add3A_116, %sub3A : i32
        %dma_wait3A_224 = arith.constant 3 : i32
        %dma_wait3A_225 = arith.constant 0 : i32
        %dma_wait3A_226 = arith.constant 0 : i32
        %dma_wait3A_227 = tpu.memref_slice %arg9[%dma_wait3A_224, %dma_wait3A_225, %dma_wait3A_226] : memref<4x128x64xf32, #tpu.memory_space<vmem>> -> memref<1x128x64xf32, #tpu.memory_space<vmem>>
        %dma_wait3A_228 = tpu.memref_squeeze %dma_wait3A_227 : memref<1x128x64xf32, #tpu.memory_space<vmem>> -> memref<128x64xf32, #tpu.memory_space<vmem>>
        %dma_wait3A_229 = arith.constant 0 : i32
        %dma_wait3A_230 = tpu.memref_slice %arg8[%sub3A_223, %dma_wait3A_229] : memref<80x128xi32, #tpu.memory_space<vmem>> -> memref<1x128xi32, #tpu.memory_space<vmem>>
        %dma_wait3A_231 = tpu.memref_squeeze %dma_wait3A_230 : memref<1x128xi32, #tpu.memory_space<vmem>> -> memref<128xi32, #tpu.memory_space<vmem>>
        %dma_wait3A_232 = arith.constant 0 : i32
        %dma_wait3A_233 = arith.constant 0 : i32
        %dma_wait3A_234 = tpu.memref_slice %arg11[%dma_wait3A_232, %dma_wait3A_233] : memref<10112x64xf32, #tpu.memory_space<vmem_shared>> -> memref<10112x64xf32, #tpu.memory_space<vmem_shared>>
        tpu.wait_indirect_dma semaphore(%arg19 : memref<!tpu.dma_semaphore, #tpu.memory_space<semaphore_mem>>) src(%dma_wait3A_228 : memref<128x64xf32, #tpu.memory_space<vmem>>) dst(%dma_wait3A_234 : memref<10112x64xf32, #tpu.memory_space<vmem_shared>>)
      } else {
      }
      %add3A_122 = arith.constant 2 : i32
      %add3A_123 = arith.addi %add3A_116, %add3A_122 : i32
      %lt3A_124 = arith.constant 80 : i32
      %lt3A_125 = arith.cmpi slt, %add3A_123, %lt3A_124 : i32
      %convert_element_type3A_126 = arith.extui %lt3A_125 : i1 to i32
      %cond3A_127 = arith.constant 0 : i32
      %cond3A_128 = arith.cmpi ne, %convert_element_type3A_126, %cond3A_127 : i32
      scf.if %cond3A_128 {
        %add3A_223 = arith.constant 2 : i32
        %add3A_224 = arith.addi %add3A_116, %add3A_223 : i32
        %dma_start3A_225 = arith.constant 3 : i32
        %dma_start3A_226 = arith.constant 0 : i32
        %dma_start3A_227 = arith.constant 0 : i32
        %dma_start3A_228 = tpu.memref_slice %arg9[%dma_start3A_225, %dma_start3A_226, %dma_start3A_227] : memref<4x128x64xf32, #tpu.memory_space<vmem>> -> memref<1x128x64xf32, #tpu.memory_space<vmem>>
        %dma_start3A_229 = tpu.memref_squeeze %dma_start3A_228 : memref<1x128x64xf32, #tpu.memory_space<vmem>> -> memref<128x64xf32, #tpu.memory_space<vmem>>
        %dma_start3A_230 = arith.constant 0 : i32
        %dma_start3A_231 = tpu.memref_slice %arg7[%add3A_224, %dma_start3A_230] : memref<80x128xi32, #tpu.memory_space<vmem>> -> memref<1x128xi32, #tpu.memory_space<vmem>>
        %dma_start3A_232 = tpu.memref_squeeze %dma_start3A_231 : memref<1x128xi32, #tpu.memory_space<vmem>> -> memref<128xi32, #tpu.memory_space<vmem>>
        %dma_start3A_233 = arith.constant 0 : i32
        %dma_start3A_234 = arith.constant 0 : i32
        %dma_start3A_235 = tpu.memref_slice %arg2[%dma_start3A_233, %dma_start3A_234] : memref<10112x64xf32, #tpu.memory_space<hbm>> -> memref<10112x64xf32, #tpu.memory_space<hbm>>
        tpu.enqueue_indirect_dma source(%dma_start3A_235 : memref<10112x64xf32, #tpu.memory_space<hbm>>) target(%dma_start3A_229 : memref<128x64xf32, #tpu.memory_space<vmem>>) offsets(%dma_start3A_232 : memref<128xi32, #tpu.memory_space<vmem>>) semaphore(%arg15 : memref<!tpu.dma_semaphore, #tpu.memory_space<semaphore_mem>>)
      } else {
      }
      %dma_wait3A_129 = arith.constant 1 : i32
      %dma_wait3A_130 = arith.constant 0 : i32
      %dma_wait3A_131 = arith.constant 0 : i32
      %dma_wait3A_132 = tpu.memref_slice %arg9[%dma_wait3A_129, %dma_wait3A_130, %dma_wait3A_131] : memref<4x128x64xf32, #tpu.memory_space<vmem>> -> memref<1x128x64xf32, #tpu.memory_space<vmem>>
      %dma_wait3A_133 = tpu.memref_squeeze %dma_wait3A_132 : memref<1x128x64xf32, #tpu.memory_space<vmem>> -> memref<128x64xf32, #tpu.memory_space<vmem>>
      %dma_wait3A_134 = arith.constant 0 : i32
      %dma_wait3A_135 = tpu.memref_slice %arg7[%add3A_116, %dma_wait3A_134] : memref<80x128xi32, #tpu.memory_space<vmem>> -> memref<1x128xi32, #tpu.memory_space<vmem>>
      %dma_wait3A_136 = tpu.memref_squeeze %dma_wait3A_135 : memref<1x128xi32, #tpu.memory_space<vmem>> -> memref<128xi32, #tpu.memory_space<vmem>>
      %dma_wait3A_137 = arith.constant 0 : i32
      %dma_wait3A_138 = arith.constant 0 : i32
      %dma_wait3A_139 = tpu.memref_slice %arg2[%dma_wait3A_137, %dma_wait3A_138] : memref<10112x64xf32, #tpu.memory_space<hbm>> -> memref<10112x64xf32, #tpu.memory_space<hbm>>
      tpu.wait_indirect_dma semaphore(%arg13 : memref<!tpu.dma_semaphore, #tpu.memory_space<semaphore_mem>>) src(%dma_wait3A_139 : memref<10112x64xf32, #tpu.memory_space<hbm>>) dst(%dma_wait3A_133 : memref<128x64xf32, #tpu.memory_space<vmem>>)
      %dma_start3A_140 = arith.constant 1 : i32
      %dma_start3A_141 = arith.constant 0 : i32
      %dma_start3A_142 = arith.constant 0 : i32
      %dma_start3A_143 = tpu.memref_slice %arg9[%dma_start3A_140, %dma_start3A_141, %dma_start3A_142] : memref<4x128x64xf32, #tpu.memory_space<vmem>> -> memref<1x128x64xf32, #tpu.memory_space<vmem>>
      %dma_start3A_144 = tpu.memref_squeeze %dma_start3A_143 : memref<1x128x64xf32, #tpu.memory_space<vmem>> -> memref<128x64xf32, #tpu.memory_space<vmem>>
      %dma_start3A_145 = arith.constant 0 : i32
      %dma_start3A_146 = tpu.memref_slice %arg8[%add3A_116, %dma_start3A_145] : memref<80x128xi32, #tpu.memory_space<vmem>> -> memref<1x128xi32, #tpu.memory_space<vmem>>
      %dma_start3A_147 = tpu.memref_squeeze %dma_start3A_146 : memref<1x128xi32, #tpu.memory_space<vmem>> -> memref<128xi32, #tpu.memory_space<vmem>>
      %dma_start3A_148 = arith.constant 0 : i32
      %dma_start3A_149 = arith.constant 0 : i32
      %dma_start3A_150 = tpu.memref_slice %arg11[%dma_start3A_148, %dma_start3A_149] : memref<10112x64xf32, #tpu.memory_space<vmem_shared>> -> memref<10112x64xf32, #tpu.memory_space<vmem_shared>>
      tpu.enqueue_indirect_dma source(%dma_start3A_144 : memref<128x64xf32, #tpu.memory_space<vmem>>) target(%dma_start3A_150 : memref<10112x64xf32, #tpu.memory_space<vmem_shared>>) offsets(%dma_start3A_147 : memref<128xi32, #tpu.memory_space<vmem>>) semaphore(%arg17 : memref<!tpu.dma_semaphore, #tpu.memory_space<semaphore_mem>>) {add = true}
      %add3A_151 = arith.constant 2 : i32
      %add3A_152 = arith.addi %add3A_82, %add3A_151 : i32
      %ge3A_153 = arith.constant 2 : i32
      %ge3A_154 = arith.cmpi sge, %add3A_152, %ge3A_153 : i32
      %convert_element_type3A_155 = arith.extui %ge3A_154 : i1 to i32
      %cond3A_156 = arith.constant 0 : i32
      %cond3A_157 = arith.cmpi ne, %convert_element_type3A_155, %cond3A_156 : i32
      scf.if %cond3A_157 {
        %sub3A = arith.constant 2 : i32
        %sub3A_223 = arith.subi %add3A_152, %sub3A : i32
        %dma_wait3A_224 = arith.constant 0 : i32
        %dma_wait3A_225 = arith.constant 0 : i32
        %dma_wait3A_226 = arith.constant 0 : i32
        %dma_wait3A_227 = tpu.memref_slice %arg9[%dma_wait3A_224, %dma_wait3A_225, %dma_wait3A_226] : memref<4x128x64xf32, #tpu.memory_space<vmem>> -> memref<1x128x64xf32, #tpu.memory_space<vmem>>
        %dma_wait3A_228 = tpu.memref_squeeze %dma_wait3A_227 : memref<1x128x64xf32, #tpu.memory_space<vmem>> -> memref<128x64xf32, #tpu.memory_space<vmem>>
        %dma_wait3A_229 = arith.constant 0 : i32
        %dma_wait3A_230 = tpu.memref_slice %arg8[%sub3A_223, %dma_wait3A_229] : memref<80x128xi32, #tpu.memory_space<vmem>> -> memref<1x128xi32, #tpu.memory_space<vmem>>
        %dma_wait3A_231 = tpu.memref_squeeze %dma_wait3A_230 : memref<1x128xi32, #tpu.memory_space<vmem>> -> memref<128xi32, #tpu.memory_space<vmem>>
        %dma_wait3A_232 = arith.constant 0 : i32
        %dma_wait3A_233 = arith.constant 0 : i32
        %dma_wait3A_234 = tpu.memref_slice %arg11[%dma_wait3A_232, %dma_wait3A_233] : memref<10112x64xf32, #tpu.memory_space<vmem_shared>> -> memref<10112x64xf32, #tpu.memory_space<vmem_shared>>
        tpu.wait_indirect_dma semaphore(%arg16 : memref<!tpu.dma_semaphore, #tpu.memory_space<semaphore_mem>>) src(%dma_wait3A_228 : memref<128x64xf32, #tpu.memory_space<vmem>>) dst(%dma_wait3A_234 : memref<10112x64xf32, #tpu.memory_space<vmem_shared>>)
      } else {
      }
      %add3A_158 = arith.constant 2 : i32
      %add3A_159 = arith.addi %add3A_152, %add3A_158 : i32
      %lt3A_160 = arith.constant 80 : i32
      %lt3A_161 = arith.cmpi slt, %add3A_159, %lt3A_160 : i32
      %convert_element_type3A_162 = arith.extui %lt3A_161 : i1 to i32
      %cond3A_163 = arith.constant 0 : i32
      %cond3A_164 = arith.cmpi ne, %convert_element_type3A_162, %cond3A_163 : i32
      scf.if %cond3A_164 {
        %add3A_223 = arith.constant 2 : i32
        %add3A_224 = arith.addi %add3A_152, %add3A_223 : i32
        %dma_start3A_225 = arith.constant 0 : i32
        %dma_start3A_226 = arith.constant 0 : i32
        %dma_start3A_227 = arith.constant 0 : i32
        %dma_start3A_228 = tpu.memref_slice %arg9[%dma_start3A_225, %dma_start3A_226, %dma_start3A_227] : memref<4x128x64xf32, #tpu.memory_space<vmem>> -> memref<1x128x64xf32, #tpu.memory_space<vmem>>
        %dma_start3A_229 = tpu.memref_squeeze %dma_start3A_228 : memref<1x128x64xf32, #tpu.memory_space<vmem>> -> memref<128x64xf32, #tpu.memory_space<vmem>>
        %dma_start3A_230 = arith.constant 0 : i32
        %dma_start3A_231 = tpu.memref_slice %arg7[%add3A_224, %dma_start3A_230] : memref<80x128xi32, #tpu.memory_space<vmem>> -> memref<1x128xi32, #tpu.memory_space<vmem>>
        %dma_start3A_232 = tpu.memref_squeeze %dma_start3A_231 : memref<1x128xi32, #tpu.memory_space<vmem>> -> memref<128xi32, #tpu.memory_space<vmem>>
        %dma_start3A_233 = arith.constant 0 : i32
        %dma_start3A_234 = arith.constant 0 : i32
        %dma_start3A_235 = tpu.memref_slice %arg2[%dma_start3A_233, %dma_start3A_234] : memref<10112x64xf32, #tpu.memory_space<hbm>> -> memref<10112x64xf32, #tpu.memory_space<hbm>>
        tpu.enqueue_indirect_dma source(%dma_start3A_235 : memref<10112x64xf32, #tpu.memory_space<hbm>>) target(%dma_start3A_229 : memref<128x64xf32, #tpu.memory_space<vmem>>) offsets(%dma_start3A_232 : memref<128xi32, #tpu.memory_space<vmem>>) semaphore(%arg12 : memref<!tpu.dma_semaphore, #tpu.memory_space<semaphore_mem>>)
      } else {
      }
      %dma_wait3A_165 = arith.constant 2 : i32
      %dma_wait3A_166 = arith.constant 0 : i32
      %dma_wait3A_167 = arith.constant 0 : i32
      %dma_wait3A_168 = tpu.memref_slice %arg9[%dma_wait3A_165, %dma_wait3A_166, %dma_wait3A_167] : memref<4x128x64xf32, #tpu.memory_space<vmem>> -> memref<1x128x64xf32, #tpu.memory_space<vmem>>
      %dma_wait3A_169 = tpu.memref_squeeze %dma_wait3A_168 : memref<1x128x64xf32, #tpu.memory_space<vmem>> -> memref<128x64xf32, #tpu.memory_space<vmem>>
      %dma_wait3A_170 = arith.constant 0 : i32
      %dma_wait3A_171 = tpu.memref_slice %arg7[%add3A_152, %dma_wait3A_170] : memref<80x128xi32, #tpu.memory_space<vmem>> -> memref<1x128xi32, #tpu.memory_space<vmem>>
      %dma_wait3A_172 = tpu.memref_squeeze %dma_wait3A_171 : memref<1x128xi32, #tpu.memory_space<vmem>> -> memref<128xi32, #tpu.memory_space<vmem>>
      %dma_wait3A_173 = arith.constant 0 : i32
      %dma_wait3A_174 = arith.constant 0 : i32
      %dma_wait3A_175 = tpu.memref_slice %arg2[%dma_wait3A_173, %dma_wait3A_174] : memref<10112x64xf32, #tpu.memory_space<hbm>> -> memref<10112x64xf32, #tpu.memory_space<hbm>>
      tpu.wait_indirect_dma semaphore(%arg14 : memref<!tpu.dma_semaphore, #tpu.memory_space<semaphore_mem>>) src(%dma_wait3A_175 : memref<10112x64xf32, #tpu.memory_space<hbm>>) dst(%dma_wait3A_169 : memref<128x64xf32, #tpu.memory_space<vmem>>)
      %dma_start3A_176 = arith.constant 2 : i32
      %dma_start3A_177 = arith.constant 0 : i32
      %dma_start3A_178 = arith.constant 0 : i32
      %dma_start3A_179 = tpu.memref_slice %arg9[%dma_start3A_176, %dma_start3A_177, %dma_start3A_178] : memref<4x128x64xf32, #tpu.memory_space<vmem>> -> memref<1x128x64xf32, #tpu.memory_space<vmem>>
      %dma_start3A_180 = tpu.memref_squeeze %dma_start3A_179 : memref<1x128x64xf32, #tpu.memory_space<vmem>> -> memref<128x64xf32, #tpu.memory_space<vmem>>
      %dma_start3A_181 = arith.constant 0 : i32
      %dma_start3A_182 = tpu.memref_slice %arg8[%add3A_152, %dma_start3A_181] : memref<80x128xi32, #tpu.memory_space<vmem>> -> memref<1x128xi32, #tpu.memory_space<vmem>>
      %dma_start3A_183 = tpu.memref_squeeze %dma_start3A_182 : memref<1x128xi32, #tpu.memory_space<vmem>> -> memref<128xi32, #tpu.memory_space<vmem>>
      %dma_start3A_184 = arith.constant 0 : i32
      %dma_start3A_185 = arith.constant 0 : i32
      %dma_start3A_186 = tpu.memref_slice %arg11[%dma_start3A_184, %dma_start3A_185] : memref<10112x64xf32, #tpu.memory_space<vmem_shared>> -> memref<10112x64xf32, #tpu.memory_space<vmem_shared>>
      tpu.enqueue_indirect_dma source(%dma_start3A_180 : memref<128x64xf32, #tpu.memory_space<vmem>>) target(%dma_start3A_186 : memref<10112x64xf32, #tpu.memory_space<vmem_shared>>) offsets(%dma_start3A_183 : memref<128xi32, #tpu.memory_space<vmem>>) semaphore(%arg18 : memref<!tpu.dma_semaphore, #tpu.memory_space<semaphore_mem>>) {add = true}
      %add3A_187 = arith.constant 3 : i32
      %add3A_188 = arith.addi %add3A_82, %add3A_187 : i32
      %ge3A_189 = arith.constant 2 : i32
      %ge3A_190 = arith.cmpi sge, %add3A_188, %ge3A_189 : i32
      %convert_element_type3A_191 = arith.extui %ge3A_190 : i1 to i32
      %cond3A_192 = arith.constant 0 : i32
      %cond3A_193 = arith.cmpi ne, %convert_element_type3A_191, %cond3A_192 : i32
      scf.if %cond3A_193 {
        %sub3A = arith.constant 2 : i32
        %sub3A_223 = arith.subi %add3A_188, %sub3A : i32
        %dma_wait3A_224 = arith.constant 1 : i32
        %dma_wait3A_225 = arith.constant 0 : i32
        %dma_wait3A_226 = arith.constant 0 : i32
        %dma_wait3A_227 = tpu.memref_slice %arg9[%dma_wait3A_224, %dma_wait3A_225, %dma_wait3A_226] : memref<4x128x64xf32, #tpu.memory_space<vmem>> -> memref<1x128x64xf32, #tpu.memory_space<vmem>>
        %dma_wait3A_228 = tpu.memref_squeeze %dma_wait3A_227 : memref<1x128x64xf32, #tpu.memory_space<vmem>> -> memref<128x64xf32, #tpu.memory_space<vmem>>
        %dma_wait3A_229 = arith.constant 0 : i32
        %dma_wait3A_230 = tpu.memref_slice %arg8[%sub3A_223, %dma_wait3A_229] : memref<80x128xi32, #tpu.memory_space<vmem>> -> memref<1x128xi32, #tpu.memory_space<vmem>>
        %dma_wait3A_231 = tpu.memref_squeeze %dma_wait3A_230 : memref<1x128xi32, #tpu.memory_space<vmem>> -> memref<128xi32, #tpu.memory_space<vmem>>
        %dma_wait3A_232 = arith.constant 0 : i32
        %dma_wait3A_233 = arith.constant 0 : i32
        %dma_wait3A_234 = tpu.memref_slice %arg11[%dma_wait3A_232, %dma_wait3A_233] : memref<10112x64xf32, #tpu.memory_space<vmem_shared>> -> memref<10112x64xf32, #tpu.memory_space<vmem_shared>>
        tpu.wait_indirect_dma semaphore(%arg17 : memref<!tpu.dma_semaphore, #tpu.memory_space<semaphore_mem>>) src(%dma_wait3A_228 : memref<128x64xf32, #tpu.memory_space<vmem>>) dst(%dma_wait3A_234 : memref<10112x64xf32, #tpu.memory_space<vmem_shared>>)
      } else {
      }
      %add3A_194 = arith.constant 2 : i32
      %add3A_195 = arith.addi %add3A_188, %add3A_194 : i32
      %lt3A_196 = arith.constant 80 : i32
      %lt3A_197 = arith.cmpi slt, %add3A_195, %lt3A_196 : i32
      %convert_element_type3A_198 = arith.extui %lt3A_197 : i1 to i32
      %cond3A_199 = arith.constant 0 : i32
      %cond3A_200 = arith.cmpi ne, %convert_element_type3A_198, %cond3A_199 : i32
      scf.if %cond3A_200 {
        %add3A_223 = arith.constant 2 : i32
        %add3A_224 = arith.addi %add3A_188, %add3A_223 : i32
        %dma_start3A_225 = arith.constant 1 : i32
        %dma_start3A_226 = arith.constant 0 : i32
        %dma_start3A_227 = arith.constant 0 : i32
        %dma_start3A_228 = tpu.memref_slice %arg9[%dma_start3A_225, %dma_start3A_226, %dma_start3A_227] : memref<4x128x64xf32, #tpu.memory_space<vmem>> -> memref<1x128x64xf32, #tpu.memory_space<vmem>>
        %dma_start3A_229 = tpu.memref_squeeze %dma_start3A_228 : memref<1x128x64xf32, #tpu.memory_space<vmem>> -> memref<128x64xf32, #tpu.memory_space<vmem>>
        %dma_start3A_230 = arith.constant 0 : i32
        %dma_start3A_231 = tpu.memref_slice %arg7[%add3A_224, %dma_start3A_230] : memref<80x128xi32, #tpu.memory_space<vmem>> -> memref<1x128xi32, #tpu.memory_space<vmem>>
        %dma_start3A_232 = tpu.memref_squeeze %dma_start3A_231 : memref<1x128xi32, #tpu.memory_space<vmem>> -> memref<128xi32, #tpu.memory_space<vmem>>
        %dma_start3A_233 = arith.constant 0 : i32
        %dma_start3A_234 = arith.constant 0 : i32
        %dma_start3A_235 = tpu.memref_slice %arg2[%dma_start3A_233, %dma_start3A_234] : memref<10112x64xf32, #tpu.memory_space<hbm>> -> memref<10112x64xf32, #tpu.memory_space<hbm>>
        tpu.enqueue_indirect_dma source(%dma_start3A_235 : memref<10112x64xf32, #tpu.memory_space<hbm>>) target(%dma_start3A_229 : memref<128x64xf32, #tpu.memory_space<vmem>>) offsets(%dma_start3A_232 : memref<128xi32, #tpu.memory_space<vmem>>) semaphore(%arg13 : memref<!tpu.dma_semaphore, #tpu.memory_space<semaphore_mem>>)
      } else {
      }
      %dma_wait3A_201 = arith.constant 3 : i32
      %dma_wait3A_202 = arith.constant 0 : i32
      %dma_wait3A_203 = arith.constant 0 : i32
      %dma_wait3A_204 = tpu.memref_slice %arg9[%dma_wait3A_201, %dma_wait3A_202, %dma_wait3A_203] : memref<4x128x64xf32, #tpu.memory_space<vmem>> -> memref<1x128x64xf32, #tpu.memory_space<vmem>>
      %dma_wait3A_205 = tpu.memref_squeeze %dma_wait3A_204 : memref<1x128x64xf32, #tpu.memory_space<vmem>> -> memref<128x64xf32, #tpu.memory_space<vmem>>
      %dma_wait3A_206 = arith.constant 0 : i32
      %dma_wait3A_207 = tpu.memref_slice %arg7[%add3A_188, %dma_wait3A_206] : memref<80x128xi32, #tpu.memory_space<vmem>> -> memref<1x128xi32, #tpu.memory_space<vmem>>
      %dma_wait3A_208 = tpu.memref_squeeze %dma_wait3A_207 : memref<1x128xi32, #tpu.memory_space<vmem>> -> memref<128xi32, #tpu.memory_space<vmem>>
      %dma_wait3A_209 = arith.constant 0 : i32
      %dma_wait3A_210 = arith.constant 0 : i32
      %dma_wait3A_211 = tpu.memref_slice %arg2[%dma_wait3A_209, %dma_wait3A_210] : memref<10112x64xf32, #tpu.memory_space<hbm>> -> memref<10112x64xf32, #tpu.memory_space<hbm>>
      tpu.wait_indirect_dma semaphore(%arg15 : memref<!tpu.dma_semaphore, #tpu.memory_space<semaphore_mem>>) src(%dma_wait3A_211 : memref<10112x64xf32, #tpu.memory_space<hbm>>) dst(%dma_wait3A_205 : memref<128x64xf32, #tpu.memory_space<vmem>>)
      %dma_start3A_212 = arith.constant 3 : i32
      %dma_start3A_213 = arith.constant 0 : i32
      %dma_start3A_214 = arith.constant 0 : i32
      %dma_start3A_215 = tpu.memref_slice %arg9[%dma_start3A_212, %dma_start3A_213, %dma_start3A_214] : memref<4x128x64xf32, #tpu.memory_space<vmem>> -> memref<1x128x64xf32, #tpu.memory_space<vmem>>
      %dma_start3A_216 = tpu.memref_squeeze %dma_start3A_215 : memref<1x128x64xf32, #tpu.memory_space<vmem>> -> memref<128x64xf32, #tpu.memory_space<vmem>>
      %dma_start3A_217 = arith.constant 0 : i32
      %dma_start3A_218 = tpu.memref_slice %arg8[%add3A_188, %dma_start3A_217] : memref<80x128xi32, #tpu.memory_space<vmem>> -> memref<1x128xi32, #tpu.memory_space<vmem>>
      %dma_start3A_219 = tpu.memref_squeeze %dma_start3A_218 : memref<1x128xi32, #tpu.memory_space<vmem>> -> memref<128xi32, #tpu.memory_space<vmem>>
      %dma_start3A_220 = arith.constant 0 : i32
      %dma_start3A_221 = arith.constant 0 : i32
      %dma_start3A_222 = tpu.memref_slice %arg11[%dma_start3A_220, %dma_start3A_221] : memref<10112x64xf32, #tpu.memory_space<vmem_shared>> -> memref<10112x64xf32, #tpu.memory_space<vmem_shared>>
      tpu.enqueue_indirect_dma source(%dma_start3A_216 : memref<128x64xf32, #tpu.memory_space<vmem>>) target(%dma_start3A_222 : memref<10112x64xf32, #tpu.memory_space<vmem_shared>>) offsets(%dma_start3A_219 : memref<128xi32, #tpu.memory_space<vmem>>) semaphore(%arg19 : memref<!tpu.dma_semaphore, #tpu.memory_space<semaphore_mem>>) {add = true}
    }
    %scan3A_43 = arith.constant 20 : i32
    %dma_wait3A = arith.constant 2 : i32
    %dma_wait3A_44 = arith.constant 78 : i32
    %dma_wait3A_45 = arith.constant 0 : i32
    %dma_wait3A_46 = arith.constant 0 : i32
    %dma_wait3A_47 = tpu.memref_slice %arg9[%dma_wait3A, %dma_wait3A_45, %dma_wait3A_46] : memref<4x128x64xf32, #tpu.memory_space<vmem>> -> memref<1x128x64xf32, #tpu.memory_space<vmem>>
    %dma_wait3A_48 = tpu.memref_squeeze %dma_wait3A_47 : memref<1x128x64xf32, #tpu.memory_space<vmem>> -> memref<128x64xf32, #tpu.memory_space<vmem>>
    %dma_wait3A_49 = arith.constant 0 : i32
    %dma_wait3A_50 = tpu.memref_slice %arg8[%dma_wait3A_44, %dma_wait3A_49] : memref<80x128xi32, #tpu.memory_space<vmem>> -> memref<1x128xi32, #tpu.memory_space<vmem>>
    %dma_wait3A_51 = tpu.memref_squeeze %dma_wait3A_50 : memref<1x128xi32, #tpu.memory_space<vmem>> -> memref<128xi32, #tpu.memory_space<vmem>>
    %dma_wait3A_52 = arith.constant 0 : i32
    %dma_wait3A_53 = arith.constant 0 : i32
    %dma_wait3A_54 = tpu.memref_slice %arg11[%dma_wait3A_52, %dma_wait3A_53] : memref<10112x64xf32, #tpu.memory_space<vmem_shared>> -> memref<10112x64xf32, #tpu.memory_space<vmem_shared>>
    tpu.wait_indirect_dma semaphore(%arg18 : memref<!tpu.dma_semaphore, #tpu.memory_space<semaphore_mem>>) src(%dma_wait3A_48 : memref<128x64xf32, #tpu.memory_space<vmem>>) dst(%dma_wait3A_54 : memref<10112x64xf32, #tpu.memory_space<vmem_shared>>)
    %dma_wait3A_55 = arith.constant 3 : i32
    %dma_wait3A_56 = arith.constant 79 : i32
    %dma_wait3A_57 = arith.constant 0 : i32
    %dma_wait3A_58 = arith.constant 0 : i32
    %dma_wait3A_59 = tpu.memref_slice %arg9[%dma_wait3A_55, %dma_wait3A_57, %dma_wait3A_58] : memref<4x128x64xf32, #tpu.memory_space<vmem>> -> memref<1x128x64xf32, #tpu.memory_space<vmem>>
    %dma_wait3A_60 = tpu.memref_squeeze %dma_wait3A_59 : memref<1x128x64xf32, #tpu.memory_space<vmem>> -> memref<128x64xf32, #tpu.memory_space<vmem>>
    %dma_wait3A_61 = arith.constant 0 : i32
    %dma_wait3A_62 = tpu.memref_slice %arg8[%dma_wait3A_56, %dma_wait3A_61] : memref<80x128xi32, #tpu.memory_space<vmem>> -> memref<1x128xi32, #tpu.memory_space<vmem>>
    %dma_wait3A_63 = tpu.memref_squeeze %dma_wait3A_62 : memref<1x128xi32, #tpu.memory_space<vmem>> -> memref<128xi32, #tpu.memory_space<vmem>>
    %dma_wait3A_64 = arith.constant 0 : i32
    %dma_wait3A_65 = arith.constant 0 : i32
    %dma_wait3A_66 = tpu.memref_slice %arg11[%dma_wait3A_64, %dma_wait3A_65] : memref<10112x64xf32, #tpu.memory_space<vmem_shared>> -> memref<10112x64xf32, #tpu.memory_space<vmem_shared>>
    tpu.wait_indirect_dma semaphore(%arg19 : memref<!tpu.dma_semaphore, #tpu.memory_space<semaphore_mem>>) src(%dma_wait3A_60 : memref<128x64xf32, #tpu.memory_space<vmem>>) dst(%dma_wait3A_66 : memref<10112x64xf32, #tpu.memory_space<vmem_shared>>)
    %barrier3A_67 = arith.constant 0 : index
    tpu.barrier barrier_id(%barrier3A_67)
    %dma_start3A_68 = arith.constant 0 : i32
    %dma_start3A_69 = tpu.memref_slice %arg6[%arg0, %mul3A_6, %dma_start3A_68] : memref<2x10112x64xf32, #tpu.memory_space<hbm>> -> memref<1x632x64xf32, #tpu.memory_space<hbm>>
    %dma_start3A_70 = tpu.memref_squeeze %dma_start3A_69 : memref<1x632x64xf32, #tpu.memory_space<hbm>> -> memref<632x64xf32, #tpu.memory_space<hbm>>
    %dma_start3A_71 = arith.constant 0 : i32
    %dma_start3A_72 = tpu.memref_slice %arg11[%mul3A_6, %dma_start3A_71] : memref<10112x64xf32, #tpu.memory_space<vmem_shared>> -> memref<632x64xf32, #tpu.memory_space<vmem_shared>>
    tpu.enqueue_dma source(%dma_start3A_72 : memref<632x64xf32, #tpu.memory_space<vmem_shared>>) target(%dma_start3A_70 : memref<632x64xf32, #tpu.memory_space<hbm>>) target_semaphore(%arg21 : memref<!tpu.dma_semaphore, #tpu.memory_space<semaphore_mem>>)
    %dma_wait3A_73 = arith.constant 0 : i32
    %dma_wait3A_74 = tpu.memref_slice %arg6[%arg0, %mul3A_6, %dma_wait3A_73] : memref<2x10112x64xf32, #tpu.memory_space<hbm>> -> memref<1x632x64xf32, #tpu.memory_space<hbm>>
    %dma_wait3A_75 = tpu.memref_squeeze %dma_wait3A_74 : memref<1x632x64xf32, #tpu.memory_space<hbm>> -> memref<632x64xf32, #tpu.memory_space<hbm>>
    %dma_wait3A_76 = arith.constant 0 : i32
    %dma_wait3A_77 = tpu.memref_slice %arg11[%mul3A_6, %dma_wait3A_76] : memref<10112x64xf32, #tpu.memory_space<vmem_shared>> -> memref<632x64xf32, #tpu.memory_space<vmem_shared>>
    tpu.wait_dma2 semaphore(%arg21 : memref<!tpu.dma_semaphore, #tpu.memory_space<semaphore_mem>>) src(%dma_wait3A_77 : memref<632x64xf32, #tpu.memory_space<vmem_shared>>) dst(%dma_wait3A_75 : memref<632x64xf32, #tpu.memory_space<hbm>>)
    return
  }
}

#map = affine_map<(d0, d1) -> (0, 0)>
#map1 = affine_map<(d0, d1) -> (0, 0, 0)>
module attributes {stable_mosaic.version = 14 : i64} {
  func.func @_deg_body(%arg0: i32, %arg1: i32, %arg2: memref<2560x128xi32, #tpu.memory_space<hbm>>, %arg3: memref<128x8xf32, #tpu.memory_space<hbm>>, %arg4: memref<128x8xf32, #tpu.memory_space<hbm>>, %arg5: memref<2x10112x8xf32, #tpu.memory_space<hbm>>, %arg6: memref<80x128xi32, #tpu.memory_space<vmem>>, %arg7: memref<128x8xf32, #tpu.memory_space<vmem>>, %arg8: memref<128x8xf32, #tpu.memory_space<vmem>>, %arg9: memref<10112x8xf32, #tpu.memory_space<vmem_shared>>, %arg10: memref<!tpu.dma_semaphore, #tpu.memory_space<semaphore_mem>>, %arg11: memref<!tpu.dma_semaphore, #tpu.memory_space<semaphore_mem>>, %arg12: memref<!tpu.dma_semaphore, #tpu.memory_space<semaphore_mem>>) attributes {dimension_semantics = [#tpu.dimension_semantics<core_parallel>, #tpu.dimension_semantics<subcore_parallel>], iteration_bounds = array<i64: 2, 16>, scalar_prefetch = 0 : i64, scratch_operands = 7 : i64, tpu.core_type = #tpu.core_type<sc_vector_subcore>, window_params = [{transform_indices = #map}, {transform_indices = #map}, {transform_indices = #map}, {transform_indices = #map1}]} {
    %mul3A = arith.constant 2 : i32
    %mul3A_0 = arith.muli %arg1, %mul3A : i32
    %add3A = arith.addi %mul3A_0, %arg0 : i32
    %mul3A_1 = arith.constant 80 : i32
    %mul3A_2 = arith.muli %add3A, %mul3A_1 : i32
    "tpu.region"() ({
      %run_scoped3A = tpu.sem_alloc : memref<!tpu.dma_semaphore, #tpu.memory_space<semaphore_mem>>
      tpu.enqueue_dma source(%arg4 : memref<128x8xf32, #tpu.memory_space<hbm>>) target(%arg8 : memref<128x8xf32, #tpu.memory_space<vmem>>) target_semaphore(%run_scoped3A : memref<!tpu.dma_semaphore, #tpu.memory_space<semaphore_mem>>)
      tpu.wait_dma2 semaphore(%run_scoped3A : memref<!tpu.dma_semaphore, #tpu.memory_space<semaphore_mem>>) src(%arg4 : memref<128x8xf32, #tpu.memory_space<hbm>>) dst(%arg8 : memref<128x8xf32, #tpu.memory_space<vmem>>)
      tpu.yield
    }) : () -> ()
    %mul3A_3 = arith.constant 632 : i32
    %mul3A_4 = arith.muli %arg1, %mul3A_3 : i32
    %add3A_5 = arith.constant 0 : i32
    %add3A_6 = arith.addi %mul3A_4, %add3A_5 : i32
    "tpu.region"() ({
      %run_scoped3A = tpu.sem_alloc : memref<!tpu.dma_semaphore, #tpu.memory_space<semaphore_mem>>
      %dma_start3A_28 = arith.constant 0 : i32
      %dma_start3A_29 = tpu.memref_slice %arg9[%add3A_6, %dma_start3A_28] : memref<10112x8xf32, #tpu.memory_space<vmem_shared>> -> memref<128x8xf32, #tpu.memory_space<vmem_shared>>
      %dma_start3A_30 = arith.constant 0 : i32
      %dma_start3A_31 = tpu.memref_slice %arg9[%add3A_6, %dma_start3A_30] : memref<10112x8xf32, #tpu.memory_space<vmem_shared>> -> memref<128x8xf32, #tpu.memory_space<vmem_shared>>
      tpu.enqueue_dma source(%arg8 : memref<128x8xf32, #tpu.memory_space<vmem>>) target(%dma_start3A_31 : memref<128x8xf32, #tpu.memory_space<vmem_shared>>) target_semaphore(%run_scoped3A : memref<!tpu.dma_semaphore, #tpu.memory_space<semaphore_mem>>)
      %dma_wait3A_32 = arith.constant 0 : i32
      %dma_wait3A_33 = tpu.memref_slice %arg9[%add3A_6, %dma_wait3A_32] : memref<10112x8xf32, #tpu.memory_space<vmem_shared>> -> memref<128x8xf32, #tpu.memory_space<vmem_shared>>
      %dma_wait3A_34 = arith.constant 0 : i32
      %dma_wait3A_35 = tpu.memref_slice %arg9[%add3A_6, %dma_wait3A_34] : memref<10112x8xf32, #tpu.memory_space<vmem_shared>> -> memref<128x8xf32, #tpu.memory_space<vmem_shared>>
      tpu.wait_dma2 semaphore(%run_scoped3A : memref<!tpu.dma_semaphore, #tpu.memory_space<semaphore_mem>>) src(%arg8 : memref<128x8xf32, #tpu.memory_space<vmem>>) dst(%dma_wait3A_35 : memref<128x8xf32, #tpu.memory_space<vmem_shared>>)
      tpu.yield
    }) : () -> ()
    %add3A_7 = arith.constant 128 : i32
    %add3A_8 = arith.addi %mul3A_4, %add3A_7 : i32
    "tpu.region"() ({
      %run_scoped3A = tpu.sem_alloc : memref<!tpu.dma_semaphore, #tpu.memory_space<semaphore_mem>>
      %dma_start3A_28 = arith.constant 0 : i32
      %dma_start3A_29 = tpu.memref_slice %arg9[%add3A_8, %dma_start3A_28] : memref<10112x8xf32, #tpu.memory_space<vmem_shared>> -> memref<128x8xf32, #tpu.memory_space<vmem_shared>>
      %dma_start3A_30 = arith.constant 0 : i32
      %dma_start3A_31 = tpu.memref_slice %arg9[%add3A_8, %dma_start3A_30] : memref<10112x8xf32, #tpu.memory_space<vmem_shared>> -> memref<128x8xf32, #tpu.memory_space<vmem_shared>>
      tpu.enqueue_dma source(%arg8 : memref<128x8xf32, #tpu.memory_space<vmem>>) target(%dma_start3A_31 : memref<128x8xf32, #tpu.memory_space<vmem_shared>>) target_semaphore(%run_scoped3A : memref<!tpu.dma_semaphore, #tpu.memory_space<semaphore_mem>>)
      %dma_wait3A_32 = arith.constant 0 : i32
      %dma_wait3A_33 = tpu.memref_slice %arg9[%add3A_8, %dma_wait3A_32] : memref<10112x8xf32, #tpu.memory_space<vmem_shared>> -> memref<128x8xf32, #tpu.memory_space<vmem_shared>>
      %dma_wait3A_34 = arith.constant 0 : i32
      %dma_wait3A_35 = tpu.memref_slice %arg9[%add3A_8, %dma_wait3A_34] : memref<10112x8xf32, #tpu.memory_space<vmem_shared>> -> memref<128x8xf32, #tpu.memory_space<vmem_shared>>
      tpu.wait_dma2 semaphore(%run_scoped3A : memref<!tpu.dma_semaphore, #tpu.memory_space<semaphore_mem>>) src(%arg8 : memref<128x8xf32, #tpu.memory_space<vmem>>) dst(%dma_wait3A_35 : memref<128x8xf32, #tpu.memory_space<vmem_shared>>)
      tpu.yield
    }) : () -> ()
    %add3A_9 = arith.constant 256 : i32
    %add3A_10 = arith.addi %mul3A_4, %add3A_9 : i32
    "tpu.region"() ({
      %run_scoped3A = tpu.sem_alloc : memref<!tpu.dma_semaphore, #tpu.memory_space<semaphore_mem>>
      %dma_start3A_28 = arith.constant 0 : i32
      %dma_start3A_29 = tpu.memref_slice %arg9[%add3A_10, %dma_start3A_28] : memref<10112x8xf32, #tpu.memory_space<vmem_shared>> -> memref<128x8xf32, #tpu.memory_space<vmem_shared>>
      %dma_start3A_30 = arith.constant 0 : i32
      %dma_start3A_31 = tpu.memref_slice %arg9[%add3A_10, %dma_start3A_30] : memref<10112x8xf32, #tpu.memory_space<vmem_shared>> -> memref<128x8xf32, #tpu.memory_space<vmem_shared>>
      tpu.enqueue_dma source(%arg8 : memref<128x8xf32, #tpu.memory_space<vmem>>) target(%dma_start3A_31 : memref<128x8xf32, #tpu.memory_space<vmem_shared>>) target_semaphore(%run_scoped3A : memref<!tpu.dma_semaphore, #tpu.memory_space<semaphore_mem>>)
      %dma_wait3A_32 = arith.constant 0 : i32
      %dma_wait3A_33 = tpu.memref_slice %arg9[%add3A_10, %dma_wait3A_32] : memref<10112x8xf32, #tpu.memory_space<vmem_shared>> -> memref<128x8xf32, #tpu.memory_space<vmem_shared>>
      %dma_wait3A_34 = arith.constant 0 : i32
      %dma_wait3A_35 = tpu.memref_slice %arg9[%add3A_10, %dma_wait3A_34] : memref<10112x8xf32, #tpu.memory_space<vmem_shared>> -> memref<128x8xf32, #tpu.memory_space<vmem_shared>>
      tpu.wait_dma2 semaphore(%run_scoped3A : memref<!tpu.dma_semaphore, #tpu.memory_space<semaphore_mem>>) src(%arg8 : memref<128x8xf32, #tpu.memory_space<vmem>>) dst(%dma_wait3A_35 : memref<128x8xf32, #tpu.memory_space<vmem_shared>>)
      tpu.yield
    }) : () -> ()
    %add3A_11 = arith.constant 384 : i32
    %add3A_12 = arith.addi %mul3A_4, %add3A_11 : i32
    "tpu.region"() ({
      %run_scoped3A = tpu.sem_alloc : memref<!tpu.dma_semaphore, #tpu.memory_space<semaphore_mem>>
      %dma_start3A_28 = arith.constant 0 : i32
      %dma_start3A_29 = tpu.memref_slice %arg9[%add3A_12, %dma_start3A_28] : memref<10112x8xf32, #tpu.memory_space<vmem_shared>> -> memref<128x8xf32, #tpu.memory_space<vmem_shared>>
      %dma_start3A_30 = arith.constant 0 : i32
      %dma_start3A_31 = tpu.memref_slice %arg9[%add3A_12, %dma_start3A_30] : memref<10112x8xf32, #tpu.memory_space<vmem_shared>> -> memref<128x8xf32, #tpu.memory_space<vmem_shared>>
      tpu.enqueue_dma source(%arg8 : memref<128x8xf32, #tpu.memory_space<vmem>>) target(%dma_start3A_31 : memref<128x8xf32, #tpu.memory_space<vmem_shared>>) target_semaphore(%run_scoped3A : memref<!tpu.dma_semaphore, #tpu.memory_space<semaphore_mem>>)
      %dma_wait3A_32 = arith.constant 0 : i32
      %dma_wait3A_33 = tpu.memref_slice %arg9[%add3A_12, %dma_wait3A_32] : memref<10112x8xf32, #tpu.memory_space<vmem_shared>> -> memref<128x8xf32, #tpu.memory_space<vmem_shared>>
      %dma_wait3A_34 = arith.constant 0 : i32
      %dma_wait3A_35 = tpu.memref_slice %arg9[%add3A_12, %dma_wait3A_34] : memref<10112x8xf32, #tpu.memory_space<vmem_shared>> -> memref<128x8xf32, #tpu.memory_space<vmem_shared>>
      tpu.wait_dma2 semaphore(%run_scoped3A : memref<!tpu.dma_semaphore, #tpu.memory_space<semaphore_mem>>) src(%arg8 : memref<128x8xf32, #tpu.memory_space<vmem>>) dst(%dma_wait3A_35 : memref<128x8xf32, #tpu.memory_space<vmem_shared>>)
      tpu.yield
    }) : () -> ()
    %add3A_13 = arith.constant 512 : i32
    %add3A_14 = arith.addi %mul3A_4, %add3A_13 : i32
    "tpu.region"() ({
      %run_scoped3A = tpu.sem_alloc : memref<!tpu.dma_semaphore, #tpu.memory_space<semaphore_mem>>
      %dma_start3A_28 = arith.constant 0 : i32
      %dma_start3A_29 = arith.constant 0 : i32
      %dma_start3A_30 = tpu.memref_slice %arg8[%dma_start3A_28, %dma_start3A_29] : memref<128x8xf32, #tpu.memory_space<vmem>> -> memref<120x8xf32, #tpu.memory_space<vmem>>
      %dma_start3A_31 = arith.constant 0 : i32
      %dma_start3A_32 = tpu.memref_slice %arg9[%add3A_14, %dma_start3A_31] : memref<10112x8xf32, #tpu.memory_space<vmem_shared>> -> memref<120x8xf32, #tpu.memory_space<vmem_shared>>
      %dma_start3A_33 = arith.constant 0 : i32
      %dma_start3A_34 = tpu.memref_slice %arg9[%add3A_14, %dma_start3A_33] : memref<10112x8xf32, #tpu.memory_space<vmem_shared>> -> memref<120x8xf32, #tpu.memory_space<vmem_shared>>
      %dma_start3A_35 = arith.constant 0 : i32
      %dma_start3A_36 = arith.constant 0 : i32
      %dma_start3A_37 = tpu.memref_slice %arg8[%dma_start3A_35, %dma_start3A_36] : memref<128x8xf32, #tpu.memory_space<vmem>> -> memref<120x8xf32, #tpu.memory_space<vmem>>
      tpu.enqueue_dma source(%dma_start3A_37 : memref<120x8xf32, #tpu.memory_space<vmem>>) target(%dma_start3A_34 : memref<120x8xf32, #tpu.memory_space<vmem_shared>>) target_semaphore(%run_scoped3A : memref<!tpu.dma_semaphore, #tpu.memory_space<semaphore_mem>>)
      %dma_wait3A_38 = arith.constant 0 : i32
      %dma_wait3A_39 = arith.constant 0 : i32
      %dma_wait3A_40 = tpu.memref_slice %arg8[%dma_wait3A_38, %dma_wait3A_39] : memref<128x8xf32, #tpu.memory_space<vmem>> -> memref<120x8xf32, #tpu.memory_space<vmem>>
      %dma_wait3A_41 = arith.constant 0 : i32
      %dma_wait3A_42 = tpu.memref_slice %arg9[%add3A_14, %dma_wait3A_41] : memref<10112x8xf32, #tpu.memory_space<vmem_shared>> -> memref<120x8xf32, #tpu.memory_space<vmem_shared>>
      %dma_wait3A_43 = arith.constant 0 : i32
      %dma_wait3A_44 = tpu.memref_slice %arg9[%add3A_14, %dma_wait3A_43] : memref<10112x8xf32, #tpu.memory_space<vmem_shared>> -> memref<120x8xf32, #tpu.memory_space<vmem_shared>>
      %dma_wait3A_45 = arith.constant 0 : i32
      %dma_wait3A_46 = arith.constant 0 : i32
      %dma_wait3A_47 = tpu.memref_slice %arg8[%dma_wait3A_45, %dma_wait3A_46] : memref<128x8xf32, #tpu.memory_space<vmem>> -> memref<120x8xf32, #tpu.memory_space<vmem>>
      tpu.wait_dma2 semaphore(%run_scoped3A : memref<!tpu.dma_semaphore, #tpu.memory_space<semaphore_mem>>) src(%dma_wait3A_47 : memref<120x8xf32, #tpu.memory_space<vmem>>) dst(%dma_wait3A_44 : memref<120x8xf32, #tpu.memory_space<vmem_shared>>)
      tpu.yield
    }) : () -> ()
    "tpu.region"() ({
      %run_scoped3A = tpu.sem_alloc : memref<!tpu.dma_semaphore, #tpu.memory_space<semaphore_mem>>
      tpu.enqueue_dma source(%arg3 : memref<128x8xf32, #tpu.memory_space<hbm>>) target(%arg7 : memref<128x8xf32, #tpu.memory_space<vmem>>) target_semaphore(%run_scoped3A : memref<!tpu.dma_semaphore, #tpu.memory_space<semaphore_mem>>)
      tpu.wait_dma2 semaphore(%run_scoped3A : memref<!tpu.dma_semaphore, #tpu.memory_space<semaphore_mem>>) src(%arg3 : memref<128x8xf32, #tpu.memory_space<hbm>>) dst(%arg7 : memref<128x8xf32, #tpu.memory_space<vmem>>)
      tpu.yield
    }) : () -> ()
    "tpu.region"() ({
      %run_scoped3A = tpu.sem_alloc : memref<!tpu.dma_semaphore, #tpu.memory_space<semaphore_mem>>
      %dma_start3A_28 = arith.constant 0 : i32
      %dma_start3A_29 = tpu.memref_slice %arg2[%mul3A_2, %dma_start3A_28] : memref<2560x128xi32, #tpu.memory_space<hbm>> -> memref<80x128xi32, #tpu.memory_space<hbm>>
      %dma_start3A_30 = arith.constant 0 : i32
      %dma_start3A_31 = tpu.memref_slice %arg2[%mul3A_2, %dma_start3A_30] : memref<2560x128xi32, #tpu.memory_space<hbm>> -> memref<80x128xi32, #tpu.memory_space<hbm>>
      tpu.enqueue_dma source(%dma_start3A_31 : memref<80x128xi32, #tpu.memory_space<hbm>>) target(%arg6 : memref<80x128xi32, #tpu.memory_space<vmem>>) target_semaphore(%run_scoped3A : memref<!tpu.dma_semaphore, #tpu.memory_space<semaphore_mem>>)
      %dma_wait3A_32 = arith.constant 0 : i32
      %dma_wait3A_33 = tpu.memref_slice %arg2[%mul3A_2, %dma_wait3A_32] : memref<2560x128xi32, #tpu.memory_space<hbm>> -> memref<80x128xi32, #tpu.memory_space<hbm>>
      %dma_wait3A_34 = arith.constant 0 : i32
      %dma_wait3A_35 = tpu.memref_slice %arg2[%mul3A_2, %dma_wait3A_34] : memref<2560x128xi32, #tpu.memory_space<hbm>> -> memref<80x128xi32, #tpu.memory_space<hbm>>
      tpu.wait_dma2 semaphore(%run_scoped3A : memref<!tpu.dma_semaphore, #tpu.memory_space<semaphore_mem>>) src(%dma_wait3A_35 : memref<80x128xi32, #tpu.memory_space<hbm>>) dst(%arg6 : memref<80x128xi32, #tpu.memory_space<vmem>>)
      tpu.yield
    }) : () -> ()
    %barrier3A = arith.constant 0 : index
    tpu.barrier barrier_id(%barrier3A)
    %scan3A = arith.constant 0 : i32
    %scan3A_15 = arith.constant 80 : i32
    %scan3A_16 = arith.addi %scan3A, %scan3A_15 : i32
    %scan3A_17 = arith.constant 1 : i32
    scf.for %scan3A_28 = %scan3A to %scan3A_16 step %scan3A_17  : i32 {
      %mul3A_29 = arith.constant 1 : i32
      %mul3A_30 = arith.muli %scan3A_28, %mul3A_29 : i32
      %add3A_31 = arith.constant 0 : i32
      %add3A_32 = arith.addi %add3A_31, %mul3A_30 : i32
      %dma_start3A_33 = arith.constant 0 : i32
      %dma_start3A_34 = tpu.memref_slice %arg6[%add3A_32, %dma_start3A_33] : memref<80x128xi32, #tpu.memory_space<vmem>> -> memref<1x128xi32, #tpu.memory_space<vmem>>
      %dma_start3A_35 = tpu.memref_squeeze %dma_start3A_34 : memref<1x128xi32, #tpu.memory_space<vmem>> -> memref<128xi32, #tpu.memory_space<vmem>>
      %dma_start3A_36 = arith.constant 0 : i32
      %dma_start3A_37 = arith.constant 0 : i32
      %dma_start3A_38 = tpu.memref_slice %arg9[%dma_start3A_36, %dma_start3A_37] : memref<10112x8xf32, #tpu.memory_space<vmem_shared>> -> memref<10112x8xf32, #tpu.memory_space<vmem_shared>>
      tpu.enqueue_indirect_dma source(%arg7 : memref<128x8xf32, #tpu.memory_space<vmem>>) target(%dma_start3A_38 : memref<10112x8xf32, #tpu.memory_space<vmem_shared>>) offsets(%dma_start3A_35 : memref<128xi32, #tpu.memory_space<vmem>>) semaphore(%arg11 : memref<!tpu.dma_semaphore, #tpu.memory_space<semaphore_mem>>) {add = true}
      %dma_wait3A_39 = arith.constant 0 : i32
      %dma_wait3A_40 = tpu.memref_slice %arg6[%add3A_32, %dma_wait3A_39] : memref<80x128xi32, #tpu.memory_space<vmem>> -> memref<1x128xi32, #tpu.memory_space<vmem>>
      %dma_wait3A_41 = tpu.memref_squeeze %dma_wait3A_40 : memref<1x128xi32, #tpu.memory_space<vmem>> -> memref<128xi32, #tpu.memory_space<vmem>>
      %dma_wait3A_42 = arith.constant 0 : i32
      %dma_wait3A_43 = arith.constant 0 : i32
      %dma_wait3A_44 = tpu.memref_slice %arg9[%dma_wait3A_42, %dma_wait3A_43] : memref<10112x8xf32, #tpu.memory_space<vmem_shared>> -> memref<10112x8xf32, #tpu.memory_space<vmem_shared>>
      tpu.wait_indirect_dma semaphore(%arg11 : memref<!tpu.dma_semaphore, #tpu.memory_space<semaphore_mem>>) src(%arg7 : memref<128x8xf32, #tpu.memory_space<vmem>>) dst(%dma_wait3A_44 : memref<10112x8xf32, #tpu.memory_space<vmem_shared>>)
    }
    %scan3A_18 = arith.constant 80 : i32
    %barrier3A_19 = arith.constant 0 : index
    tpu.barrier barrier_id(%barrier3A_19)
    %dma_start3A = arith.constant 0 : i32
    %dma_start3A_20 = tpu.memref_slice %arg5[%arg0, %mul3A_4, %dma_start3A] : memref<2x10112x8xf32, #tpu.memory_space<hbm>> -> memref<1x632x8xf32, #tpu.memory_space<hbm>>
    %dma_start3A_21 = tpu.memref_squeeze %dma_start3A_20 : memref<1x632x8xf32, #tpu.memory_space<hbm>> -> memref<632x8xf32, #tpu.memory_space<hbm>>
    %dma_start3A_22 = arith.constant 0 : i32
    %dma_start3A_23 = tpu.memref_slice %arg9[%mul3A_4, %dma_start3A_22] : memref<10112x8xf32, #tpu.memory_space<vmem_shared>> -> memref<632x8xf32, #tpu.memory_space<vmem_shared>>
    tpu.enqueue_dma source(%dma_start3A_23 : memref<632x8xf32, #tpu.memory_space<vmem_shared>>) target(%dma_start3A_21 : memref<632x8xf32, #tpu.memory_space<hbm>>) target_semaphore(%arg12 : memref<!tpu.dma_semaphore, #tpu.memory_space<semaphore_mem>>)
    %dma_wait3A = arith.constant 0 : i32
    %dma_wait3A_24 = tpu.memref_slice %arg5[%arg0, %mul3A_4, %dma_wait3A] : memref<2x10112x8xf32, #tpu.memory_space<hbm>> -> memref<1x632x8xf32, #tpu.memory_space<hbm>>
    %dma_wait3A_25 = tpu.memref_squeeze %dma_wait3A_24 : memref<1x632x8xf32, #tpu.memory_space<hbm>> -> memref<632x8xf32, #tpu.memory_space<hbm>>
    %dma_wait3A_26 = arith.constant 0 : i32
    %dma_wait3A_27 = tpu.memref_slice %arg9[%mul3A_4, %dma_wait3A_26] : memref<10112x8xf32, #tpu.memory_space<vmem_shared>> -> memref<632x8xf32, #tpu.memory_space<vmem_shared>>
    tpu.wait_dma2 semaphore(%arg12 : memref<!tpu.dma_semaphore, #tpu.memory_space<semaphore_mem>>) src(%dma_wait3A_27 : memref<632x8xf32, #tpu.memory_space<vmem_shared>>) dst(%dma_wait3A_25 : memref<632x8xf32, #tpu.memory_space<hbm>>)
    return
  }
}

module attributes {stable_mosaic.version = 14 : i64} {
  func.func @_tc_scale_matmul_body(%arg0: memref<2x10112x1xf32, #tpu.memory_space<vmem>>, %arg1: memref<10112x128xf32, #tpu.memory_space<vmem>>, %arg2: memref<128x64xf32, #tpu.memory_space<vmem>>, %arg3: memref<10112x64xf32, #tpu.memory_space<vmem>>, %arg4: memref<10112x1xf32, #tpu.memory_space<vmem>>) attributes {dimension_semantics = [], scalar_prefetch = 0 : i64, scratch_operands = 0 : i64, tpu.core_type = #tpu.core_type<tc>} {
    %get3A = arith.constant 0 : index
    %get3A_0 = arith.constant 0 : index
    %get3A_1 = arith.constant 0 : index
    %get3A_2 = vector.load %arg0[%get3A, %get3A_0, %get3A_1] : memref<2x10112x1xf32, #tpu.memory_space<vmem>>, vector<1x10112x1xf32>
    %get3A_3 = vector.shape_cast %get3A_2 : vector<1x10112x1xf32> to vector<10112x1xf32>
    %get3A_4 = arith.constant 1 : index
    %get3A_5 = arith.constant 0 : index
    %get3A_6 = arith.constant 0 : index
    %get3A_7 = vector.load %arg0[%get3A_4, %get3A_5, %get3A_6] : memref<2x10112x1xf32, #tpu.memory_space<vmem>>, vector<1x10112x1xf32>
    %get3A_8 = vector.shape_cast %get3A_7 : vector<1x10112x1xf32> to vector<10112x1xf32>
    %add3A = arith.addf %get3A_3, %get3A_8 : vector<10112x1xf32>
    %add3A_9 = arith.constant 1.000000e+00 : f32
    %add3A_10 = vector.broadcast %add3A_9 : f32 to vector<10112x1xf32>
    %add3A_11 = arith.addf %add3A, %add3A_10 : vector<10112x1xf32>
    %rsqrt3A = math.rsqrt %add3A_11 : vector<10112x1xf32>
    %swap3A = arith.constant 0 : index
    %swap3A_12 = arith.constant 0 : index
    %swap3A_13 = vector.load %arg4[%swap3A, %swap3A_12] : memref<10112x1xf32, #tpu.memory_space<vmem>>, vector<10112x1xf32>
    tpu.vector_store %arg4[%swap3A, %swap3A_12], %rsqrt3A {strides = array<i32>} : memref<10112x1xf32, #tpu.memory_space<vmem>>, vector<10112x1xf32>,
    %get3A_14 = arith.constant 0 : index
    %get3A_15 = arith.constant 0 : index
    %get3A_16 = vector.load %arg1[%get3A_14, %get3A_15] : memref<10112x128xf32, #tpu.memory_space<vmem>>, vector<10112x128xf32>
    %get3A_17 = arith.constant 0 : index
    %get3A_18 = arith.constant 0 : index
    %get3A_19 = vector.load %arg2[%get3A_17, %get3A_18] : memref<128x64xf32, #tpu.memory_space<vmem>>, vector<128x64xf32>
    %dot_general3A = arith.constant dense<0.000000e+00> : vector<10112x64xf32>
    %dot_general3A_20 = tpu.matmul %get3A_16, %get3A_19, %dot_general3A {dimension_numbers = #tpu.dot_dimension_numbers<[1], [0], [0], [1], [0, 0, 1, 1], [], []>, transpose_lhs_hint = false} : vector<10112x128xf32>, vector<128x64xf32>, vector<10112x64xf32> -> vector<10112x64xf32>
    %mul3A = vector.broadcast %rsqrt3A : vector<10112x1xf32> to vector<10112x64xf32>
    %mul3A_21 = arith.mulf %dot_general3A_20, %mul3A : vector<10112x64xf32>
    %swap3A_22 = arith.constant 0 : index
    %swap3A_23 = arith.constant 0 : index
    %swap3A_24 = vector.load %arg3[%swap3A_22, %swap3A_23] : memref<10112x64xf32, #tpu.memory_space<vmem>>, vector<10112x64xf32>
    tpu.vector_store %arg3[%swap3A_22, %swap3A_23], %mul3A_21 {strides = array<i32>} : memref<10112x64xf32, #tpu.memory_space<vmem>>, vector<10112x64xf32>,
    return
  }
}

module attributes {stable_mosaic.version = 14 : i64} {
  func.func @_tc_layer1_finish_body(%arg0: memref<2x10112x64xf32, #tpu.memory_space<vmem>>, %arg1: memref<10112x64xf32, #tpu.memory_space<vmem>>, %arg2: memref<10112x1xf32, #tpu.memory_space<vmem>>, %arg3: memref<1x64xf32, #tpu.memory_space<vmem>>, %arg4: memref<64x128xf32, #tpu.memory_space<vmem>>, %arg5: memref<2x10112x64xf32, #tpu.memory_space<vmem>>) attributes {dimension_semantics = [], scalar_prefetch = 0 : i64, scratch_operands = 0 : i64, tpu.core_type = #tpu.core_type<tc>} {
    %get3A = arith.constant 0 : index
    %get3A_0 = arith.constant 0 : index
    %get3A_1 = arith.constant 0 : index
    %get3A_2 = vector.load %arg0[%get3A, %get3A_0, %get3A_1] : memref<2x10112x64xf32, #tpu.memory_space<vmem>>, vector<1x10112x64xf32>
    %get3A_3 = vector.shape_cast %get3A_2 : vector<1x10112x64xf32> to vector<10112x64xf32>
    %get3A_4 = arith.constant 1 : index
    %get3A_5 = arith.constant 0 : index
    %get3A_6 = arith.constant 0 : index
    %get3A_7 = vector.load %arg0[%get3A_4, %get3A_5, %get3A_6] : memref<2x10112x64xf32, #tpu.memory_space<vmem>>, vector<1x10112x64xf32>
    %get3A_8 = vector.shape_cast %get3A_7 : vector<1x10112x64xf32> to vector<10112x64xf32>
    %add3A = arith.addf %get3A_3, %get3A_8 : vector<10112x64xf32>
    %get3A_9 = arith.constant 0 : index
    %get3A_10 = arith.constant 0 : index
    %get3A_11 = vector.load %arg1[%get3A_9, %get3A_10] : memref<10112x64xf32, #tpu.memory_space<vmem>>, vector<10112x64xf32>
    %add3A_12 = arith.addf %add3A, %get3A_11 : vector<10112x64xf32>
    %get3A_13 = arith.constant 0 : index
    %get3A_14 = arith.constant 0 : index
    %get3A_15 = vector.load %arg2[%get3A_13, %get3A_14] : memref<10112x1xf32, #tpu.memory_space<vmem>>, vector<10112x1xf32>
    %mul3A = vector.broadcast %get3A_15 : vector<10112x1xf32> to vector<10112x64xf32>
    %mul3A_16 = arith.mulf %add3A_12, %mul3A : vector<10112x64xf32>
    %get3A_17 = arith.constant 0 : index
    %get3A_18 = arith.constant 0 : index
    %get3A_19 = vector.load %arg3[%get3A_17, %get3A_18] : memref<1x64xf32, #tpu.memory_space<vmem>>, vector<1x64xf32>
    %add3A_20 = vector.broadcast %get3A_19 : vector<1x64xf32> to vector<10112x64xf32>
    %add3A_21 = arith.addf %mul3A_16, %add3A_20 : vector<10112x64xf32>
    %max3A = arith.constant 0.000000e+00 : f32
    %max3A_22 = vector.broadcast %max3A : f32 to vector<10112x64xf32>
    %max3A_23 = arith.maximumf %add3A_21, %max3A_22 : vector<10112x64xf32>
    %get3A_24 = arith.constant 0 : index
    %get3A_25 = arith.constant 0 : index
    %get3A_26 = vector.load %arg4[%get3A_24, %get3A_25] : memref<64x128xf32, #tpu.memory_space<vmem>>, vector<64x128xf32>
    %dot_general3A = arith.constant dense<0.000000e+00> : vector<10112x128xf32>
    %dot_general3A_27 = tpu.matmul %max3A_23, %get3A_26, %dot_general3A {dimension_numbers = #tpu.dot_dimension_numbers<[1], [0], [0], [1], [0, 0, 1, 1], [], []>, transpose_lhs_hint = false} : vector<10112x64xf32>, vector<64x128xf32>, vector<10112x128xf32> -> vector<10112x128xf32>
    %get3A_28 = arith.constant 0 : index
    %get3A_29 = arith.constant 0 : index
    %get3A_30 = vector.load %arg2[%get3A_28, %get3A_29] : memref<10112x1xf32, #tpu.memory_space<vmem>>, vector<10112x1xf32>
    %mul3A_31 = vector.broadcast %get3A_30 : vector<10112x1xf32> to vector<10112x128xf32>
    %mul3A_32 = arith.mulf %dot_general3A_27, %mul3A_31 : vector<10112x128xf32>
    %slice3A = vector.extract_strided_slice %mul3A_32 {offsets = [0, 0], sizes = [10112, 64], strides = [1, 1]} : vector<10112x128xf32> to vector<10112x64xf32>
    %swap3A = arith.constant 0 : index
    %swap3A_33 = arith.constant 0 : index
    %swap3A_34 = arith.constant 0 : index
    %swap3A_35 = vector.load %arg5[%swap3A, %swap3A_33, %swap3A_34] : memref<2x10112x64xf32, #tpu.memory_space<vmem>>, vector<1x10112x64xf32>
    %swap3A_36 = vector.shape_cast %swap3A_35 : vector<1x10112x64xf32> to vector<10112x64xf32>
    %swap3A_37 = vector.shape_cast %slice3A : vector<10112x64xf32> to vector<1x10112x64xf32>
    tpu.vector_store %arg5[%swap3A, %swap3A_33, %swap3A_34], %swap3A_37 {strides = array<i32>} : memref<2x10112x64xf32, #tpu.memory_space<vmem>>, vector<1x10112x64xf32>,
    %slice3A_38 = vector.extract_strided_slice %mul3A_32 {offsets = [0, 64], sizes = [10112, 64], strides = [1, 1]} : vector<10112x128xf32> to vector<10112x64xf32>
    %swap3A_39 = arith.constant 1 : index
    %swap3A_40 = arith.constant 0 : index
    %swap3A_41 = arith.constant 0 : index
    %swap3A_42 = vector.load %arg5[%swap3A_39, %swap3A_40, %swap3A_41] : memref<2x10112x64xf32, #tpu.memory_space<vmem>>, vector<1x10112x64xf32>
    %swap3A_43 = vector.shape_cast %swap3A_42 : vector<1x10112x64xf32> to vector<10112x64xf32>
    %swap3A_44 = vector.shape_cast %slice3A_38 : vector<10112x64xf32> to vector<1x10112x64xf32>
    tpu.vector_store %arg5[%swap3A_39, %swap3A_40, %swap3A_41], %swap3A_44 {strides = array<i32>} : memref<2x10112x64xf32, #tpu.memory_space<vmem>>, vector<1x10112x64xf32>,
    return
  }
}

module attributes {stable_mosaic.version = 14 : i64} {
  func.func @_tc_layer2_finish_body(%arg0: memref<2x10112x64xf32, #tpu.memory_space<vmem>>, %arg1: memref<2x10112x64xf32, #tpu.memory_space<vmem>>, %arg2: memref<10112x1xf32, #tpu.memory_space<vmem>>, %arg3: memref<1x128xf32, #tpu.memory_space<vmem>>, %arg4: memref<10112x128xf32, #tpu.memory_space<vmem>>) attributes {dimension_semantics = [], scalar_prefetch = 0 : i64, scratch_operands = 0 : i64, tpu.core_type = #tpu.core_type<tc>} {
    %get3A = arith.constant 0 : index
    %get3A_0 = arith.constant 0 : index
    %get3A_1 = arith.constant 0 : index
    %get3A_2 = vector.load %arg0[%get3A, %get3A_0, %get3A_1] : memref<2x10112x64xf32, #tpu.memory_space<vmem>>, vector<1x10112x64xf32>
    %get3A_3 = vector.shape_cast %get3A_2 : vector<1x10112x64xf32> to vector<10112x64xf32>
    %get3A_4 = arith.constant 0 : index
    %get3A_5 = arith.constant 0 : index
    %get3A_6 = arith.constant 0 : index
    %get3A_7 = vector.load %arg1[%get3A_4, %get3A_5, %get3A_6] : memref<2x10112x64xf32, #tpu.memory_space<vmem>>, vector<1x10112x64xf32>
    %get3A_8 = vector.shape_cast %get3A_7 : vector<1x10112x64xf32> to vector<10112x64xf32>
    %add3A = arith.addf %get3A_3, %get3A_8 : vector<10112x64xf32>
    %get3A_9 = arith.constant 1 : index
    %get3A_10 = arith.constant 0 : index
    %get3A_11 = arith.constant 0 : index
    %get3A_12 = vector.load %arg0[%get3A_9, %get3A_10, %get3A_11] : memref<2x10112x64xf32, #tpu.memory_space<vmem>>, vector<1x10112x64xf32>
    %get3A_13 = vector.shape_cast %get3A_12 : vector<1x10112x64xf32> to vector<10112x64xf32>
    %get3A_14 = arith.constant 1 : index
    %get3A_15 = arith.constant 0 : index
    %get3A_16 = arith.constant 0 : index
    %get3A_17 = vector.load %arg1[%get3A_14, %get3A_15, %get3A_16] : memref<2x10112x64xf32, #tpu.memory_space<vmem>>, vector<1x10112x64xf32>
    %get3A_18 = vector.shape_cast %get3A_17 : vector<1x10112x64xf32> to vector<10112x64xf32>
    %add3A_19 = arith.addf %get3A_13, %get3A_18 : vector<10112x64xf32>
    %get3A_20 = arith.constant 0 : index
    %get3A_21 = arith.constant 0 : index
    %get3A_22 = vector.load %arg2[%get3A_20, %get3A_21] : memref<10112x1xf32, #tpu.memory_space<vmem>>, vector<10112x1xf32>
    %mul3A = vector.broadcast %get3A_22 : vector<10112x1xf32> to vector<10112x64xf32>
    %mul3A_23 = arith.mulf %add3A, %mul3A : vector<10112x64xf32>
    %get3A_24 = arith.constant 0 : index
    %get3A_25 = arith.constant 0 : index
    %get3A_26 = vector.load %arg3[%get3A_24, %get3A_25] : memref<1x128xf32, #tpu.memory_space<vmem>>, vector<1x64xf32>
    %add3A_27 = vector.broadcast %get3A_26 : vector<1x64xf32> to vector<10112x64xf32>
    %add3A_28 = arith.addf %mul3A_23, %add3A_27 : vector<10112x64xf32>
    %swap3A = arith.constant 0 : index
    %swap3A_29 = arith.constant 0 : index
    %swap3A_30 = vector.load %arg4[%swap3A, %swap3A_29] : memref<10112x128xf32, #tpu.memory_space<vmem>>, vector<10112x64xf32>
    tpu.vector_store %arg4[%swap3A, %swap3A_29], %add3A_28 {strides = array<i32>} : memref<10112x128xf32, #tpu.memory_space<vmem>>, vector<10112x64xf32>,
    %get3A_31 = arith.constant 0 : index
    %get3A_32 = arith.constant 0 : index
    %get3A_33 = vector.load %arg2[%get3A_31, %get3A_32] : memref<10112x1xf32, #tpu.memory_space<vmem>>, vector<10112x1xf32>
    %mul3A_34 = vector.broadcast %get3A_33 : vector<10112x1xf32> to vector<10112x64xf32>
    %mul3A_35 = arith.mulf %add3A_19, %mul3A_34 : vector<10112x64xf32>
    %get3A_36 = arith.constant 0 : index
    %get3A_37 = arith.constant 64 : index
    %get3A_38 = vector.load %arg3[%get3A_36, %get3A_37] : memref<1x128xf32, #tpu.memory_space<vmem>>, vector<1x64xf32>
    %add3A_39 = vector.broadcast %get3A_38 : vector<1x64xf32> to vector<10112x64xf32>
    %add3A_40 = arith.addf %mul3A_35, %add3A_39 : vector<10112x64xf32>
    %swap3A_41 = arith.constant 0 : index
    %swap3A_42 = arith.constant 64 : index
    %swap3A_43 = vector.load %arg4[%swap3A_41, %swap3A_42] : memref<10112x128xf32, #tpu.memory_space<vmem>>, vector<10112x64xf32>
    tpu.vector_store %arg4[%swap3A_41, %swap3A_42], %add3A_40 {strides = array<i32>} : memref<10112x128xf32, #tpu.memory_space<vmem>>, vector<10112x64xf32>,
    return
  }
}

</mosaic_0001>

<sc_bundles>
// kernel: kernel.11.cloned.1.call-start
scs
__scs_entry_jumppad:
0x0: {  	(pc) =	sbr.rel $0x88, $3  }
0x1: {  	(tag) =	ssettag $0x0;
	lr =	simm.s32 $0x1  }
0x2: {  	[smem:$0x3F9B] =	sst lr;
	_ =	strace $0xD0000000  }
0x3: {  	_ = 	snop  }
0x4: {  	_ = 	snop  }
0x5: {  	_ = 	snop  }
0x6: {  	_ = 	snop  }
0x7: {  	_ = 	snop  }
__scs_overlays_trampoline_lowered:
0x8: {  	[smem:$0x3FAA] =	sst s0  }
0x9: {  	[smem:$0x3FAB] =	sst s1  }
0xa: {  	[smem:$0x3FAC] =	sst s2  }
0xb: {  	[smem:$0x3FAD] =	sst s3  }
0xc: {  	[smem:$0x3FAE] =	sst s4  }
0xd: {  	[smem:$0x3FAF] =	sst s5  }
0xe: {  	[smem:$0x3FB0] =	sst s6  }
0xf: {  	[smem:$0x3FB1] =	sst s7  }
0x10: {  	[smem:$0x3FB2] =	sst s8  }
0x11: {  	[smem:$0x3FB3] =	sst s9;
	s0 =	simm.s32 @!p0 $0x0  }
0x12: {  	s1 =	sld [smem:$0x3F99];
	s0 =	simm.s32 @p0 $0x1  }
0x13: {  	[smem:$0x3FB4] =	sst s0;
	s0 =	simm.s32 @!p1 $0x0  }
0x14: {  	s2 =	sld [smem:$0x3F98];
	s0 =	simm.s32 @p1 $0x1  }
0x15: {  	[smem:$0x3FB5] =	sst s0;
	s0 =	simm.s32 @!p2 $0x0  }
0x16: {  	s3 =	sld [smem:$0x3FDB];
	s0 =	simm.s32 @p2 $0x1  }
0x17: {  	s4 =	simm.s32 $0x1BF5;
	[smem:$0x3FB7] =	sst s0  }
0x18: {  	s0 =	sld [smem:$0x3F9A];
	_ =	swait.ge [sflag:s4], $0x0  }
0x19: {  	s7 =	sld [smem:$0x3F9B]  }
0x1a: {  	s8 =	sadd.s32 $0xFFFFE003, lr  }
0x1b: {  	s9 =	sadd.s32 $0xFFFFFEF7, lr;
	s5 =	simm.s32 $0xFFFFFFFF;
	p2 =	slt.u32 s8, $0xFFFFF086  }
0x1c: {  	p1 =	slt.u32 s9, $0xF7A;
	s5 =	simm.s32 @!p2 $0x0  }
0x1d: {  	s5 =	simm.s32 @p1 $0x1;
	p0 =	seq.s32 s7, s2  }
0x1e: {  	s7 =	smul.u32 @!p0 $0xF7A, s2;
	p2 =	seq.s32 @!p0 s5, $0x0  }
0x1f: {  	s9 =	smul.u32 $0xF7A, s1;
	s8 =	simm.s32 @!p0 $0x1BF5;
	p2 =	por !p2, p0  }
0x20: {  	[sflag:s8] =	ssyncset.s32 @!p0 $0xFFFFF086;
	s6 =	sadd.s32 @!p0 s3, s7;
	s7 =	simm.s32 @!p0 $0x108  }
0x21: {  	s3 =	sadd.s32 s3, s9;
	s6 =	sadd.s32 @!p0 $0x88, s6;
	s7 =	simm.s32 @p2 $0x1082  }
0x22: {  	[simem:s7], [sflag:s8] =	dma.local @!p0 [hbm:s6], $0xF7A  }
0x23: {  	s9 =	sor.u32 $0xD0000000, s2;
	s6 =	simm.s32 $0x108;
	_ =	swait.ge @!p0 [sflag:s8], $0x0  }
0x24: {  	s3 =	sadd.s32 $0x88, s3;
	s6 =	simm.s32 @!p1 $0x1082;
	[sflag:s4] =	ssyncset.s32 $0xFFFFF086  }
0x25: {  	[simem:s6], [sflag:s4] =	dma.local [hbm:s3], $0xF7A  }
0x26: {  	[smem:$0x3F9B] =	sst s1;
	(tag) =	ssettag s2;
	_ =	strace s9  }
0x27: {  	s1 =	sld [smem:$0x3FAB]  }
0x28: {  	s2 =	sld [smem:$0x3FAC]  }
0x29: {  	s4 =	sld [smem:$0x3FAE]  }
0x2a: {  	p0 =	seq.s32 s5, $0x0;
	s5 =	sld [smem:$0x3FAF]  }
0x2b: {  	s6 =	sld [smem:$0x3FB0]  }
0x2c: {  	s7 =	sld [smem:$0x3FB1]  }
0x2d: {  	s3 =	simm.s32 $0x108;
	s8 =	sld [smem:$0x3FB2]  }
0x2e: {  	s3 =	simm.s32 @!p0 $0x1082;
	s9 =	sld [smem:$0x3FB3]  }
0x2f: {  	lr =	sadd.s32 s0, s3;
	s0 =	sld [smem:$0x3FAA]  }
0x30: {  	s3 =	sld [smem:$0x3FAD]  }
0x31: {  	[smem:$0x3FB6] =	sst s10  }
0x32: {  	s10 =	sld [smem:$0x3FB4];
	_ =	sdelay $0x3  }
0x33: {  	p0 =	seq.s32 s10, $0x1;
	s10 =	sld [smem:$0x3FB6];
	_ =	sdelay $0x3  }
0x34: {  	[smem:$0x3FB6] =	sst s10  }
0x35: {  	s10 =	sld [smem:$0x3FB5];
	_ =	sdelay $0x3  }
0x36: {  	p1 =	seq.s32 s10, $0x1;
	s10 =	sld [smem:$0x3FB6];
	_ =	sdelay $0x3  }
0x37: {  	[smem:$0x3FB6] =	sst s10  }
0x38: {  	s10 =	sld [smem:$0x3FB7]  }
0x39: {  	_ = 	snop;
	(pc) =	sbr.ind lr, $3  }
0x3a: {  	_ = 	snop  }
0x3b: {  	_ = 	snop  }
0x3c: {  	p2 =	seq.s32 s10, $0x1;
	s10 =	sld [smem:$0x3FB6]  }
0x3d: {  	_ =	shalt  }
0x3e: {  	_ =	shalt  }
0x3f: {  	_ =	shalt  }
0x40: {  	_ =	shalt  }
0x41: {  	_ =	shalt  }
0x42: {  	_ =	shalt  }
0x43: {  	_ =	shalt  }
0x44: {  	_ =	shalt  }
0x45: {  	_ =	shalt  }
0x46: {  	_ =	shalt  }
0x47: {  	_ =	shalt  }
0x48: {  	_ =	shalt  }
0x49: {  	_ =	shalt  }
0x4a: {  	_ =	shalt  }
0x4b: {  	_ =	shalt  }
0x4c: {  	_ =	shalt  }
0x4d: {  	_ =	shalt  }
0x4e: {  	_ =	shalt  }
0x4f: {  	_ =	shalt  }
0x50: {  	_ =	shalt  }
0x51: {  	_ =	shalt  }
0x52: {  	_ =	shalt  }
0x53: {  	_ =	shalt  }
0x54: {  	_ =	shalt  }
0x55: {  	_ =	shalt  }
0x56: {  	_ =	shalt  }
0x57: {  	_ =	shalt  }
0x58: {  	_ =	shalt  }
0x59: {  	_ =	shalt  }
0x5a: {  	_ =	shalt  }
0x5b: {  	_ =	shalt  }
0x5c: {  	_ =	shalt  }
0x5d: {  	_ =	shalt  }
0x5e: {  	_ =	shalt  }
0x5f: {  	_ =	shalt  }
0x60: {  	_ =	shalt  }
0x61: {  	_ =	shalt  }
0x62: {  	_ =	shalt  }
0x63: {  	_ =	shalt  }
0x64: {  	_ =	shalt  }
0x65: {  	_ =	shalt  }
0x66: {  	_ =	shalt  }
0x67: {  	_ =	shalt  }
0x68: {  	_ =	shalt  }
0x69: {  	_ =	shalt  }
0x6a: {  	_ =	shalt  }
0x6b: {  	_ =	shalt  }
0x6c: {  	_ =	shalt  }
0x6d: {  	_ =	shalt  }
0x6e: {  	_ =	shalt  }
0x6f: {  	_ =	shalt  }
0x70: {  	_ =	shalt  }
0x71: {  	_ =	shalt  }
0x72: {  	_ =	shalt  }
0x73: {  	_ =	shalt  }
0x74: {  	_ =	shalt  }
0x75: {  	_ =	shalt  }
0x76: {  	_ =	shalt  }
0x77: {  	_ =	shalt  }
0x78: {  	_ =	shalt  }
0x79: {  	_ =	shalt  }
0x7a: {  	_ =	shalt  }
0x7b: {  	_ =	shalt  }
0x7c: {  	_ =	shalt  }
0x7d: {  	_ =	shalt  }
0x7e: {  	_ =	shalt  }
0x7f: {  	_ =	shalt  }
0x80: {  	_ =	shalt  }
0x81: {  	_ =	shalt  }
0x82: {  	_ =	shalt  }
0x83: {  	_ =	shalt  }
0x84: {  	_ =	shalt  }
0x85: {  	_ =	shalt  }
0x86: {  	_ =	shalt  }
0x87: {  	_ =	shalt  }
.Lfunc_end0:
.L_simem_size_0:
called_computation.1_lowered:
.L_overlay_start_0:
0x88: {  	s2 =	sld [smem:$0x3FD9]  }
0x89: {  	s3 =	sld [smem:$0x3FFE];
	_ =	sdelay $0x1  }
0x8a: {  	s1 =	srdreg.scid  }
0x8b: {  	s0 =	sand.u32 $0x1, s1  }
0x8c: {  	s17 =	sshll.u32 s0, $0xA;
	s2 =	sadd.s32 s3, s2  }
0x8d: {  	s2 =	sadd.s32 s2, s17  }
0x8e: {  	[smem:$0x3FC2] =	sst s2  }
0x8f: {  	_ = 	snop  }
0x90: {  	s2 =	sld [smem:$0x3FD0];
	(tm) =	ssettm $0x1  }
0x91: {  	s18 =	sld [smem:$0x3FFB];
	_ =	sdelay $0x3  }
0x92: {  	_ =	strace s18  }
0x93: {  	s3 =	sld [smem:$0x3FFC];
	_ =	sdelay $0x3  }
0x94: {  	_ =	strace s3  }
0x95: {  	s3 =	sld [smem:$0x3FFD];
	_ =	sdelay $0x3  }
0x96: {  	_ =	strace s3  }
0x97: {  	_ =	strace $0x8FFFFFFF  }
0x98: {  	s19 =	sld [smem:$0x3FDB];
	_ =	sdelay $0x1  }
0x99: {  	s4 =	simm.s32 $_scs_section_size  }
0x9a: {  	s5 =	simm.s32 $_size__tile_overlayer_lowered;
	s6 =	simm.s32 $_tile_overlayer_lowered  }
0x9b: {  	s22 =	simm.s32 $0x1BFF;
	s21 =	sshll.u32 s6, $0x1;
	s3 =	sadd.s32 s4, s19  }
0x9c: {  	s7 =	simm.s32 $0x0;
	s20 =	sshll.u32 s5, $0x1;
	s5 =	sadd.s32 s21, s3  }
0x9d: {  	[timem:s7], [sflag:s22] =	dma.local [hbm:s5], s20  }
0x9e: {  	_ =	swait.ge [sflag:s22], s20  }
0x9f: {  	s4 =	ssub.s32 $0x0, s20;
	[sflag:s22] =	ssyncset.done $0x0  }
0xa0: {  	[sflag:s22] =	ssyncadd.s32 s4;
	_ =	sdelay $0x1  }
0xa1: {  	s23 =	simm.s32 $0x1B8B  }
0xa2: {  	_ =	swait.ge [sflag:s23], $0x1  }
0xa3: {  	[sflag:s23] =	ssyncset.done $0x0  }
0xa4: {  	s25 =	simm.s32 $0x1B8E;
	s24 =	sld [smem:$0x3FFE];
	[sflag:s23] =	ssyncadd.s32 $0xFFFFFFFF  }
0xa5: {  	s26 =	simm.s32 $execute0_lowered;
	[smem:$0x3FD2] =	sst s25  }
0xa6: {  	s5 =	sshll.u32 s26, $0x1;
	_ =	strace $0x80000049;
	[dreg:$0x1] =	wrdreg $0xFFFFFFFF  }
0xa7: {  	s28 =	simm.s32 $_size_execute0_lowered;
	s3 =	sadd.s32 s3, s5;
	[dreg:$0x0] =	wrdreg $0x0  }
0xa8: {  	s5 =	sshll.u32 s28, $0x1;
	[dreg:$0x2] =	wrdreg s3  }
0xa9: {  	[dreg:$0x3] =	wrdreg s5  }
0xaa: {  	[dreg:$0x4] =	wrdreg $0xC0  }
0xab: {  	_ =	task [dreg:s7], $0x5FFFF  }
0xac: {  	[dreg:$0x1] =	wrdreg $0xFFFFFFFF  }
0xad: {  	[dreg:$0x0] =	wrdreg $0x60  }
0xae: {  	[dreg:$0x2] =	wrdreg s2  }
0xaf: {  	[dreg:$0x3] =	wrdreg s24  }
0xb0: {  	[dreg:$0x4] =	wrdreg $0xF0000  }
0xb1: {  	[dreg:$0x5] =	wrdreg $0x9  }
0xb2: {  	_ =	task.clear_ibuf [dreg:s7], $0x6FFFF;
	_ =	strace $0x90000049  }
0xb3: {  	s29 =	simm.s32 $0x9;
	_ =	strace $0x8000004B  }
0xb4: {  	_ =	swait.ge [sflag:s29], $0x1  }
0xb5: {  	[sflag:s29] =	ssyncadd.s32 $0xFFFFFFFF  }
0xb6: {  	_ =	strace $0x9000004B  }
0xb7: {  	_ =	sfence  }
0xb8: {  	s30 =	sld [smem:$0x0];
	_ =	sdelay $0x2  }
0xb9: {  	s31 =	sshll.u32 s1, $0xD;
	s1 =	sshrl.u32 s1, $0x2  }
0xba: {  	s3 =	sand.u32 $0x4000, s31;
	s1 =	sadd.s32 s1, s30  }
0xbb: {  	s0 =	sor.u32 s3, s0;
	s1 =	sshll.u32 s1, $0x11  }
0xbc: {  	s0 =	sor.u32 s1, s0  }
0xbd: {  	s0 =	sadd.s32 $0x8F2B, s0  }
0xbe: {  	[sflag:s0] =	ssyncadd.remote.s32 $0x1  }
0xbf: {  	_ =	sfence.sel $0xFFFF  }
0xc0: {  	[dreg:$0x0] =	wrdreg $0xFFFFFFFF;
	(pc) =	sbr.abs _section_cstart, $3  }
0xc1: {  	[dreg:$0x1] =	wrdreg $0xFFFFFFFF  }
0xc2: {  	_ =	task.clear_ibuf [dreg:s7], $0x2FFFF;
	_ =	strace $0x9FFFFFFF  }
0xc3: {  	(tm) =	ssettm $0x7FFFFFFF  }
tec
execute0_lowered:
.L_overlay_start_1:
0x0: {  	(tag) =	ssettag $0x1  }
0x1: {  	s0 =	srdreg.scid;
	s1 =	rddreg [dreg:$0x0]  }
0x2: {  	s8 =	stileid.u32;
	s5 =	rddreg [dreg:$0x1]  }
0x3: {  	s3 =	rddreg [dreg:$0x2];
	s4 =	simm.s32 $0x0;
	s15 =	simm.s32 $0xD000  }
0x4: {  	s16 =	simm.s32 $0xA;
	s17 =	simm.s32 $0x2800;
	s18 =	simm.s32 $0x80  }
0x5: {  	s19 =	simm.s32 $0x5000;
	s20 =	simm.s32 $0x7000;
	s22 =	simm.s32 $0x9000  }
0x6: {  	s23 =	simm.s32 $0x1;
	s29 =	simm.s32 $0x5;
	s31 =	simm.s32 $0x3  }
0x7: {  	s30 =	simm.s32 $0x7;
	s21 =	simm.s32 $0x9;
	s28 =	simm.s32 $0x0  }
0x8: {  	s0 =	sand.u32 $0x1, s0;
	s2 =	sshll.u32 s8, $0x1;
	s6 =	smul.u32 $0x9E00, s8  }
0x9: {  	[smem:$0x7FF] =	sst s4;
	s8 =	smul.u32 $0x27800, s8;
	s9 =	sadd.s32 $0x66600, s5  }
0xa: {  	s2 =	sor.u32 s0, s2;
	s7 =	smul.u32 $0x9E000, s0;
	_ =	strace $0x8000004A  }
0xb: {  	[dreg:$0x4] =	wrdreg s9;
	s0 =	ssub.s32 $0x2, s0;
	s2 =	smul.u32 $0x500, s2  }
0xc: {  	s24 =	sshrl.u32 s0, $0x1;
	s8 =	sshrl.u32 s8, $0x2;
	s7 =	sadd.s32 s6, s7  }
0xd: {  	s0 =	ssub.s32 s0, s24;
	s6 =	sadd.s32 s6, s3;
	s25 =	sadd.s32 s8, s3  }
0xe: {  	s24 =	simm.s32 $0x4;
	s2 =	sadd.s32 s2, s5;
	s7 =	sshrl.u32 s7, $0x3  }
0xf: {  	s8 =	sadd.s32 $0x2000, s25;
	s26 =	sadd.s32 $0x4000, s25;
	s9 =	sadd.s32 $0x6000, s25  }
0x10: {  	s10 =	sadd.s32 $0x8000, s25;
	s14 =	smax.u32 s0, $0x1;
	s25 =	simm.s32 $0xB000  }
0x11: {  	s0 =	simm.s32 $0x6;
	s5 =	sadd.s32 s7, s5;
	[dreg:$0x5] =	wrdreg s8  }
0x12: {  	[dreg:$0x6] =	wrdreg s26;
	s11 =	sadd.s32 $0x3600, s2;
	s12 =	sadd.s32 $0xD600, s2  }
0x13: {  	s26 =	simm.s32 $0x2;
	s2 =	simm.s32 $0x8;
	s13 =	sadd.s32 $0x66A00, s5  }
.LBB2_1:
0x14: {  	s5 =	rddreg [dreg:$0x4]  }
0x15: {  	[tilespmem:s15], [sflag:$0xA] =	stream.linear.gather [hbm4b:s5+s4], $0x2000, $0x38;
	[tilespmem:$0x18E00] =	vst v63  }
0x16: {  	_ =	swait.ge [sflag:s16], $0x2000  }
0x17: {  	[sflag:s16] =	ssyncset.done $0x0  }
0x18: {  	[sflag:s16] =	ssyncadd.s32 $0xFFFFE000  }
0x19: {  	[spmem:s6] =	stream.linear.scatter [tilespmem:s15], [sflag:$0xA], $0x2000, $0x38;
	[tilespmem:$0x18E00] =	vst v63  }
0x1a: {  	_ =	swait.ge [sflag:s16], $0x2000  }
0x1b: {  	[sflag:s16] =	ssyncset.done $0x0  }
0x1c: {  	s7 =	rddreg [dreg:$0x5];
	[sflag:s16] =	ssyncadd.s32 $0xFFFFE000  }
0x1d: {  	[spmem:s7] =	stream.linear.scatter [tilespmem:s15], [sflag:$0xA], $0x2000, $0x38;
	[tilespmem:$0x18E00] =	vst v63  }
0x1e: {  	_ =	swait.ge [sflag:s16], $0x2000  }
0x1f: {  	[sflag:s16] =	ssyncset.done $0x0  }
0x20: {  	s8 =	rddreg [dreg:$0x6];
	[sflag:s16] =	ssyncadd.s32 $0xFFFFE000  }
0x21: {  	[spmem:s8] =	stream.linear.scatter [tilespmem:s15], [sflag:$0xA], $0x2000, $0x38;
	[tilespmem:$0x18E00] =	vst v63  }
0x22: {  	_ =	swait.ge [sflag:s16], $0x2000  }
0x23: {  	[sflag:s16] =	ssyncset.done $0x0  }
0x24: {  	[sflag:s16] =	ssyncadd.s32 $0xFFFFE000  }
0x25: {  	[spmem:s9] =	stream.linear.scatter [tilespmem:s15], [sflag:$0xA], $0x2000, $0x38;
	[tilespmem:$0x18E00] =	vst v63  }
0x26: {  	_ =	swait.ge [sflag:s16], $0x2000  }
0x27: {  	[sflag:s16] =	ssyncset.done $0x0  }
0x28: {  	[sflag:s16] =	ssyncadd.s32 $0xFFFFE000  }
0x29: {  	[spmem:s10] =	stream.linear.scatter [tilespmem:s15], [sflag:$0xA], $0x1E00, $0x38;
	[tilespmem:$0x18E00] =	vst v63  }
0x2a: {  	_ =	swait.ge [sflag:s16], $0x1E00  }
0x2b: {  	[sflag:s16] =	ssyncset.done $0x0  }
0x2c: {  	[sflag:s16] =	ssyncadd.s32 $0xFFFFE200  }
0x2d: {  	[tilespmem:s4], [sflag:$0xA] =	stream.linear.gather [hbm4b:s11+s4], $0x2800, $0x38;
	[tilespmem:$0x18E00] =	vst v63  }
0x2e: {  	_ =	swait.ge [sflag:s16], $0x2800  }
0x2f: {  	[sflag:s16] =	ssyncset.done $0x0  }
0x30: {  	[sflag:s16] =	ssyncadd.s32 $0xFFFFD800  }
0x31: {  	[tilespmem:s17], [sflag:$0xA] =	stream.linear.gather [hbm4b:s12+s4], $0x2800, $0x38;
	[tilespmem:$0x18E00] =	vst v63  }
0x32: {  	_ =	swait.ge [sflag:s16], $0x2800  }
0x33: {  	[sflag:s16] =	ssyncset.done $0x0  }
0x34: {  	[sflag:s16] =	ssyncadd.s32 $0xFFFFD800  }
0x35: {  	[bflag:$0x0] =	sbarrier.arrive $0xFFFF  }
0x36: {  	[tilespmem:s19], [sflag:$0x1] =	stream.indirect.gather [hbm4b:s1+s18], $0x40, s4, s18, $0xb8;
	[tilespmem:$0x18E00] =	vst v63  }
0x37: {  	_ = 	snop  }
0x38: {  	[tilespmem:s20], [sflag:$0x2] =	stream.indirect.gather [hbm4b:s1+s18], $0x40, s18, s18, $0xb8;
	[tilespmem:$0x18E00] =	vst v63  }
0x39: {  	s7 =	simm.s32 $0x100  }
0x3a: {  	[tilespmem:s22], [sflag:$0x3] =	stream.indirect.gather [hbm4b:s1+s18], $0x40, s7, s18, $0xb8;
	[tilespmem:$0x18E00] =	vst v63  }
0x3b: {  	_ =	swait.ge [sflag:s23], $0x2000  }
0x3c: {  	[sflag:s23] =	ssyncset.done $0x0  }
0x3d: {  	[sflag:s23] =	ssyncadd.s32 $0xFFFFE000  }
0x3e: {  	[spmem:s3] =	stream.indirect.scatter.add.f32 [tilespmem:s19], [sflag:$0x5], $0x40, s17, s18, $0xb8;
	[tilespmem:$0x18E00] =	vst v63  }
0x3f: {  	s8 =	simm.s32 $0x180  }
0x40: {  	[tilespmem:s25], [sflag:$0x4] =	stream.indirect.gather [hbm4b:s1+s18], $0x40, s8, s18, $0xb8;
	[tilespmem:$0x18E00] =	vst v63  }
0x41: {  	_ =	swait.ge [sflag:s26], $0x2000  }
0x42: {  	[sflag:s26] =	ssyncset.done $0x0  }
0x43: {  	s7 =	simm.s32 $0x2880;
	[sflag:s26] =	ssyncadd.s32 $0xFFFFE000  }
0x44: {  	[spmem:s3] =	stream.indirect.scatter.add.f32 [tilespmem:s20], [sflag:$0x6], $0x40, s7, s18, $0xb8;
	[tilespmem:$0x18E00] =	vst v63  }
0x45: {  	_ =	swait.ge [sflag:s29], $0x2000  }
0x46: {  	[sflag:s29] =	ssyncset.done $0x0  }
0x47: {  	s8 =	simm.s32 $0x200;
	[sflag:s29] =	ssyncadd.s32 $0xFFFFE000  }
0x48: {  	[tilespmem:s19], [sflag:$0x1] =	stream.indirect.gather [hbm4b:s1+s18], $0x40, s8, s18, $0xb8;
	[tilespmem:$0x18E00] =	vst v63  }
0x49: {  	_ =	swait.ge [sflag:s31], $0x2000  }
0x4a: {  	[sflag:s31] =	ssyncset.done $0x0  }
0x4b: {  	s7 =	simm.s32 $0x2900;
	[sflag:s31] =	ssyncadd.s32 $0xFFFFE000  }
0x4c: {  	[spmem:s3] =	stream.indirect.scatter.add.f32 [tilespmem:s22], [sflag:$0x7], $0x40, s7, s18, $0xb8;
	[tilespmem:$0x18E00] =	vst v63  }
0x4d: {  	_ =	swait.ge [sflag:s0], $0x2000  }
0x4e: {  	[sflag:s0] =	ssyncset.done $0x0  }
0x4f: {  	s8 =	simm.s32 $0x280;
	[sflag:s0] =	ssyncadd.s32 $0xFFFFE000  }
0x50: {  	[tilespmem:s20], [sflag:$0x2] =	stream.indirect.gather [hbm4b:s1+s18], $0x40, s8, s18, $0xb8;
	[tilespmem:$0x18E00] =	vst v63  }
0x51: {  	_ =	swait.ge [sflag:s24], $0x2000  }
0x52: {  	[sflag:s24] =	ssyncset.done $0x0  }
0x53: {  	s7 =	simm.s32 $0x2980;
	[sflag:s24] =	ssyncadd.s32 $0xFFFFE000  }
0x54: {  	[spmem:s3] =	stream.indirect.scatter.add.f32 [tilespmem:s25], [sflag:$0x8], $0x40, s7, s18, $0xb8;
	[tilespmem:$0x18E00] =	vst v63  }
0x55: {  	_ =	swait.ge [sflag:s30], $0x2000  }
0x56: {  	[sflag:s30] =	ssyncset.done $0x0  }
0x57: {  	s8 =	simm.s32 $0x300;
	[sflag:s30] =	ssyncadd.s32 $0xFFFFE000  }
0x58: {  	[tilespmem:s22], [sflag:$0x3] =	stream.indirect.gather [hbm4b:s1+s18], $0x40, s8, s18, $0xb8;
	[tilespmem:$0x18E00] =	vst v63  }
0x59: {  	_ =	swait.ge [sflag:s23], $0x2000  }
0x5a: {  	[sflag:s23] =	ssyncset.done $0x0  }
0x5b: {  	s7 =	simm.s32 $0x2A00;
	[sflag:s23] =	ssyncadd.s32 $0xFFFFE000  }
0x5c: {  	[spmem:s3] =	stream.indirect.scatter.add.f32 [tilespmem:s19], [sflag:$0x5], $0x40, s7, s18, $0xb8;
	[tilespmem:$0x18E00] =	vst v63  }
0x5d: {  	_ =	swait.ge [sflag:s2], $0x2000  }
0x5e: {  	[sflag:s2] =	ssyncset.done $0x0  }
0x5f: {  	s8 =	simm.s32 $0x380;
	[sflag:s2] =	ssyncadd.s32 $0xFFFFE000  }
0x60: {  	[tilespmem:s25], [sflag:$0x4] =	stream.indirect.gather [hbm4b:s1+s18], $0x40, s8, s18, $0xb8;
	[tilespmem:$0x18E00] =	vst v63  }
0x61: {  	_ =	swait.ge [sflag:s26], $0x2000  }
0x62: {  	[sflag:s26] =	ssyncset.done $0x0  }
0x63: {  	s7 =	simm.s32 $0x2A80;
	[sflag:s26] =	ssyncadd.s32 $0xFFFFE000  }
0x64: {  	[spmem:s3] =	stream.indirect.scatter.add.f32 [tilespmem:s20], [sflag:$0x6], $0x40, s7, s18, $0xb8;
	[tilespmem:$0x18E00] =	vst v63  }
0x65: {  	_ =	swait.ge [sflag:s29], $0x2000  }
0x66: {  	[sflag:s29] =	ssyncset.done $0x0  }
0x67: {  	s8 =	simm.s32 $0x400;
	[sflag:s29] =	ssyncadd.s32 $0xFFFFE000  }
0x68: {  	[tilespmem:s19], [sflag:$0x1] =	stream.indirect.gather [hbm4b:s1+s18], $0x40, s8, s18, $0xb8;
	[tilespmem:$0x18E00] =	vst v63  }
0x69: {  	_ =	swait.ge [sflag:s31], $0x2000  }
0x6a: {  	[sflag:s31] =	ssyncset.done $0x0  }
0x6b: {  	s7 =	simm.s32 $0x2B00;
	[sflag:s31] =	ssyncadd.s32 $0xFFFFE000  }
0x6c: {  	[spmem:s3] =	stream.indirect.scatter.add.f32 [tilespmem:s22], [sflag:$0x7], $0x40, s7, s18, $0xb8;
	[tilespmem:$0x18E00] =	vst v63  }
0x6d: {  	_ =	swait.ge [sflag:s0], $0x2000  }
0x6e: {  	[sflag:s0] =	ssyncset.done $0x0  }
0x6f: {  	s8 =	simm.s32 $0x480;
	[sflag:s0] =	ssyncadd.s32 $0xFFFFE000  }
0x70: {  	[tilespmem:s20], [sflag:$0x2] =	stream.indirect.gather [hbm4b:s1+s18], $0x40, s8, s18, $0xb8;
	[tilespmem:$0x18E00] =	vst v63  }
0x71: {  	_ =	swait.ge [sflag:s24], $0x2000  }
0x72: {  	[sflag:s24] =	ssyncset.done $0x0  }
0x73: {  	s5 =	simm.s32 $0x800;
	s7 =	simm.s32 $0x2B80;
	[sflag:s24] =	ssyncadd.s32 $0xFFFFE000  }
.LBB2_2:
0x74: {  	[spmem:s3] =	stream.indirect.scatter.add.f32 [tilespmem:s25], [sflag:$0x8], $0x40, s7, s18, $0xb8;
	[tilespmem:$0x18E00] =	vst v63  }
0x75: {  	s7 =	smov.u32 s5  }
0x76: {  	p0 =	sne.s32 s5, $0x8800;
	s5 =	sadd.s32 $0x800, s5;
	_ =	swait.ge [sflag:s30], $0x2000  }
0x77: {  	s7 =	sshra.s32 s7, $0x2;
	[sflag:s30] =	ssyncset.done $0x0  }
0x78: {  	s8 =	sadd.s32 $0x300, s7;
	[sflag:s30] =	ssyncadd.s32 $0xFFFFE000  }
0x79: {  	[tilespmem:s22], [sflag:$0x3] =	stream.indirect.gather [hbm4b:s1+s18], $0x40, s8, s18, $0xb8;
	[tilespmem:$0x18E00] =	vst v63  }
0x7a: {  	_ =	swait.ge [sflag:s23], $0x2000  }
0x7b: {  	[sflag:s23] =	ssyncset.done $0x0  }
0x7c: {  	s8 =	sadd.s32 $0x2A00, s7;
	[sflag:s23] =	ssyncadd.s32 $0xFFFFE000  }
0x7d: {  	[spmem:s3] =	stream.indirect.scatter.add.f32 [tilespmem:s19], [sflag:$0x5], $0x40, s8, s18, $0xb8;
	[tilespmem:$0x18E00] =	vst v63  }
0x7e: {  	_ =	swait.ge [sflag:s2], $0x2000  }
0x7f: {  	[sflag:s2] =	ssyncset.done $0x0  }
0x80: {  	s8 =	sadd.s32 $0x380, s7;
	[sflag:s2] =	ssyncadd.s32 $0xFFFFE000  }
0x81: {  	[tilespmem:s25], [sflag:$0x4] =	stream.indirect.gather [hbm4b:s1+s18], $0x40, s8, s18, $0xb8;
	[tilespmem:$0x18E00] =	vst v63  }
0x82: {  	_ =	swait.ge [sflag:s26], $0x2000  }
0x83: {  	[sflag:s26] =	ssyncset.done $0x0  }
0x84: {  	s8 =	sadd.s32 $0x2A80, s7;
	[sflag:s26] =	ssyncadd.s32 $0xFFFFE000  }
0x85: {  	[spmem:s3] =	stream.indirect.scatter.add.f32 [tilespmem:s20], [sflag:$0x6], $0x40, s8, s18, $0xb8;
	[tilespmem:$0x18E00] =	vst v63  }
0x86: {  	_ =	swait.ge [sflag:s29], $0x2000  }
0x87: {  	[sflag:s29] =	ssyncset.done $0x0  }
0x88: {  	s8 =	sadd.s32 $0x400, s7;
	[sflag:s29] =	ssyncadd.s32 $0xFFFFE000  }
0x89: {  	[tilespmem:s19], [sflag:$0x1] =	stream.indirect.gather [hbm4b:s1+s18], $0x40, s8, s18, $0xb8;
	[tilespmem:$0x18E00] =	vst v63  }
0x8a: {  	_ =	swait.ge [sflag:s31], $0x2000  }
0x8b: {  	[sflag:s31] =	ssyncset.done $0x0  }
0x8c: {  	s8 =	sadd.s32 $0x2B00, s7;
	[sflag:s31] =	ssyncadd.s32 $0xFFFFE000  }
0x8d: {  	[spmem:s3] =	stream.indirect.scatter.add.f32 [tilespmem:s22], [sflag:$0x7], $0x40, s8, s18, $0xb8;
	[tilespmem:$0x18E00] =	vst v63  }
0x8e: {  	_ =	swait.ge [sflag:s0], $0x2000  }
0x8f: {  	[sflag:s0] =	ssyncset.done $0x0  }
.Ltmp0:
0x90: {  	s8 =	sadd.s32 $0x480, s7;
	[sflag:s0] =	ssyncadd.s32 $0xFFFFE000;
	(pc) =	sbr.rel @p0 .LBB2_2-.Ltmp0, $4  }
0x91: {  	[tilespmem:s20], [sflag:$0x2] =	stream.indirect.gather [hbm4b:s1+s18], $0x40, s8, s18, $0xb8;
	[tilespmem:$0x18E00] =	vst v63  }
0x92: {  	_ =	swait.ge [sflag:s24], $0x2000  }
0x93: {  	[sflag:s24] =	ssyncset.done $0x0  }
0x94: {  	s7 =	sadd.s32 $0x2B80, s7;
	[sflag:s24] =	ssyncadd.s32 $0xFFFFE000  }
0x95: {  	[spmem:s3] =	stream.indirect.scatter.add.f32 [tilespmem:s25], [sflag:$0x8], $0x40, s7, s18, $0xb8;
	[tilespmem:$0x18E00] =	vst v63  }
0x96: {  	_ =	swait.ge [sflag:s30], $0x2000  }
0x97: {  	[sflag:s30] =	ssyncset.done $0x0  }
0x98: {  	s5 =	simm.s32 $0x2700;
	[sflag:s30] =	ssyncadd.s32 $0xFFFFE000  }
0x99: {  	[tilespmem:s22], [sflag:$0x3] =	stream.indirect.gather [hbm4b:s1+s18], $0x40, s5, s18, $0xb8;
	[tilespmem:$0x18E00] =	vst v63  }
0x9a: {  	_ =	swait.ge [sflag:s23], $0x2000  }
0x9b: {  	[sflag:s23] =	ssyncset.done $0x0  }
0x9c: {  	s8 =	simm.s32 $0x4E00;
	[sflag:s23] =	ssyncadd.s32 $0xFFFFE000  }
0x9d: {  	[spmem:s3] =	stream.indirect.scatter.add.f32 [tilespmem:s19], [sflag:$0x5], $0x40, s8, s18, $0xb8;
	[tilespmem:$0x18E00] =	vst v63  }
0x9e: {  	_ =	swait.ge [sflag:s2], $0x2000  }
0x9f: {  	[sflag:s2] =	ssyncset.done $0x0  }
0xa0: {  	s7 =	simm.s32 $0x2780;
	[sflag:s2] =	ssyncadd.s32 $0xFFFFE000  }
0xa1: {  	[tilespmem:s25], [sflag:$0x4] =	stream.indirect.gather [hbm4b:s1+s18], $0x40, s7, s18, $0xb8;
	[tilespmem:$0x18E00] =	vst v63  }
0xa2: {  	_ =	swait.ge [sflag:s26], $0x2000  }
0xa3: {  	[sflag:s26] =	ssyncset.done $0x0  }
0xa4: {  	s8 =	simm.s32 $0x4E80;
	[sflag:s26] =	ssyncadd.s32 $0xFFFFE000  }
0xa5: {  	[spmem:s3] =	stream.indirect.scatter.add.f32 [tilespmem:s20], [sflag:$0x6], $0x40, s8, s18, $0xb8;
	[tilespmem:$0x18E00] =	vst v63  }
0xa6: {  	_ =	swait.ge [sflag:s29], $0x2000  }
0xa7: {  	[sflag:s29] =	ssyncset.done $0x0  }
0xa8: {  	[sflag:s29] =	ssyncadd.s32 $0xFFFFE000  }
0xa9: {  	_ =	swait.ge [sflag:s31], $0x2000  }
0xaa: {  	[sflag:s31] =	ssyncset.done $0x0  }
0xab: {  	s7 =	simm.s32 $0x4F00;
	[sflag:s31] =	ssyncadd.s32 $0xFFFFE000  }
0xac: {  	[spmem:s3] =	stream.indirect.scatter.add.f32 [tilespmem:s22], [sflag:$0x7], $0x40, s7, s18, $0xb8;
	[tilespmem:$0x18E00] =	vst v63  }
0xad: {  	_ =	swait.ge [sflag:s0], $0x2000  }
0xae: {  	[sflag:s0] =	ssyncset.done $0x0  }
0xaf: {  	[sflag:s0] =	ssyncadd.s32 $0xFFFFE000  }
0xb0: {  	_ =	swait.ge [sflag:s24], $0x2000  }
0xb1: {  	[sflag:s24] =	ssyncset.done $0x0  }
0xb2: {  	s8 =	simm.s32 $0x4F80;
	[sflag:s24] =	ssyncadd.s32 $0xFFFFE000  }
0xb3: {  	[spmem:s3] =	stream.indirect.scatter.add.f32 [tilespmem:s25], [sflag:$0x8], $0x40, s8, s18, $0xb8;
	[tilespmem:$0x18E00] =	vst v63  }
0xb4: {  	_ =	swait.ge [sflag:s30], $0x2000  }
0xb5: {  	[sflag:s30] =	ssyncset.done $0x0  }
0xb6: {  	[sflag:s30] =	ssyncadd.s32 $0xFFFFE000  }
0xb7: {  	s7 =	stileid.u32;
	_ =	swait.ge [sflag:s2], $0x2000  }
0xb8: {  	s28 =	sadd.s32 $0x1, s28;
	s5 =	sshll.u32 s7, $0x6;
	[sflag:s2] =	ssyncset.done $0x0  }
0xb9: {  	p0 =	sne.s32 s28, s14;
	s5 =	sor.u32 $0x1C09, s5;
	[sflag:s2] =	ssyncadd.s32 $0xFFFFE000  }
.Ltmp1:
0xba: {  	s8 =	sshrl.u32 s6, $0x3;
	[bflag:$0x0] =	sbarrier.arrive $0xFFFF;
	(pc) =	sbr.rel @p0 .LBB2_1-.Ltmp1, $4  }
0xbb: {  	[hbm:s13], [sflag:s5] =	dma.local [spmem:s8], $0x13C0  }
0xbc: {  	_ =	swait.ge [sflag:s21], $0x13C0  }
0xbd: {  	[sflag:s21] =	ssyncset.done $0x0  }
0xbe: {  	[sflag:s21] =	ssyncadd.s32 $0xFFFFEC40  }
0xbf: {  	_ =	sfence.sel $0x180000  }
0xc0: {  	[bflag:$0x0] =	sbarrier.arrive $0xFFFF  }
0xc1: {  	_ =	strace $0x9000004A  }
0xc2: {  	s0 =	stileid.u32;
	[bflag:$0x2] =	sbarrier.arrive $0xFFFF  }
0xc3: {  	p0 =	sne.s32 s0, $0x0;
	s0 =	rddreg [dreg:$0x3]  }
0xc4: {  	s0 =	sadd.s32 @!p0 $0x100000, s0  }
0xc5: {  	[sflag:s0] =	ssyncadd.tile.s32 @!p0 $0x1;
	_ =	shalt  }
.Lfunc_end2:
_tile_overlayer_lowered:
.L_overlay_start_2:
0xc6: {  	(tag) =	ssettag $0x2  }
0xc7: {  	s0 =	rddreg [dreg:$0x0];
	s2 =	stileid.u32  }
0xc8: {  	s1 =	rddreg [dreg:$0x1];
	p0 =	sne.s32 s2, $0x0  }
0xc9: {  	s3 =	rddreg [dreg:$0x2];
	[bflag:$0x3] =	sbarrier.arrive $0xFFFF;
	s2 =	simm.s32 @!p0 $0x1C0A  }
0xca: {  	[timem:s3], [sflag:s2] =	dma.local @!p0 [hbm:s0], s1  }
0xcb: {  	s0 =	simm.s32 @!p0 $0xA  }
0xcc: {  	_ =	swait.ge @!p0 [sflag:s0], s1  }
0xcd: {  	s1 =	ssub.s32 @!p0 $0x0, s1;
	[sflag:s0] =	ssyncset.done @!p0 $0x0  }
0xce: {  	[sflag:s0] =	ssyncadd.s32 @!p0 s1  }
0xcf: {  	[bflag:$0x3] =	sbarrier.arrive $0xFFFF  }
0xd0: {  	_ =	shalt  }

// kernel: kernel.14.cloned.1.call-start
scs
__scs_entry_jumppad:
0x0: {  	(pc) =	sbr.rel $0x88, $3  }
0x1: {  	(tag) =	ssettag $0x0;
	lr =	simm.s32 $0x1  }
0x2: {  	[smem:$0x3F9B] =	sst lr;
	_ =	strace $0xD0000000  }
0x3: {  	_ = 	snop  }
0x4: {  	_ = 	snop  }
0x5: {  	_ = 	snop  }
0x6: {  	_ = 	snop  }
0x7: {  	_ = 	snop  }
__scs_overlays_trampoline_lowered:
0x8: {  	[smem:$0x3FAA] =	sst s0  }
0x9: {  	[smem:$0x3FAB] =	sst s1  }
0xa: {  	[smem:$0x3FAC] =	sst s2  }
0xb: {  	[smem:$0x3FAD] =	sst s3  }
0xc: {  	[smem:$0x3FAE] =	sst s4  }
0xd: {  	[smem:$0x3FAF] =	sst s5  }
0xe: {  	[smem:$0x3FB0] =	sst s6  }
0xf: {  	[smem:$0x3FB1] =	sst s7  }
0x10: {  	[smem:$0x3FB2] =	sst s8  }
0x11: {  	[smem:$0x3FB3] =	sst s9;
	s0 =	simm.s32 @!p0 $0x0  }
0x12: {  	s1 =	sld [smem:$0x3F99];
	s0 =	simm.s32 @p0 $0x1  }
0x13: {  	[smem:$0x3FB4] =	sst s0;
	s0 =	simm.s32 @!p1 $0x0  }
0x14: {  	s2 =	sld [smem:$0x3F98];
	s0 =	simm.s32 @p1 $0x1  }
0x15: {  	[smem:$0x3FB5] =	sst s0;
	s0 =	simm.s32 @!p2 $0x0  }
0x16: {  	s3 =	sld [smem:$0x3FDB];
	s0 =	simm.s32 @p2 $0x1  }
0x17: {  	s4 =	simm.s32 $0x1BF5;
	[smem:$0x3FB7] =	sst s0  }
0x18: {  	s0 =	sld [smem:$0x3F9A];
	_ =	swait.ge [sflag:s4], $0x0  }
0x19: {  	s7 =	sld [smem:$0x3F9B]  }
0x1a: {  	s8 =	sadd.s32 $0xFFFFE003, lr  }
0x1b: {  	s9 =	sadd.s32 $0xFFFFFEF7, lr;
	s5 =	simm.s32 $0xFFFFFFFF;
	p2 =	slt.u32 s8, $0xFFFFF086  }
0x1c: {  	p1 =	slt.u32 s9, $0xF7A;
	s5 =	simm.s32 @!p2 $0x0  }
0x1d: {  	s5 =	simm.s32 @p1 $0x1;
	p0 =	seq.s32 s7, s2  }
0x1e: {  	s7 =	smul.u32 @!p0 $0xF7A, s2;
	p2 =	seq.s32 @!p0 s5, $0x0  }
0x1f: {  	s9 =	smul.u32 $0xF7A, s1;
	s8 =	simm.s32 @!p0 $0x1BF5;
	p2 =	por !p2, p0  }
0x20: {  	[sflag:s8] =	ssyncset.s32 @!p0 $0xFFFFF086;
	s6 =	sadd.s32 @!p0 s3, s7;
	s7 =	simm.s32 @!p0 $0x108  }
0x21: {  	s3 =	sadd.s32 s3, s9;
	s6 =	sadd.s32 @!p0 $0x88, s6;
	s7 =	simm.s32 @p2 $0x1082  }
0x22: {  	[simem:s7], [sflag:s8] =	dma.local @!p0 [hbm:s6], $0xF7A  }
0x23: {  	s9 =	sor.u32 $0xD0000000, s2;
	s6 =	simm.s32 $0x108;
	_ =	swait.ge @!p0 [sflag:s8], $0x0  }
0x24: {  	s3 =	sadd.s32 $0x88, s3;
	s6 =	simm.s32 @!p1 $0x1082;
	[sflag:s4] =	ssyncset.s32 $0xFFFFF086  }
0x25: {  	[simem:s6], [sflag:s4] =	dma.local [hbm:s3], $0xF7A  }
0x26: {  	[smem:$0x3F9B] =	sst s1;
	(tag) =	ssettag s2;
	_ =	strace s9  }
0x27: {  	s1 =	sld [smem:$0x3FAB]  }
0x28: {  	s2 =	sld [smem:$0x3FAC]  }
0x29: {  	s4 =	sld [smem:$0x3FAE]  }
0x2a: {  	p0 =	seq.s32 s5, $0x0;
	s5 =	sld [smem:$0x3FAF]  }
0x2b: {  	s6 =	sld [smem:$0x3FB0]  }
0x2c: {  	s7 =	sld [smem:$0x3FB1]  }
0x2d: {  	s3 =	simm.s32 $0x108;
	s8 =	sld [smem:$0x3FB2]  }
0x2e: {  	s3 =	simm.s32 @!p0 $0x1082;
	s9 =	sld [smem:$0x3FB3]  }
0x2f: {  	lr =	sadd.s32 s0, s3;
	s0 =	sld [smem:$0x3FAA]  }
0x30: {  	s3 =	sld [smem:$0x3FAD]  }
0x31: {  	[smem:$0x3FB6] =	sst s10  }
0x32: {  	s10 =	sld [smem:$0x3FB4];
	_ =	sdelay $0x3  }
0x33: {  	p0 =	seq.s32 s10, $0x1;
	s10 =	sld [smem:$0x3FB6];
	_ =	sdelay $0x3  }
0x34: {  	[smem:$0x3FB6] =	sst s10  }
0x35: {  	s10 =	sld [smem:$0x3FB5];
	_ =	sdelay $0x3  }
0x36: {  	p1 =	seq.s32 s10, $0x1;
	s10 =	sld [smem:$0x3FB6];
	_ =	sdelay $0x3  }
0x37: {  	[smem:$0x3FB6] =	sst s10  }
0x38: {  	s10 =	sld [smem:$0x3FB7]  }
0x39: {  	_ = 	snop;
	(pc) =	sbr.ind lr, $3  }
0x3a: {  	_ = 	snop  }
0x3b: {  	_ = 	snop  }
0x3c: {  	p2 =	seq.s32 s10, $0x1;
	s10 =	sld [smem:$0x3FB6]  }
0x3d: {  	_ =	shalt  }
0x3e: {  	_ =	shalt  }
0x3f: {  	_ =	shalt  }
0x40: {  	_ =	shalt  }
0x41: {  	_ =	shalt  }
0x42: {  	_ =	shalt  }
0x43: {  	_ =	shalt  }
0x44: {  	_ =	shalt  }
0x45: {  	_ =	shalt  }
0x46: {  	_ =	shalt  }
0x47: {  	_ =	shalt  }
0x48: {  	_ =	shalt  }
0x49: {  	_ =	shalt  }
0x4a: {  	_ =	shalt  }
0x4b: {  	_ =	shalt  }
0x4c: {  	_ =	shalt  }
0x4d: {  	_ =	shalt  }
0x4e: {  	_ =	shalt  }
0x4f: {  	_ =	shalt  }
0x50: {  	_ =	shalt  }
0x51: {  	_ =	shalt  }
0x52: {  	_ =	shalt  }
0x53: {  	_ =	shalt  }
0x54: {  	_ =	shalt  }
0x55: {  	_ =	shalt  }
0x56: {  	_ =	shalt  }
0x57: {  	_ =	shalt  }
0x58: {  	_ =	shalt  }
0x59: {  	_ =	shalt  }
0x5a: {  	_ =	shalt  }
0x5b: {  	_ =	shalt  }
0x5c: {  	_ =	shalt  }
0x5d: {  	_ =	shalt  }
0x5e: {  	_ =	shalt  }
0x5f: {  	_ =	shalt  }
0x60: {  	_ =	shalt  }
0x61: {  	_ =	shalt  }
0x62: {  	_ =	shalt  }
0x63: {  	_ =	shalt  }
0x64: {  	_ =	shalt  }
0x65: {  	_ =	shalt  }
0x66: {  	_ =	shalt  }
0x67: {  	_ =	shalt  }
0x68: {  	_ =	shalt  }
0x69: {  	_ =	shalt  }
0x6a: {  	_ =	shalt  }
0x6b: {  	_ =	shalt  }
0x6c: {  	_ =	shalt  }
0x6d: {  	_ =	shalt  }
0x6e: {  	_ =	shalt  }
0x6f: {  	_ =	shalt  }
0x70: {  	_ =	shalt  }
0x71: {  	_ =	shalt  }
0x72: {  	_ =	shalt  }
0x73: {  	_ =	shalt  }
0x74: {  	_ =	shalt  }
0x75: {  	_ =	shalt  }
0x76: {  	_ =	shalt  }
0x77: {  	_ =	shalt  }
0x78: {  	_ =	shalt  }
0x79: {  	_ =	shalt  }
0x7a: {  	_ =	shalt  }
0x7b: {  	_ =	shalt  }
0x7c: {  	_ =	shalt  }
0x7d: {  	_ =	shalt  }
0x7e: {  	_ =	shalt  }
0x7f: {  	_ =	shalt  }
0x80: {  	_ =	shalt  }
0x81: {  	_ =	shalt  }
0x82: {  	_ =	shalt  }
0x83: {  	_ =	shalt  }
0x84: {  	_ =	shalt  }
0x85: {  	_ =	shalt  }
0x86: {  	_ =	shalt  }
0x87: {  	_ =	shalt  }
.Lfunc_end0:
.L_simem_size_0:
called_computation.2_lowered:
.L_overlay_start_0:
0x88: {  	s2 =	sld [smem:$0x3FD9]  }
0x89: {  	s3 =	sld [smem:$0x3FFE];
	_ =	sdelay $0x1  }
0x8a: {  	s1 =	srdreg.scid  }
0x8b: {  	s0 =	sand.u32 $0x1, s1  }
0x8c: {  	s16 =	sshll.u32 s0, $0xA;
	s2 =	sadd.s32 s3, s2  }
0x8d: {  	s2 =	sadd.s32 s2, s16  }
0x8e: {  	[smem:$0x3FC2] =	sst s2  }
0x8f: {  	_ = 	snop  }
0x90: {  	(tm) =	ssettm $0x1  }
0x91: {  	s17 =	sld [smem:$0x3FFB];
	_ =	sdelay $0x3  }
0x92: {  	_ =	strace s17  }
0x93: {  	s2 =	sld [smem:$0x3FFC];
	_ =	sdelay $0x3  }
0x94: {  	_ =	strace s2  }
0x95: {  	s2 =	sld [smem:$0x3FFD];
	_ =	sdelay $0x3  }
0x96: {  	_ =	strace s2  }
0x97: {  	_ =	strace $0x8FFFFFFF  }
0x98: {  	s18 =	sld [smem:$0x3FDB];
	_ =	sdelay $0x1  }
0x99: {  	s19 =	simm.s32 $_scs_section_size  }
0x9a: {  	s4 =	simm.s32 $_size__tile_overlayer_lowered;
	s5 =	simm.s32 $_tile_overlayer_lowered  }
0x9b: {  	s22 =	simm.s32 $0x1BFF;
	s21 =	sshll.u32 s5, $0x1;
	s2 =	sadd.s32 s19, s18  }
0x9c: {  	s6 =	simm.s32 $0x0;
	s20 =	sshll.u32 s4, $0x1;
	s4 =	sadd.s32 s21, s2  }
0x9d: {  	[timem:s6], [sflag:s22] =	dma.local [hbm:s4], s20  }
0x9e: {  	_ =	swait.ge [sflag:s22], s20  }
0x9f: {  	s3 =	ssub.s32 $0x0, s20;
	[sflag:s22] =	ssyncset.done $0x0  }
0xa0: {  	[sflag:s22] =	ssyncadd.s32 s3;
	_ =	sdelay $0x1  }
0xa1: {  	s23 =	simm.s32 $0x1B8B  }
0xa2: {  	_ =	swait.ge [sflag:s23], $0x1  }
0xa3: {  	[sflag:s23] =	ssyncset.done $0x0  }
0xa4: {  	s25 =	simm.s32 $0x1B8E;
	s24 =	sld [smem:$0x3FFE];
	[sflag:s23] =	ssyncadd.s32 $0xFFFFFFFF  }
0xa5: {  	s26 =	simm.s32 $execute0_lowered;
	[smem:$0x3FD2] =	sst s25  }
0xa6: {  	s4 =	sshll.u32 s26, $0x1;
	_ =	strace $0x8000004C;
	[dreg:$0x1] =	wrdreg $0xFFFFFFFF  }
0xa7: {  	s28 =	simm.s32 $_size_execute0_lowered;
	s2 =	sadd.s32 s2, s4;
	[dreg:$0x0] =	wrdreg $0x0  }
0xa8: {  	s4 =	sshll.u32 s28, $0x1;
	[dreg:$0x2] =	wrdreg s2  }
0xa9: {  	[dreg:$0x3] =	wrdreg s4  }
0xaa: {  	[dreg:$0x4] =	wrdreg $0xC0  }
0xab: {  	_ =	task [dreg:s6], $0x5FFFF  }
0xac: {  	[dreg:$0x1] =	wrdreg $0xFFFFFFFF  }
0xad: {  	[dreg:$0x0] =	wrdreg $0x60  }
0xae: {  	[dreg:$0x2] =	wrdreg s24  }
0xaf: {  	[dreg:$0x3] =	wrdreg $0x140000  }
0xb0: {  	[dreg:$0x4] =	wrdreg $0x9  }
0xb1: {  	_ =	task.clear_ibuf [dreg:s6], $0x5FFFF;
	_ =	strace $0x9000004C  }
0xb2: {  	s29 =	simm.s32 $0x9;
	_ =	strace $0x8000004E  }
0xb3: {  	_ =	swait.ge [sflag:s29], $0x1  }
0xb4: {  	[sflag:s29] =	ssyncadd.s32 $0xFFFFFFFF  }
0xb5: {  	_ =	strace $0x9000004E  }
0xb6: {  	_ =	sfence  }
0xb7: {  	s30 =	sld [smem:$0x0];
	_ =	sdelay $0x2  }
0xb8: {  	s31 =	sshll.u32 s1, $0xD;
	s1 =	sshrl.u32 s1, $0x2  }
0xb9: {  	s3 =	sand.u32 $0x4000, s31;
	s1 =	sadd.s32 s1, s30  }
0xba: {  	s0 =	sor.u32 s3, s0;
	s1 =	sshll.u32 s1, $0x11  }
0xbb: {  	s0 =	sor.u32 s1, s0  }
0xbc: {  	s0 =	sadd.s32 $0x8F2B, s0  }
0xbd: {  	[sflag:s0] =	ssyncadd.remote.s32 $0x1  }
0xbe: {  	_ =	sfence.sel $0xFFFF  }
0xbf: {  	[dreg:$0x0] =	wrdreg $0xFFFFFFFF;
	(pc) =	sbr.abs _section_cstart, $3  }
0xc0: {  	[dreg:$0x1] =	wrdreg $0xFFFFFFFF  }
0xc1: {  	_ =	task.clear_ibuf [dreg:s6], $0x2FFFF;
	_ =	strace $0x9FFFFFFF  }
0xc2: {  	(tm) =	ssettm $0x7FFFFFFF  }
0xc3: {  	_ =	shalt  }
tec
execute0_lowered:
.L_overlay_start_1:
0x0: {  	(tag) =	ssettag $0x1  }
0x1: {  	s0 =	rddreg [dreg:$0x0];
	s1 =	srdreg.scid  }
0x2: {  	s2 =	rddreg [dreg:$0x1];
	s8 =	stileid.u32  }
0x3: {  	s3 =	simm.s32 $0x0;
	s15 =	simm.s32 $0x12000;
	s16 =	simm.s32 $0xA  }
0x4: {  	s17 =	simm.s32 $0x5000;
	s18 =	simm.s32 $0x80;
	s19 =	simm.s32 $0xA000  }
0x5: {  	s20 =	simm.s32 $0xC000;
	s29 =	simm.s32 $0x5;
	s31 =	simm.s32 $0x3  }
0x6: {  	s30 =	simm.s32 $0x7;
	s21 =	simm.s32 $0x9;
	s5 =	smul.u32 $0xA00, s8  }
0x7: {  	s28 =	simm.s32 $0x0;
	s1 =	sand.u32 $0x1, s1;
	s7 =	smul.u32 $0x9E00, s8  }
0x8: {  	[smem:$0x7FF] =	sst s3;
	s8 =	smul.u32 $0x27800, s8;
	s22 =	sadd.s32 $0x66600, s0  }
0x9: {  	s4 =	smul.u32 $0x9E000, s1;
	_ =	strace $0x8000004D;
	[dreg:$0x3] =	wrdreg s22  }
0xa: {  	s1 =	ssub.s32 $0x2, s1;
	s22 =	simm.s32 $0xE000;
	s11 =	sadd.s32 s5, s0  }
0xb: {  	s23 =	sshrl.u32 s8, $0x2;
	s24 =	sshrl.u32 s1, $0x1;
	s5 =	sadd.s32 s7, s2  }
0xc: {  	s6 =	sshrl.u32 s4, $0x3;
	s4 =	sadd.s32 s7, s4;
	s9 =	sadd.s32 s23, s2  }
0xd: {  	s1 =	ssub.s32 s1, s24;
	s10 =	sadd.s32 $0x3600, s11;
	s11 =	sadd.s32 $0xD600, s11  }
0xe: {  	s23 =	simm.s32 $0x1;
	s24 =	simm.s32 $0x4;
	s6 =	sadd.s32 s6, s0  }
0xf: {  	s4 =	sshrl.u32 s4, $0x3;
	s25 =	sadd.s32 $0x2000, s9;
	s26 =	sadd.s32 $0x4000, s9  }
0x10: {  	s8 =	sadd.s32 $0x6000, s9;
	s9 =	sadd.s32 $0x8000, s9;
	s14 =	smax.u32 s1, $0x1  }
0x11: {  	s1 =	simm.s32 $0x6;
	s0 =	sadd.s32 s4, s0;
	[dreg:$0x4] =	wrdreg s25  }
0x12: {  	[dreg:$0x5] =	wrdreg s26;
	s12 =	sadd.s32 $0x3EE00, s6;
	s25 =	simm.s32 $0x10000  }
0x13: {  	s26 =	simm.s32 $0x2;
	s13 =	sadd.s32 $0xB5A00, s0;
	s0 =	simm.s32 $0x8  }
.LBB2_1:
0x14: {  	s4 =	rddreg [dreg:$0x3]  }
0x15: {  	[tilespmem:s15], [sflag:$0xA] =	stream.linear.gather [hbm4b:s4+s3], $0x2000, $0x38;
	[tilespmem:$0x1DE00] =	vst v63  }
0x16: {  	_ =	swait.ge [sflag:s16], $0x2000  }
0x17: {  	[sflag:s16] =	ssyncset.done $0x0  }
0x18: {  	[sflag:s16] =	ssyncadd.s32 $0xFFFFE000  }
0x19: {  	[spmem:s5] =	stream.linear.scatter [tilespmem:s15], [sflag:$0xA], $0x2000, $0x38;
	[tilespmem:$0x1DE00] =	vst v63  }
0x1a: {  	_ =	swait.ge [sflag:s16], $0x2000  }
0x1b: {  	[sflag:s16] =	ssyncset.done $0x0  }
0x1c: {  	s6 =	rddreg [dreg:$0x4];
	[sflag:s16] =	ssyncadd.s32 $0xFFFFE000  }
0x1d: {  	[spmem:s6] =	stream.linear.scatter [tilespmem:s15], [sflag:$0xA], $0x2000, $0x38;
	[tilespmem:$0x1DE00] =	vst v63  }
0x1e: {  	_ =	swait.ge [sflag:s16], $0x2000  }
0x1f: {  	[sflag:s16] =	ssyncset.done $0x0  }
0x20: {  	s7 =	rddreg [dreg:$0x5];
	[sflag:s16] =	ssyncadd.s32 $0xFFFFE000  }
0x21: {  	[spmem:s7] =	stream.linear.scatter [tilespmem:s15], [sflag:$0xA], $0x2000, $0x38;
	[tilespmem:$0x1DE00] =	vst v63  }
0x22: {  	_ =	swait.ge [sflag:s16], $0x2000  }
0x23: {  	[sflag:s16] =	ssyncset.done $0x0  }
0x24: {  	[sflag:s16] =	ssyncadd.s32 $0xFFFFE000  }
0x25: {  	[spmem:s8] =	stream.linear.scatter [tilespmem:s15], [sflag:$0xA], $0x2000, $0x38;
	[tilespmem:$0x1DE00] =	vst v63  }
0x26: {  	_ =	swait.ge [sflag:s16], $0x2000  }
0x27: {  	[sflag:s16] =	ssyncset.done $0x0  }
0x28: {  	[sflag:s16] =	ssyncadd.s32 $0xFFFFE000  }
0x29: {  	[spmem:s9] =	stream.linear.scatter [tilespmem:s15], [sflag:$0xA], $0x1E00, $0x38;
	[tilespmem:$0x1DE00] =	vst v63  }
0x2a: {  	_ =	swait.ge [sflag:s16], $0x1E00  }
0x2b: {  	[sflag:s16] =	ssyncset.done $0x0  }
0x2c: {  	[sflag:s16] =	ssyncadd.s32 $0xFFFFE200  }
0x2d: {  	[tilespmem:s3], [sflag:$0xA] =	stream.linear.gather [hbm4b:s10+s3], $0x5000, $0x38;
	[tilespmem:$0x1DE00] =	vst v63  }
0x2e: {  	_ =	swait.ge [sflag:s16], $0x5000  }
0x2f: {  	[sflag:s16] =	ssyncset.done $0x0  }
0x30: {  	[sflag:s16] =	ssyncadd.s32 $0xFFFFB000  }
0x31: {  	[tilespmem:s17], [sflag:$0xA] =	stream.linear.gather [hbm4b:s11+s3], $0x5000, $0x38;
	[tilespmem:$0x1DE00] =	vst v63  }
0x32: {  	_ =	swait.ge [sflag:s16], $0x5000  }
0x33: {  	[sflag:s16] =	ssyncset.done $0x0  }
0x34: {  	[sflag:s16] =	ssyncadd.s32 $0xFFFFB000  }
0x35: {  	[bflag:$0x0] =	sbarrier.arrive $0xFFFF  }
0x36: {  	[tilespmem:s19], [sflag:$0x1] =	stream.indirect.gather [hbm4b:s12+s18], $0x40, s3, s18, $0xb8;
	[tilespmem:$0x1DE00] =	vst v63  }
0x37: {  	_ = 	snop  }
0x38: {  	[tilespmem:s20], [sflag:$0x2] =	stream.indirect.gather [hbm4b:s12+s18], $0x40, s18, s18, $0xb8;
	[tilespmem:$0x1DE00] =	vst v63  }
0x39: {  	s6 =	simm.s32 $0x100  }
0x3a: {  	[tilespmem:s22], [sflag:$0x3] =	stream.indirect.gather [hbm4b:s12+s18], $0x40, s6, s18, $0xb8;
	[tilespmem:$0x1DE00] =	vst v63  }
0x3b: {  	_ =	swait.ge [sflag:s23], $0x2000  }
0x3c: {  	[sflag:s23] =	ssyncset.done $0x0  }
0x3d: {  	[sflag:s23] =	ssyncadd.s32 $0xFFFFE000  }
0x3e: {  	[spmem:s2] =	stream.indirect.scatter.add.f32 [tilespmem:s19], [sflag:$0x5], $0x40, s17, s18, $0xb8;
	[tilespmem:$0x1DE00] =	vst v63  }
0x3f: {  	s7 =	simm.s32 $0x180  }
0x40: {  	[tilespmem:s25], [sflag:$0x4] =	stream.indirect.gather [hbm4b:s12+s18], $0x40, s7, s18, $0xb8;
	[tilespmem:$0x1DE00] =	vst v63  }
0x41: {  	_ =	swait.ge [sflag:s26], $0x2000  }
0x42: {  	[sflag:s26] =	ssyncset.done $0x0  }
0x43: {  	s6 =	simm.s32 $0x5080;
	[sflag:s26] =	ssyncadd.s32 $0xFFFFE000  }
0x44: {  	[spmem:s2] =	stream.indirect.scatter.add.f32 [tilespmem:s20], [sflag:$0x6], $0x40, s6, s18, $0xb8;
	[tilespmem:$0x1DE00] =	vst v63  }
0x45: {  	_ =	swait.ge [sflag:s29], $0x2000  }
0x46: {  	[sflag:s29] =	ssyncset.done $0x0  }
0x47: {  	s7 =	simm.s32 $0x200;
	[sflag:s29] =	ssyncadd.s32 $0xFFFFE000  }
0x48: {  	[tilespmem:s19], [sflag:$0x1] =	stream.indirect.gather [hbm4b:s12+s18], $0x40, s7, s18, $0xb8;
	[tilespmem:$0x1DE00] =	vst v63  }
0x49: {  	_ =	swait.ge [sflag:s31], $0x2000  }
0x4a: {  	[sflag:s31] =	ssyncset.done $0x0  }
0x4b: {  	s6 =	simm.s32 $0x5100;
	[sflag:s31] =	ssyncadd.s32 $0xFFFFE000  }
0x4c: {  	[spmem:s2] =	stream.indirect.scatter.add.f32 [tilespmem:s22], [sflag:$0x7], $0x40, s6, s18, $0xb8;
	[tilespmem:$0x1DE00] =	vst v63  }
0x4d: {  	_ =	swait.ge [sflag:s1], $0x2000  }
0x4e: {  	[sflag:s1] =	ssyncset.done $0x0  }
0x4f: {  	s7 =	simm.s32 $0x280;
	[sflag:s1] =	ssyncadd.s32 $0xFFFFE000  }
0x50: {  	[tilespmem:s20], [sflag:$0x2] =	stream.indirect.gather [hbm4b:s12+s18], $0x40, s7, s18, $0xb8;
	[tilespmem:$0x1DE00] =	vst v63  }
0x51: {  	_ =	swait.ge [sflag:s24], $0x2000  }
0x52: {  	[sflag:s24] =	ssyncset.done $0x0  }
0x53: {  	s6 =	simm.s32 $0x5180;
	[sflag:s24] =	ssyncadd.s32 $0xFFFFE000  }
0x54: {  	[spmem:s2] =	stream.indirect.scatter.add.f32 [tilespmem:s25], [sflag:$0x8], $0x40, s6, s18, $0xb8;
	[tilespmem:$0x1DE00] =	vst v63  }
0x55: {  	_ =	swait.ge [sflag:s30], $0x2000  }
0x56: {  	[sflag:s30] =	ssyncset.done $0x0  }
0x57: {  	s7 =	simm.s32 $0x300;
	[sflag:s30] =	ssyncadd.s32 $0xFFFFE000  }
0x58: {  	[tilespmem:s22], [sflag:$0x3] =	stream.indirect.gather [hbm4b:s12+s18], $0x40, s7, s18, $0xb8;
	[tilespmem:$0x1DE00] =	vst v63  }
0x59: {  	_ =	swait.ge [sflag:s23], $0x2000  }
0x5a: {  	[sflag:s23] =	ssyncset.done $0x0  }
0x5b: {  	s6 =	simm.s32 $0x5200;
	[sflag:s23] =	ssyncadd.s32 $0xFFFFE000  }
0x5c: {  	[spmem:s2] =	stream.indirect.scatter.add.f32 [tilespmem:s19], [sflag:$0x5], $0x40, s6, s18, $0xb8;
	[tilespmem:$0x1DE00] =	vst v63  }
0x5d: {  	_ =	swait.ge [sflag:s0], $0x2000  }
0x5e: {  	[sflag:s0] =	ssyncset.done $0x0  }
0x5f: {  	s7 =	simm.s32 $0x380;
	[sflag:s0] =	ssyncadd.s32 $0xFFFFE000  }
0x60: {  	[tilespmem:s25], [sflag:$0x4] =	stream.indirect.gather [hbm4b:s12+s18], $0x40, s7, s18, $0xb8;
	[tilespmem:$0x1DE00] =	vst v63  }
0x61: {  	_ =	swait.ge [sflag:s26], $0x2000  }
0x62: {  	[sflag:s26] =	ssyncset.done $0x0  }
0x63: {  	s6 =	simm.s32 $0x5280;
	[sflag:s26] =	ssyncadd.s32 $0xFFFFE000  }
0x64: {  	[spmem:s2] =	stream.indirect.scatter.add.f32 [tilespmem:s20], [sflag:$0x6], $0x40, s6, s18, $0xb8;
	[tilespmem:$0x1DE00] =	vst v63  }
0x65: {  	_ =	swait.ge [sflag:s29], $0x2000  }
0x66: {  	[sflag:s29] =	ssyncset.done $0x0  }
0x67: {  	s7 =	simm.s32 $0x400;
	[sflag:s29] =	ssyncadd.s32 $0xFFFFE000  }
0x68: {  	[tilespmem:s19], [sflag:$0x1] =	stream.indirect.gather [hbm4b:s12+s18], $0x40, s7, s18, $0xb8;
	[tilespmem:$0x1DE00] =	vst v63  }
0x69: {  	_ =	swait.ge [sflag:s31], $0x2000  }
0x6a: {  	[sflag:s31] =	ssyncset.done $0x0  }
0x6b: {  	s6 =	simm.s32 $0x5300;
	[sflag:s31] =	ssyncadd.s32 $0xFFFFE000  }
0x6c: {  	[spmem:s2] =	stream.indirect.scatter.add.f32 [tilespmem:s22], [sflag:$0x7], $0x40, s6, s18, $0xb8;
	[tilespmem:$0x1DE00] =	vst v63  }
0x6d: {  	_ =	swait.ge [sflag:s1], $0x2000  }
0x6e: {  	[sflag:s1] =	ssyncset.done $0x0  }
0x6f: {  	s7 =	simm.s32 $0x480;
	[sflag:s1] =	ssyncadd.s32 $0xFFFFE000  }
0x70: {  	[tilespmem:s20], [sflag:$0x2] =	stream.indirect.gather [hbm4b:s12+s18], $0x40, s7, s18, $0xb8;
	[tilespmem:$0x1DE00] =	vst v63  }
0x71: {  	_ =	swait.ge [sflag:s24], $0x2000  }
0x72: {  	[sflag:s24] =	ssyncset.done $0x0  }
0x73: {  	s4 =	simm.s32 $0x800;
	s6 =	simm.s32 $0x5380;
	[sflag:s24] =	ssyncadd.s32 $0xFFFFE000  }
.LBB2_2:
0x74: {  	[spmem:s2] =	stream.indirect.scatter.add.f32 [tilespmem:s25], [sflag:$0x8], $0x40, s6, s18, $0xb8;
	[tilespmem:$0x1DE00] =	vst v63  }
0x75: {  	s6 =	smov.u32 s4  }
0x76: {  	p0 =	sne.s32 s4, $0x12800;
	s4 =	sadd.s32 $0x800, s4;
	_ =	swait.ge [sflag:s30], $0x2000  }
0x77: {  	s6 =	sshra.s32 s6, $0x2;
	[sflag:s30] =	ssyncset.done $0x0  }
0x78: {  	s7 =	sadd.s32 $0x300, s6;
	[sflag:s30] =	ssyncadd.s32 $0xFFFFE000  }
0x79: {  	[tilespmem:s22], [sflag:$0x3] =	stream.indirect.gather [hbm4b:s12+s18], $0x40, s7, s18, $0xb8;
	[tilespmem:$0x1DE00] =	vst v63  }
0x7a: {  	_ =	swait.ge [sflag:s23], $0x2000  }
0x7b: {  	[sflag:s23] =	ssyncset.done $0x0  }
0x7c: {  	s7 =	sadd.s32 $0x5200, s6;
	[sflag:s23] =	ssyncadd.s32 $0xFFFFE000  }
0x7d: {  	[spmem:s2] =	stream.indirect.scatter.add.f32 [tilespmem:s19], [sflag:$0x5], $0x40, s7, s18, $0xb8;
	[tilespmem:$0x1DE00] =	vst v63  }
0x7e: {  	_ =	swait.ge [sflag:s0], $0x2000  }
0x7f: {  	[sflag:s0] =	ssyncset.done $0x0  }
0x80: {  	s7 =	sadd.s32 $0x380, s6;
	[sflag:s0] =	ssyncadd.s32 $0xFFFFE000  }
0x81: {  	[tilespmem:s25], [sflag:$0x4] =	stream.indirect.gather [hbm4b:s12+s18], $0x40, s7, s18, $0xb8;
	[tilespmem:$0x1DE00] =	vst v63  }
0x82: {  	_ =	swait.ge [sflag:s26], $0x2000  }
0x83: {  	[sflag:s26] =	ssyncset.done $0x0  }
0x84: {  	s7 =	sadd.s32 $0x5280, s6;
	[sflag:s26] =	ssyncadd.s32 $0xFFFFE000  }
0x85: {  	[spmem:s2] =	stream.indirect.scatter.add.f32 [tilespmem:s20], [sflag:$0x6], $0x40, s7, s18, $0xb8;
	[tilespmem:$0x1DE00] =	vst v63  }
0x86: {  	_ =	swait.ge [sflag:s29], $0x2000  }
0x87: {  	[sflag:s29] =	ssyncset.done $0x0  }
0x88: {  	s7 =	sadd.s32 $0x400, s6;
	[sflag:s29] =	ssyncadd.s32 $0xFFFFE000  }
0x89: {  	[tilespmem:s19], [sflag:$0x1] =	stream.indirect.gather [hbm4b:s12+s18], $0x40, s7, s18, $0xb8;
	[tilespmem:$0x1DE00] =	vst v63  }
0x8a: {  	_ =	swait.ge [sflag:s31], $0x2000  }
0x8b: {  	[sflag:s31] =	ssyncset.done $0x0  }
0x8c: {  	s7 =	sadd.s32 $0x5300, s6;
	[sflag:s31] =	ssyncadd.s32 $0xFFFFE000  }
0x8d: {  	[spmem:s2] =	stream.indirect.scatter.add.f32 [tilespmem:s22], [sflag:$0x7], $0x40, s7, s18, $0xb8;
	[tilespmem:$0x1DE00] =	vst v63  }
0x8e: {  	_ =	swait.ge [sflag:s1], $0x2000  }
0x8f: {  	[sflag:s1] =	ssyncset.done $0x0  }
.Ltmp0:
0x90: {  	s7 =	sadd.s32 $0x480, s6;
	[sflag:s1] =	ssyncadd.s32 $0xFFFFE000;
	(pc) =	sbr.rel @p0 .LBB2_2-.Ltmp0, $4  }
0x91: {  	[tilespmem:s20], [sflag:$0x2] =	stream.indirect.gather [hbm4b:s12+s18], $0x40, s7, s18, $0xb8;
	[tilespmem:$0x1DE00] =	vst v63  }
0x92: {  	_ =	swait.ge [sflag:s24], $0x2000  }
0x93: {  	[sflag:s24] =	ssyncset.done $0x0  }
0x94: {  	s6 =	sadd.s32 $0x5380, s6;
	[sflag:s24] =	ssyncadd.s32 $0xFFFFE000  }
0x95: {  	[spmem:s2] =	stream.indirect.scatter.add.f32 [tilespmem:s25], [sflag:$0x8], $0x40, s6, s18, $0xb8;
	[tilespmem:$0x1DE00] =	vst v63  }
0x96: {  	_ =	swait.ge [sflag:s30], $0x2000  }
0x97: {  	[sflag:s30] =	ssyncset.done $0x0  }
0x98: {  	s4 =	simm.s32 $0x4F00;
	[sflag:s30] =	ssyncadd.s32 $0xFFFFE000  }
0x99: {  	[tilespmem:s22], [sflag:$0x3] =	stream.indirect.gather [hbm4b:s12+s18], $0x40, s4, s18, $0xb8;
	[tilespmem:$0x1DE00] =	vst v63  }
0x9a: {  	_ =	swait.ge [sflag:s23], $0x2000  }
0x9b: {  	[sflag:s23] =	ssyncset.done $0x0  }
0x9c: {  	s7 =	simm.s32 $0x9E00;
	[sflag:s23] =	ssyncadd.s32 $0xFFFFE000  }
0x9d: {  	[spmem:s2] =	stream.indirect.scatter.add.f32 [tilespmem:s19], [sflag:$0x5], $0x40, s7, s18, $0xb8;
	[tilespmem:$0x1DE00] =	vst v63  }
0x9e: {  	_ =	swait.ge [sflag:s0], $0x2000  }
0x9f: {  	[sflag:s0] =	ssyncset.done $0x0  }
0xa0: {  	s6 =	simm.s32 $0x4F80;
	[sflag:s0] =	ssyncadd.s32 $0xFFFFE000  }
0xa1: {  	[tilespmem:s25], [sflag:$0x4] =	stream.indirect.gather [hbm4b:s12+s18], $0x40, s6, s18, $0xb8;
	[tilespmem:$0x1DE00] =	vst v63  }
0xa2: {  	_ =	swait.ge [sflag:s26], $0x2000  }
0xa3: {  	[sflag:s26] =	ssyncset.done $0x0  }
0xa4: {  	s7 =	simm.s32 $0x9E80;
	[sflag:s26] =	ssyncadd.s32 $0xFFFFE000  }
0xa5: {  	[spmem:s2] =	stream.indirect.scatter.add.f32 [tilespmem:s20], [sflag:$0x6], $0x40, s7, s18, $0xb8;
	[tilespmem:$0x1DE00] =	vst v63  }
0xa6: {  	_ =	swait.ge [sflag:s29], $0x2000  }
0xa7: {  	[sflag:s29] =	ssyncset.done $0x0  }
0xa8: {  	[sflag:s29] =	ssyncadd.s32 $0xFFFFE000  }
0xa9: {  	_ =	swait.ge [sflag:s31], $0x2000  }
0xaa: {  	[sflag:s31] =	ssyncset.done $0x0  }
0xab: {  	s6 =	simm.s32 $0x9F00;
	[sflag:s31] =	ssyncadd.s32 $0xFFFFE000  }
0xac: {  	[spmem:s2] =	stream.indirect.scatter.add.f32 [tilespmem:s22], [sflag:$0x7], $0x40, s6, s18, $0xb8;
	[tilespmem:$0x1DE00] =	vst v63  }
0xad: {  	_ =	swait.ge [sflag:s1], $0x2000  }
0xae: {  	[sflag:s1] =	ssyncset.done $0x0  }
0xaf: {  	[sflag:s1] =	ssyncadd.s32 $0xFFFFE000  }
0xb0: {  	_ =	swait.ge [sflag:s24], $0x2000  }
0xb1: {  	[sflag:s24] =	ssyncset.done $0x0  }
0xb2: {  	s7 =	simm.s32 $0x9F80;
	[sflag:s24] =	ssyncadd.s32 $0xFFFFE000  }
0xb3: {  	[spmem:s2] =	stream.indirect.scatter.add.f32 [tilespmem:s25], [sflag:$0x8], $0x40, s7, s18, $0xb8;
	[tilespmem:$0x1DE00] =	vst v63  }
0xb4: {  	_ =	swait.ge [sflag:s30], $0x2000  }
0xb5: {  	[sflag:s30] =	ssyncset.done $0x0  }
0xb6: {  	[sflag:s30] =	ssyncadd.s32 $0xFFFFE000  }
0xb7: {  	s6 =	stileid.u32;
	_ =	swait.ge [sflag:s0], $0x2000  }
0xb8: {  	s28 =	sadd.s32 $0x1, s28;
	s4 =	sshll.u32 s6, $0x6;
	[sflag:s0] =	ssyncset.done $0x0  }
0xb9: {  	p0 =	sne.s32 s28, s14;
	s4 =	sor.u32 $0x1C09, s4;
	[sflag:s0] =	ssyncadd.s32 $0xFFFFE000  }
.Ltmp1:
0xba: {  	s7 =	sshrl.u32 s5, $0x3;
	[bflag:$0x0] =	sbarrier.arrive $0xFFFF;
	(pc) =	sbr.rel @p0 .LBB2_1-.Ltmp1, $4  }
0xbb: {  	[hbm:s13], [sflag:s4] =	dma.local [spmem:s7], $0x13C0  }
0xbc: {  	_ =	swait.ge [sflag:s21], $0x13C0  }
0xbd: {  	[sflag:s21] =	ssyncset.done $0x0  }
0xbe: {  	[sflag:s21] =	ssyncadd.s32 $0xFFFFEC40  }
0xbf: {  	_ =	sfence.sel $0x180000  }
0xc0: {  	[bflag:$0x0] =	sbarrier.arrive $0xFFFF  }
0xc1: {  	_ =	strace $0x9000004D  }
0xc2: {  	s0 =	stileid.u32;
	[bflag:$0x2] =	sbarrier.arrive $0xFFFF  }
0xc3: {  	p0 =	sne.s32 s0, $0x0;
	s0 =	rddreg [dreg:$0x2]  }
0xc4: {  	s0 =	sadd.s32 @!p0 $0x100000, s0  }
0xc5: {  	[sflag:s0] =	ssyncadd.tile.s32 @!p0 $0x1;
	_ =	shalt  }
.Lfunc_end2:
_tile_overlayer_lowered:
.L_overlay_start_2:
0xc6: {  	(tag) =	ssettag $0x2  }
0xc7: {  	s0 =	rddreg [dreg:$0x0];
	s2 =	stileid.u32  }
0xc8: {  	s1 =	rddreg [dreg:$0x1];
	p0 =	sne.s32 s2, $0x0  }
0xc9: {  	s3 =	rddreg [dreg:$0x2];
	[bflag:$0x3] =	sbarrier.arrive $0xFFFF;
	s2 =	simm.s32 @!p0 $0x1C0A  }
0xca: {  	[timem:s3], [sflag:s2] =	dma.local @!p0 [hbm:s0], s1  }
0xcb: {  	s0 =	simm.s32 @!p0 $0xA  }
0xcc: {  	_ =	swait.ge @!p0 [sflag:s0], s1  }
0xcd: {  	s1 =	ssub.s32 @!p0 $0x0, s1;
	[sflag:s0] =	ssyncset.done @!p0 $0x0  }
0xce: {  	[sflag:s0] =	ssyncadd.s32 @!p0 s1  }
0xcf: {  	[bflag:$0x3] =	sbarrier.arrive $0xFFFF  }
0xd0: {  	_ =	shalt  }

// kernel: kernel.8.cloned.1.call-start
scs
__scs_entry_jumppad:
0x0: {  	(pc) =	sbr.rel $0x88, $3  }
0x1: {  	(tag) =	ssettag $0x0;
	lr =	simm.s32 $0x1  }
0x2: {  	[smem:$0x3F9B] =	sst lr;
	_ =	strace $0xD0000000  }
0x3: {  	_ = 	snop  }
0x4: {  	_ = 	snop  }
0x5: {  	_ = 	snop  }
0x6: {  	_ = 	snop  }
0x7: {  	_ = 	snop  }
__scs_overlays_trampoline_lowered:
0x8: {  	[smem:$0x3FAA] =	sst s0  }
0x9: {  	[smem:$0x3FAB] =	sst s1  }
0xa: {  	[smem:$0x3FAC] =	sst s2  }
0xb: {  	[smem:$0x3FAD] =	sst s3  }
0xc: {  	[smem:$0x3FAE] =	sst s4  }
0xd: {  	[smem:$0x3FAF] =	sst s5  }
0xe: {  	[smem:$0x3FB0] =	sst s6  }
0xf: {  	[smem:$0x3FB1] =	sst s7  }
0x10: {  	[smem:$0x3FB2] =	sst s8  }
0x11: {  	[smem:$0x3FB3] =	sst s9;
	s0 =	simm.s32 @!p0 $0x0  }
0x12: {  	s1 =	sld [smem:$0x3F99];
	s0 =	simm.s32 @p0 $0x1  }
0x13: {  	[smem:$0x3FB4] =	sst s0;
	s0 =	simm.s32 @!p1 $0x0  }
0x14: {  	s2 =	sld [smem:$0x3F98];
	s0 =	simm.s32 @p1 $0x1  }
0x15: {  	[smem:$0x3FB5] =	sst s0;
	s0 =	simm.s32 @!p2 $0x0  }
0x16: {  	s3 =	sld [smem:$0x3FDB];
	s0 =	simm.s32 @p2 $0x1  }
0x17: {  	s4 =	simm.s32 $0x1BF5;
	[smem:$0x3FB7] =	sst s0  }
0x18: {  	s0 =	sld [smem:$0x3F9A];
	_ =	swait.ge [sflag:s4], $0x0  }
0x19: {  	s7 =	sld [smem:$0x3F9B]  }
0x1a: {  	s8 =	sadd.s32 $0xFFFFE003, lr  }
0x1b: {  	s9 =	sadd.s32 $0xFFFFFEF7, lr;
	s5 =	simm.s32 $0xFFFFFFFF;
	p2 =	slt.u32 s8, $0xFFFFF086  }
0x1c: {  	p1 =	slt.u32 s9, $0xF7A;
	s5 =	simm.s32 @!p2 $0x0  }
0x1d: {  	s5 =	simm.s32 @p1 $0x1;
	p0 =	seq.s32 s7, s2  }
0x1e: {  	s7 =	smul.u32 @!p0 $0xF7A, s2;
	p2 =	seq.s32 @!p0 s5, $0x0  }
0x1f: {  	s9 =	smul.u32 $0xF7A, s1;
	s8 =	simm.s32 @!p0 $0x1BF5;
	p2 =	por !p2, p0  }
0x20: {  	[sflag:s8] =	ssyncset.s32 @!p0 $0xFFFFF086;
	s6 =	sadd.s32 @!p0 s3, s7;
	s7 =	simm.s32 @!p0 $0x108  }
0x21: {  	s3 =	sadd.s32 s3, s9;
	s6 =	sadd.s32 @!p0 $0x88, s6;
	s7 =	simm.s32 @p2 $0x1082  }
0x22: {  	[simem:s7], [sflag:s8] =	dma.local @!p0 [hbm:s6], $0xF7A  }
0x23: {  	s9 =	sor.u32 $0xD0000000, s2;
	s6 =	simm.s32 $0x108;
	_ =	swait.ge @!p0 [sflag:s8], $0x0  }
0x24: {  	s3 =	sadd.s32 $0x88, s3;
	s6 =	simm.s32 @!p1 $0x1082;
	[sflag:s4] =	ssyncset.s32 $0xFFFFF086  }
0x25: {  	[simem:s6], [sflag:s4] =	dma.local [hbm:s3], $0xF7A  }
0x26: {  	[smem:$0x3F9B] =	sst s1;
	(tag) =	ssettag s2;
	_ =	strace s9  }
0x27: {  	s1 =	sld [smem:$0x3FAB]  }
0x28: {  	s2 =	sld [smem:$0x3FAC]  }
0x29: {  	s4 =	sld [smem:$0x3FAE]  }
0x2a: {  	p0 =	seq.s32 s5, $0x0;
	s5 =	sld [smem:$0x3FAF]  }
0x2b: {  	s6 =	sld [smem:$0x3FB0]  }
0x2c: {  	s7 =	sld [smem:$0x3FB1]  }
0x2d: {  	s3 =	simm.s32 $0x108;
	s8 =	sld [smem:$0x3FB2]  }
0x2e: {  	s3 =	simm.s32 @!p0 $0x1082;
	s9 =	sld [smem:$0x3FB3]  }
0x2f: {  	lr =	sadd.s32 s0, s3;
	s0 =	sld [smem:$0x3FAA]  }
0x30: {  	s3 =	sld [smem:$0x3FAD]  }
0x31: {  	[smem:$0x3FB6] =	sst s10  }
0x32: {  	s10 =	sld [smem:$0x3FB4];
	_ =	sdelay $0x3  }
0x33: {  	p0 =	seq.s32 s10, $0x1;
	s10 =	sld [smem:$0x3FB6];
	_ =	sdelay $0x3  }
0x34: {  	[smem:$0x3FB6] =	sst s10  }
0x35: {  	s10 =	sld [smem:$0x3FB5];
	_ =	sdelay $0x3  }
0x36: {  	p1 =	seq.s32 s10, $0x1;
	s10 =	sld [smem:$0x3FB6];
	_ =	sdelay $0x3  }
0x37: {  	[smem:$0x3FB6] =	sst s10  }
0x38: {  	s10 =	sld [smem:$0x3FB7]  }
0x39: {  	_ = 	snop;
	(pc) =	sbr.ind lr, $3  }
0x3a: {  	_ = 	snop  }
0x3b: {  	_ = 	snop  }
0x3c: {  	p2 =	seq.s32 s10, $0x1;
	s10 =	sld [smem:$0x3FB6]  }
0x3d: {  	_ =	shalt  }
0x3e: {  	_ =	shalt  }
0x3f: {  	_ =	shalt  }
0x40: {  	_ =	shalt  }
0x41: {  	_ =	shalt  }
0x42: {  	_ =	shalt  }
0x43: {  	_ =	shalt  }
0x44: {  	_ =	shalt  }
0x45: {  	_ =	shalt  }
0x46: {  	_ =	shalt  }
0x47: {  	_ =	shalt  }
0x48: {  	_ =	shalt  }
0x49: {  	_ =	shalt  }
0x4a: {  	_ =	shalt  }
0x4b: {  	_ =	shalt  }
0x4c: {  	_ =	shalt  }
0x4d: {  	_ =	shalt  }
0x4e: {  	_ =	shalt  }
0x4f: {  	_ =	shalt  }
0x50: {  	_ =	shalt  }
0x51: {  	_ =	shalt  }
0x52: {  	_ =	shalt  }
0x53: {  	_ =	shalt  }
0x54: {  	_ =	shalt  }
0x55: {  	_ =	shalt  }
0x56: {  	_ =	shalt  }
0x57: {  	_ =	shalt  }
0x58: {  	_ =	shalt  }
0x59: {  	_ =	shalt  }
0x5a: {  	_ =	shalt  }
0x5b: {  	_ =	shalt  }
0x5c: {  	_ =	shalt  }
0x5d: {  	_ =	shalt  }
0x5e: {  	_ =	shalt  }
0x5f: {  	_ =	shalt  }
0x60: {  	_ =	shalt  }
0x61: {  	_ =	shalt  }
0x62: {  	_ =	shalt  }
0x63: {  	_ =	shalt  }
0x64: {  	_ =	shalt  }
0x65: {  	_ =	shalt  }
0x66: {  	_ =	shalt  }
0x67: {  	_ =	shalt  }
0x68: {  	_ =	shalt  }
0x69: {  	_ =	shalt  }
0x6a: {  	_ =	shalt  }
0x6b: {  	_ =	shalt  }
0x6c: {  	_ =	shalt  }
0x6d: {  	_ =	shalt  }
0x6e: {  	_ =	shalt  }
0x6f: {  	_ =	shalt  }
0x70: {  	_ =	shalt  }
0x71: {  	_ =	shalt  }
0x72: {  	_ =	shalt  }
0x73: {  	_ =	shalt  }
0x74: {  	_ =	shalt  }
0x75: {  	_ =	shalt  }
0x76: {  	_ =	shalt  }
0x77: {  	_ =	shalt  }
0x78: {  	_ =	shalt  }
0x79: {  	_ =	shalt  }
0x7a: {  	_ =	shalt  }
0x7b: {  	_ =	shalt  }
0x7c: {  	_ =	shalt  }
0x7d: {  	_ =	shalt  }
0x7e: {  	_ =	shalt  }
0x7f: {  	_ =	shalt  }
0x80: {  	_ =	shalt  }
0x81: {  	_ =	shalt  }
0x82: {  	_ =	shalt  }
0x83: {  	_ =	shalt  }
0x84: {  	_ =	shalt  }
0x85: {  	_ =	shalt  }
0x86: {  	_ =	shalt  }
0x87: {  	_ =	shalt  }
.Lfunc_end0:
.L_simem_size_0:
called_computation_lowered:
.L_overlay_start_0:
0x88: {  	s2 =	sld [smem:$0x3FD9]  }
0x89: {  	s3 =	sld [smem:$0x3FFE];
	_ =	sdelay $0x1  }
0x8a: {  	s1 =	srdreg.scid  }
0x8b: {  	s0 =	sand.u32 $0x1, s1  }
0x8c: {  	s17 =	sshll.u32 s0, $0xA;
	s2 =	sadd.s32 s3, s2  }
0x8d: {  	s2 =	sadd.s32 s2, s17  }
0x8e: {  	[smem:$0x3FC2] =	sst s2  }
0x8f: {  	_ = 	snop  }
0x90: {  	s2 =	sld [smem:$0x3FD0];
	(tm) =	ssettm $0x1  }
0x91: {  	s18 =	sld [smem:$0x3FFB];
	_ =	sdelay $0x3  }
0x92: {  	_ =	strace s18  }
0x93: {  	s3 =	sld [smem:$0x3FFC];
	_ =	sdelay $0x3  }
0x94: {  	_ =	strace s3  }
0x95: {  	s3 =	sld [smem:$0x3FFD];
	_ =	sdelay $0x3  }
0x96: {  	_ =	strace s3  }
0x97: {  	_ =	strace $0x8FFFFFFF  }
0x98: {  	s19 =	sld [smem:$0x3FDB];
	_ =	sdelay $0x1  }
0x99: {  	s4 =	simm.s32 $_scs_section_size  }
0x9a: {  	s5 =	simm.s32 $_size__tile_overlayer_lowered;
	s6 =	simm.s32 $_tile_overlayer_lowered  }
0x9b: {  	s22 =	simm.s32 $0x1BFF;
	s21 =	sshll.u32 s6, $0x1;
	s3 =	sadd.s32 s4, s19  }
0x9c: {  	s7 =	simm.s32 $0x0;
	s20 =	sshll.u32 s5, $0x1;
	s5 =	sadd.s32 s21, s3  }
0x9d: {  	[timem:s7], [sflag:s22] =	dma.local [hbm:s5], s20  }
0x9e: {  	_ =	swait.ge [sflag:s22], s20  }
0x9f: {  	s4 =	ssub.s32 $0x0, s20;
	[sflag:s22] =	ssyncset.done $0x0  }
0xa0: {  	[sflag:s22] =	ssyncadd.s32 s4;
	_ =	sdelay $0x1  }
0xa1: {  	s23 =	simm.s32 $0x1B8B  }
0xa2: {  	_ =	swait.ge [sflag:s23], $0x1  }
0xa3: {  	[sflag:s23] =	ssyncset.done $0x0  }
0xa4: {  	s25 =	simm.s32 $0x1B8E;
	s24 =	sld [smem:$0x3FFE];
	[sflag:s23] =	ssyncadd.s32 $0xFFFFFFFF  }
0xa5: {  	s26 =	simm.s32 $execute0_lowered;
	[smem:$0x3FD2] =	sst s25  }
0xa6: {  	s5 =	sshll.u32 s26, $0x1;
	_ =	strace $0x80000046;
	[dreg:$0x1] =	wrdreg $0xFFFFFFFF  }
0xa7: {  	s28 =	simm.s32 $_size_execute0_lowered;
	s3 =	sadd.s32 s3, s5;
	[dreg:$0x0] =	wrdreg $0x0  }
0xa8: {  	s5 =	sshll.u32 s28, $0x1;
	[dreg:$0x2] =	wrdreg s3  }
0xa9: {  	[dreg:$0x3] =	wrdreg s5  }
0xaa: {  	[dreg:$0x4] =	wrdreg $0xC0  }
0xab: {  	_ =	task [dreg:s7], $0x5FFFF  }
0xac: {  	[dreg:$0x1] =	wrdreg $0xFFFFFFFF  }
0xad: {  	[dreg:$0x0] =	wrdreg $0x60  }
0xae: {  	[dreg:$0x2] =	wrdreg s24  }
0xaf: {  	[dreg:$0x3] =	wrdreg s2  }
0xb0: {  	[dreg:$0x4] =	wrdreg $0x30000  }
0xb1: {  	[dreg:$0x5] =	wrdreg $0x9  }
0xb2: {  	_ =	task.clear_ibuf [dreg:s7], $0x6FFFF;
	_ =	strace $0x90000046  }
0xb3: {  	s29 =	simm.s32 $0x9;
	_ =	strace $0x80000048  }
0xb4: {  	_ =	swait.ge [sflag:s29], $0x1  }
0xb5: {  	[sflag:s29] =	ssyncadd.s32 $0xFFFFFFFF  }
0xb6: {  	_ =	strace $0x90000048  }
0xb7: {  	_ =	sfence  }
0xb8: {  	s30 =	sld [smem:$0x0];
	_ =	sdelay $0x2  }
0xb9: {  	s31 =	sshll.u32 s1, $0xD;
	s1 =	sshrl.u32 s1, $0x2  }
0xba: {  	s3 =	sand.u32 $0x4000, s31;
	s1 =	sadd.s32 s1, s30  }
0xbb: {  	s0 =	sor.u32 s3, s0;
	s1 =	sshll.u32 s1, $0x11  }
0xbc: {  	s0 =	sor.u32 s1, s0  }
0xbd: {  	s0 =	sadd.s32 $0x8F2B, s0  }
0xbe: {  	[sflag:s0] =	ssyncadd.remote.s32 $0x1  }
0xbf: {  	_ =	sfence.sel $0xFFFF  }
0xc0: {  	[dreg:$0x0] =	wrdreg $0xFFFFFFFF;
	(pc) =	sbr.abs _section_cstart, $3  }
0xc1: {  	[dreg:$0x1] =	wrdreg $0xFFFFFFFF  }
0xc2: {  	_ =	task.clear_ibuf [dreg:s7], $0x2FFFF;
	_ =	strace $0x9FFFFFFF  }
0xc3: {  	(tm) =	ssettm $0x7FFFFFFF  }
tec
execute0_lowered:
.L_overlay_start_1:
0x0: {  	(tag) =	ssettag $0x1  }
0x1: {  	s5 =	rddreg [dreg:$0x0]  }
0x2: {  	s12 =	rddreg [dreg:$0x1];
	s1 =	srdreg.scid  }
0x3: {  	s0 =	stileid.u32;
	s2 =	rddreg [dreg:$0x2]  }
0x4: {  	s3 =	simm.s32 $0x0;
	s16 =	simm.s32 $0x2800;
	s17 =	simm.s32 $0x80  }
0x5: {  	s18 =	simm.s32 $0x1;
	s21 =	simm.s32 $0x2;
	s22 =	simm.s32 $0x0  }
0x6: {  	s6 =	sand.u32 $0x1, s1;
	s1 =	rddreg [dreg:$0x3];
	s7 =	smul.u32 $0x4F00, s0  }
0x7: {  	s4 =	sshll.u32 s0, $0x1;
	[smem:$0x7FF] =	sst s3;
	s10 =	smul.u32 $0x13C0, s0  }
0x8: {  	s19 =	sshll.u32 s0, $0x6;
	s4 =	sor.u32 s6, s4;
	_ =	strace $0x80000047  }
0x9: {  	s8 =	ssub.s32 $0x2, s6;
	s14 =	smul.u32 $0x13C00, s6;
	s19 =	sor.u32 $0x1C02, s19  }
0xa: {  	s4 =	smul.u32 $0x500, s4;
	s7 =	sshrl.u32 s7, $0x2;
	s9 =	sshrl.u32 s8, $0x1  }
0xb: {  	s6 =	sadd.s32 s10, s2;
	s13 =	sadd.s32 s7, s2;
	s15 =	ssub.s32 s8, s9  }
0xc: {  	s14 =	sadd.s32 s10, s14;
	s20 =	sshrl.u32 s6, $0x3;
	s11 =	sadd.s32 s4, s5  }
0xd: {  	s4 =	sadd.s32 $0x17800, s5;
	s5 =	sadd.s32 $0x17600, s5;
	s7 =	sadd.s32 $0x400, s13  }
0xe: {  	s8 =	sadd.s32 $0x800, s13;
	s9 =	sadd.s32 $0xC00, s13;
	s10 =	sadd.s32 $0x1000, s13  }
0xf: {  	s31 =	sshrl.u32 s14, $0x3;
	s13 =	smax.u32 s15, $0x1;
	s14 =	simm.s32 $0x2C00  }
0x10: {  	s15 =	simm.s32 $0x3;
	s11 =	sadd.s32 $0xD600, s11;
	s12 =	sadd.s32 s12, s31  }
.LBB2_1:
0x11: {  	[tilespmem:s14], [sflag:$0x3] =	stream.linear.gather [hbm4b:s5+s3], $0x400, $0x38;
	[tilespmem:$0x43C0] =	vst v63  }
0x12: {  	_ =	swait.ge [sflag:s15], $0x400  }
0x13: {  	[sflag:s15] =	ssyncset.done $0x0  }
0x14: {  	[sflag:s15] =	ssyncadd.s32 $0xFFFFFC00  }
0x15: {  	[spmem:s6] =	stream.linear.scatter [tilespmem:s14], [sflag:$0x3], $0x400, $0x38;
	[tilespmem:$0x43C0] =	vst v63  }
0x16: {  	_ =	swait.ge [sflag:s15], $0x400  }
0x17: {  	[sflag:s15] =	ssyncset.done $0x0  }
0x18: {  	[sflag:s15] =	ssyncadd.s32 $0xFFFFFC00  }
0x19: {  	[spmem:s7] =	stream.linear.scatter [tilespmem:s14], [sflag:$0x3], $0x400, $0x38;
	[tilespmem:$0x43C0] =	vst v63  }
0x1a: {  	_ =	swait.ge [sflag:s15], $0x400  }
0x1b: {  	[sflag:s15] =	ssyncset.done $0x0  }
0x1c: {  	[sflag:s15] =	ssyncadd.s32 $0xFFFFFC00  }
0x1d: {  	[spmem:s8] =	stream.linear.scatter [tilespmem:s14], [sflag:$0x3], $0x400, $0x38;
	[tilespmem:$0x43C0] =	vst v63  }
0x1e: {  	_ =	swait.ge [sflag:s15], $0x400  }
0x1f: {  	[sflag:s15] =	ssyncset.done $0x0  }
0x20: {  	[sflag:s15] =	ssyncadd.s32 $0xFFFFFC00  }
0x21: {  	[spmem:s9] =	stream.linear.scatter [tilespmem:s14], [sflag:$0x3], $0x400, $0x38;
	[tilespmem:$0x43C0] =	vst v63  }
0x22: {  	_ =	swait.ge [sflag:s15], $0x400  }
0x23: {  	[sflag:s15] =	ssyncset.done $0x0  }
0x24: {  	[sflag:s15] =	ssyncadd.s32 $0xFFFFFC00  }
0x25: {  	[spmem:s10] =	stream.linear.scatter [tilespmem:s14], [sflag:$0x3], $0x3C0, $0x38;
	[tilespmem:$0x43C0] =	vst v63  }
0x26: {  	_ =	swait.ge [sflag:s15], $0x3C0  }
0x27: {  	[sflag:s15] =	ssyncset.done $0x0  }
0x28: {  	[sflag:s15] =	ssyncadd.s32 $0xFFFFFC40  }
0x29: {  	[tilespmem:s16], [sflag:$0x3] =	stream.linear.gather [hbm4b:s4+s3], $0x400, $0x38;
	[tilespmem:$0x43C0] =	vst v63  }
0x2a: {  	_ =	swait.ge [sflag:s15], $0x400  }
0x2b: {  	[sflag:s15] =	ssyncset.done $0x0  }
0x2c: {  	[sflag:s15] =	ssyncadd.s32 $0xFFFFFC00  }
0x2d: {  	[tilespmem:s3], [sflag:$0x3] =	stream.linear.gather [hbm4b:s11+s3], $0x2800, $0x38;
	[tilespmem:$0x43C0] =	vst v63  }
0x2e: {  	_ =	swait.ge [sflag:s15], $0x2800  }
0x2f: {  	[sflag:s15] =	ssyncset.done $0x0  }
0x30: {  	[sflag:s15] =	ssyncadd.s32 $0xFFFFD800  }
0x31: {  	s23 =	simm.s32 $0x0;
	[bflag:$0x0] =	sbarrier.arrive $0xFFFF  }
0x32: {  	[spmem:s2] =	stream.indirect.scatter.add.f32 [tilespmem:s16], [sflag:$0x1], $0x8, s23, s17, $0xb8;
	[tilespmem:$0x43C0] =	vst v63  }
0x33: {  	_ =	swait.ge [sflag:s18], $0x400  }
0x34: {  	s23 =	simm.s32 $0x200;
	[sflag:s18] =	ssyncset.done $0x0  }
.LBB2_2:
0x35: {  	s24 =	sshra.s32 s23, $0x2;
	[sflag:s18] =	ssyncadd.s32 $0xFFFFFC00;
	p0 =	sne.s32 s23, $0x9E00  }
0x36: {  	[spmem:s2] =	stream.indirect.scatter.add.f32 [tilespmem:s16], [sflag:$0x1], $0x8, s24, s17, $0xb8;
	[tilespmem:$0x43C0] =	vst v63  }
.Ltmp0:
0x37: {  	_ = 	snop;
	(pc) =	sbr.rel @p0 .LBB2_2-.Ltmp0, $4  }
0x38: {  	_ = 	snop  }
0x39: {  	s23 =	sadd.s32 $0x200, s23  }
0x3a: {  	_ =	swait.ge [sflag:s18], $0x400  }
0x3b: {  	[sflag:s18] =	ssyncset.done $0x0  }
0x3c: {  	s22 =	sadd.s32 $0x1, s22  }
0x3d: {  	[sflag:s18] =	ssyncadd.s32 $0xFFFFFC00;
	p0 =	sne.s32 s22, s13  }
.Ltmp1:
0x3e: {  	[bflag:$0x0] =	sbarrier.arrive $0xFFFF;
	(pc) =	sbr.rel @p0 .LBB2_1-.Ltmp1, $4  }
0x3f: {  	[hbm:s12], [sflag:s19] =	dma.local [spmem:s20], $0x278  }
0x40: {  	_ =	swait.ge [sflag:s21], $0x278  }
0x41: {  	[sflag:s21] =	ssyncset.done $0x0  }
0x42: {  	[sflag:s21] =	ssyncadd.s32 $0xFFFFFD88  }
0x43: {  	_ =	sfence.sel $0x180000  }
0x44: {  	[bflag:$0x0] =	sbarrier.arrive $0xFFFF  }
0x45: {  	p0 =	sne.s32 s0, $0x0;
	_ =	strace $0x90000047  }
0x46: {  	s0 =	sadd.s32 @!p0 $0x100000, s1;
	[bflag:$0x2] =	sbarrier.arrive $0xFFFF  }
0x47: {  	[sflag:s0] =	ssyncadd.tile.s32 @!p0 $0x1;
	_ =	shalt  }
.Lfunc_end2:
_tile_overlayer_lowered:
.L_overlay_start_2:
0x48: {  	(tag) =	ssettag $0x2  }
0x49: {  	s0 =	rddreg [dreg:$0x0];
	s2 =	stileid.u32  }
0x4a: {  	s1 =	rddreg [dreg:$0x1];
	p0 =	sne.s32 s2, $0x0  }
0x4b: {  	s3 =	rddreg [dreg:$0x2];
	[bflag:$0x3] =	sbarrier.arrive $0xFFFF;
	s2 =	simm.s32 @!p0 $0x1C03  }
0x4c: {  	[timem:s3], [sflag:s2] =	dma.local @!p0 [hbm:s0], s1  }
0x4d: {  	s0 =	simm.s32 @!p0 $0x3  }
0x4e: {  	_ =	swait.ge @!p0 [sflag:s0], s1  }
0x4f: {  	s1 =	ssub.s32 @!p0 $0x0, s1;
	[sflag:s0] =	ssyncset.done @!p0 $0x0  }
0x50: {  	[sflag:s0] =	ssyncadd.s32 @!p0 s1  }
0x51: {  	[bflag:$0x3] =	sbarrier.arrive $0xFFFF  }
0x52: {  	_ =	shalt  }

</sc_bundles>
